<compile_context>
chip_gen: v7x
topology: tpu7x:2x2x1
jax: 0.10.2.dev20260603
libtpu: 0.0.44.dev20260713+nightly
codegen_flags: <defaults>
</compile_context>

<pallas_src>
import dataclasses
import functools

import jax
import jax.numpy as jnp
from jax import lax
from jax.experimental import pallas as pl
from jax.experimental.pallas import tpu as pltpu
from jax.experimental.pallas import tpu_sc as plsc

B = 1024
FDIM = 128
NUM_CLS = 100000
SAMP = 8192
NNBR = 10
PAD_CLS = 100352
ROWS = PAD_CLS // 128
NBLK = 50
BK = NUM_CLS // NBLK
CHUNK = PAD_CLS // 32
NEG = float(jnp.finfo(jnp.float32).min)

@functools.lru_cache(maxsize=None)
def _vmesh():
    return plsc.VectorSubcoreMesh(core_axis_name="c", subcore_axis_name="s")


@functools.lru_cache(maxsize=None)
def _sc_params():
    cp = pltpu.CompilerParams()
    if "needs_layout_passes" in pltpu.CompilerParams.__dataclass_fields__:
        cp = dataclasses.replace(cp, needs_layout_passes=False)
    return cp


BKA = 2048
NBLKA = PAD_CLS // BKA
SEGS_PER_BLK = BKA // 128
NCAND = NNBR * 128


def _scores_body(feat_ref, w_ref, sc_ref, gm_ref, fn_s):
    i = pl.program_id(0)

    @pl.when(i == 0)
    def _init():
        f = feat_ref[...]
        nrm = jnp.sqrt(jnp.sum(f * f, axis=1, keepdims=True)) + 1e-12
        fn_s[...] = f / nrm

    w = w_ref[...]
    wn = w / (jnp.sqrt(jnp.sum(w * w, axis=1, keepdims=True)) + 1e-12)
    s = lax.dot_general(fn_s[...], wn, (((1,), (1,)), ((), ())),
                        preferred_element_type=jnp.float32)

    @pl.when(i < NBLKA - 1)
    def _plain():
        sc_ref[...] = s
        gm_ref[...] = jnp.max(s.reshape(B, SEGS_PER_BLK, 128),
                              axis=2).reshape(1, B, SEGS_PER_BLK)

    @pl.when(i == NBLKA - 1)
    def _masked():
        gcol = lax.broadcasted_iota(jnp.int32, (B, BKA), 1) + i * BKA
        sm = jnp.where(gcol < NUM_CLS, s, NEG)
        sc_ref[...] = sm
        gm_ref[...] = jnp.max(sm.reshape(B, SEGS_PER_BLK, 128),
                              axis=2).reshape(1, B, SEGS_PER_BLK)


def _run_scores(features, Wp):
    return pl.pallas_call(
        _scores_body,
        grid=(NBLKA,),
        in_specs=[
            pl.BlockSpec((B, FDIM), lambda i: (0, 0)),
            pl.BlockSpec((BKA, FDIM), lambda i: (i, 0)),
        ],
        out_specs=[
            pl.BlockSpec((B, BKA), lambda i: (0, i)),
            pl.BlockSpec((1, B, SEGS_PER_BLK), lambda i: (i, 0, 0)),
        ],
        out_shape=[jax.ShapeDtypeStruct((B, PAD_CLS), jnp.float32),
                   jax.ShapeDtypeStruct((NBLKA, B, SEGS_PER_BLK),
                                        jnp.float32)],
        scratch_shapes=[pltpu.VMEM((B, FDIM), jnp.float32)],
    )(features, Wp)


def _segtop_body(gm_ref, flat_ref, seg_ref):
    gm = gm_ref[...]
    colio = lax.broadcasted_iota(jnp.int32, (B, ROWS), 1)
    segs = []
    for _ in range(NNBR):
        m = jnp.max(gm, axis=1, keepdims=True)
        sid = jnp.min(jnp.where(gm == m, colio, ROWS), axis=1, keepdims=True)
        gm = jnp.where(colio == sid, NEG, gm)
        segs.append(sid)
    seg = jnp.concatenate(segs + [jnp.zeros((B, 6), jnp.int32)], axis=1)
    seg_ref[...] = seg
    rowio = lax.broadcasted_iota(jnp.int32, (B, 16), 0)
    lane16 = lax.broadcasted_iota(jnp.int32, (B, 16), 1)
    flat_ref[...] = jnp.where(lane16 < NNBR, rowio * ROWS + seg, 0)


def _run_segtop(gm):
    return pl.pallas_call(
        _segtop_body,
        out_shape=[jax.ShapeDtypeStruct((B, 16), jnp.int32),
                   jax.ShapeDtypeStruct((B, 16), jnp.int32)],
    )(gm)


@functools.lru_cache(maxsize=None)
def _gather_cand_kernel():
    n_per = B * NNBR // 32

    @functools.partial(
        pl.kernel,
        mesh=_vmesh(),
        out_type=jax.ShapeDtypeStruct((B * NNBR, 128), jnp.float32),
        scratch_types=[pltpu.VMEM((n_per,), jnp.int32),
                       pltpu.VMEM((n_per, 128), jnp.float32),
                       pltpu.SemaphoreType.DMA],
    )
    def gather_cand(flat_hbm, table_hbm, out_hbm, idx_v, rows_v, sem):
        wid = lax.axis_index("s") * 2 + lax.axis_index("c")
        base = wid * n_per
        pltpu.sync_copy(flat_hbm.at[pl.ds(base, n_per)], idx_v)
        pltpu.async_copy(table_hbm.at[idx_v], rows_v, sem).wait()
        pltpu.sync_copy(rows_v, out_hbm.at[pl.ds(base, n_per)])

    return gather_cand


def _cand_body(cand_ref, seg_ref, gm_ref, ids_ref, flag_ref):
    s = cand_ref[...]
    colio = lax.broadcasted_iota(jnp.int32, (B, NCAND), 1)
    seg = seg_ref[...]
    l16 = lax.broadcasted_iota(jnp.int32, (B, 16), 1)
    ids = []
    lastm = None
    for _ in range(NNBR):
        m = jnp.max(s, axis=1, keepdims=True)
        c = jnp.min(jnp.where(s == m, colio, NCAND), axis=1, keepdims=True)
        s = jnp.where(colio == c, NEG, s)
        r = c // 128
        w = c - r * 128
        segsel = jnp.sum(jnp.where(l16 == r, seg, 0), axis=1, keepdims=True)
        ids.append(segsel * 128 + w)
        lastm = m
    ids_ref[...] = jnp.concatenate(
        ids + [jnp.zeros((B, 128 - NNBR), jnp.int32)], axis=1)
    gm = gm_ref[...]
    cnt = jnp.sum((gm >= lastm).astype(jnp.int32), axis=1)
    flag_ref[...] = jnp.reshape(jnp.sum((cnt > NNBR).astype(jnp.int32)),
                                (1, 1))


def _run_cand(cand, seg, gm):
    return pl.pallas_call(
        _cand_body,
        out_shape=[jax.ShapeDtypeStruct((B, 128), jnp.int32),
                   jax.ShapeDtypeStruct((1, 1), jnp.int32)],
    )(cand, seg, gm)


NCORE = 2
IBLK = NBLK // NCORE


def _topk_body(feat_ref, w_ref, outv_ref, outi_ref, fn_s, runv_s, runi_s):
    o = pl.program_id(0)
    i = pl.program_id(1)

    @pl.when(i == 0)
    def _init():
        f = feat_ref[...]
        nrm = jnp.sqrt(jnp.sum(f * f, axis=1, keepdims=True)) + 1e-12
        fn_s[...] = f / nrm
        runv_s[...] = jnp.full((B, 16), NEG, jnp.float32)
        runi_s[...] = jnp.zeros((B, 16), jnp.int32)

    w = w_ref[...]
    wn = w / (jnp.sqrt(jnp.sum(w * w, axis=1, keepdims=True)) + 1e-12)
    s = lax.dot_general(fn_s[...], wn, (((1,), (1,)), ((), ())),
                        preferred_element_type=jnp.float32)

    colio = lax.broadcasted_iota(jnp.int32, (B, BK), 1)
    lane16 = lax.broadcasted_iota(jnp.int32, (B, 16), 1)
    blk = o * IBLK + i
    for _ in range(NNBR):
        m = jnp.max(s, axis=1, keepdims=True)
        idx = jnp.min(jnp.where(s == m, colio, BK), axis=1, keepdims=True)
        s = jnp.where(colio == idx, NEG, s)
        gid = idx + blk * BK
        rv = runv_s[...]
        ri = runi_s[...]
        do = m > rv[:, 9:10]
        pos = jnp.sum((rv >= m).astype(jnp.int32), axis=1, keepdims=True)
        rv_shift = jnp.concatenate(
            [jnp.full((B, 1), NEG, jnp.float32), rv[:, :15]], axis=1)
        ri_shift = jnp.concatenate(
            [jnp.zeros((B, 1), jnp.int32), ri[:, :15]], axis=1)
        nrv = jnp.where(lane16 < pos, rv,
                        jnp.where(lane16 == pos, m, rv_shift))
        nri = jnp.where(lane16 < pos, ri,
                        jnp.where(lane16 == pos, gid, ri_shift))
        runv_s[...] = jnp.where(do, nrv, rv)
        runi_s[...] = jnp.where(do, nri, ri)

    @pl.when(i == IBLK - 1)
    def _emit():
        outv_ref[...] = runv_s[...].reshape(1, B, 16)
        outi_ref[...] = runi_s[...].reshape(1, B, 16)


def _run_topk(features, W):
    return pl.pallas_call(
        _topk_body,
        grid=(NCORE, IBLK),
        in_specs=[
            pl.BlockSpec((B, FDIM), lambda o, i: (0, 0)),
            pl.BlockSpec((BK, FDIM), lambda o, i: (o * IBLK + i, 0)),
        ],
        out_specs=[
            pl.BlockSpec((1, B, 16), lambda o, i: (o, 0, 0)),
            pl.BlockSpec((1, B, 16), lambda o, i: (o, 0, 0)),
        ],
        out_shape=[jax.ShapeDtypeStruct((NCORE, B, 16), jnp.float32),
                   jax.ShapeDtypeStruct((NCORE, B, 16), jnp.int32)],
        scratch_shapes=[
            pltpu.VMEM((B, FDIM), jnp.float32),
            pltpu.VMEM((B, 16), jnp.float32),
            pltpu.VMEM((B, 16), jnp.int32),
        ],
        compiler_params=pltpu.CompilerParams(
            dimension_semantics=("parallel", "arbitrary")),
    )(features, W)


def _merge_body(v_ref, i_ref, out_ref):
    catv = jnp.concatenate([v_ref[0], v_ref[1]], axis=1)
    cati = jnp.concatenate([i_ref[0], i_ref[1]], axis=1)
    cio = lax.broadcasted_iota(jnp.int32, (B, 32), 1)
    ni = []
    for _ in range(NNBR):
        m = jnp.max(catv, axis=1, keepdims=True)
        c = jnp.min(jnp.where(catv == m, cio, 32), axis=1, keepdims=True)
        hit = cio == c
        ni.append(jnp.sum(jnp.where(hit, cati, 0), axis=1, keepdims=True))
        catv = jnp.where(hit, NEG, catv)
    out_ref[...] = jnp.concatenate(
        ni + [jnp.zeros((B, 128 - NNBR), jnp.int32)], axis=1)


def _run_merge(vals, ids):
    return pl.pallas_call(
        _merge_body,
        out_shape=jax.ShapeDtypeStruct((B, 128), jnp.int32),
    )(vals, ids)


@functools.lru_cache(maxsize=None)
def _scatter_masks_kernel():
    return functools.partial(
        pl.kernel,
        mesh=_vmesh(),
        out_type=(jax.ShapeDtypeStruct((PAD_CLS,), jnp.float32),
                  jax.ShapeDtypeStruct((PAD_CLS,), jnp.float32)),
        scratch_types=[pltpu.VMEM((PAD_CLS,), jnp.float32),
                       pltpu.VMEM((B * NNBR,), jnp.int32)],
        compiler_params=_sc_params(),
    )(_scatter_masks_body)


def _scatter_masks_body(zer_hbm, nbr_hbm, lab_hbm, ma_hbm, mb_hbm, mask_v,
                        idx_v):
    cid = lax.axis_index("c")
    sid = lax.axis_index("s")
    ones16 = jnp.ones((16,), jnp.float32)

    @pl.when(jnp.logical_and(cid == 0, sid == 0))
    def _nbr_mask():
        pltpu.sync_copy(zer_hbm, mask_v)
        pltpu.sync_copy(nbr_hbm, idx_v)

        @pl.loop(0, B * NNBR, step=16)
        def _(j):
            plsc.store_scatter(mask_v, [idx_v[pl.ds(j, 16)]], ones16)

        pltpu.sync_copy(mask_v, ma_hbm)

    @pl.when(jnp.logical_and(cid == 1, sid == 0))
    def _lab_mask():
        pltpu.sync_copy(zer_hbm, mask_v)
        pltpu.sync_copy(lab_hbm, idx_v.at[pl.ds(0, B)])

        @pl.loop(0, B, step=16)
        def _(j):
            plsc.store_scatter(mask_v, [idx_v[pl.ds(j, 16)]], ones16)

        pltpu.sync_copy(mask_v, mb_hbm)


def _positions_body(ma_ref, mb_ref, pos_ref, val_ref, c2x_ref):
    m2 = mb_ref[...]
    m1 = ma_ref[...] * (1.0 - m2)
    r = lax.broadcasted_iota(jnp.int32, (128, 128), 0)
    c = lax.broadcasted_iota(jnp.int32, (128, 128), 1)
    upper = (r < c).astype(jnp.float32)
    rr = lax.broadcasted_iota(jnp.int32, (ROWS, ROWS), 0)
    cc = lax.broadcasted_iota(jnp.int32, (ROWS, ROWS), 1)
    lower = (cc < rr).astype(jnp.float32)

    def xcum(m):
        pre = lax.dot_general(m, upper, (((1,), (0,)), ((), ())),
                              preferred_element_type=jnp.float32)
        rs = jnp.sum(m, axis=1, keepdims=True)
        off = lax.dot_general(lower, rs, (((1,), (0,)), ((), ())),
                              preferred_element_type=jnp.float32)
        return pre + off

    c2 = xcum(m2)
    c1 = xcum(m1)
    n2 = jnp.sum(m2)
    n1 = jnp.sum(m1)
    ii = (lax.broadcasted_iota(jnp.int32, (ROWS, 128), 0) * 128
          + lax.broadcasted_iota(jnp.int32, (ROWS, 128), 1)).astype(jnp.float32)
    pos = jnp.where(m2 > 0.5, c2,
                    jnp.where(m1 > 0.5, n2 + c1, n2 + n1 + (ii - c2 - c1)))
    valid = jnp.logical_and(ii < float(NUM_CLS), pos < float(SAMP))
    pos_ref[...] = pos.astype(jnp.int32)
    val_ref[...] = valid.astype(jnp.int32)
    c2x_ref[...] = c2.astype(jnp.int32)


def _run_positions(maskA, maskB):
    return pl.pallas_call(
        _positions_body,
        out_shape=(jax.ShapeDtypeStruct((ROWS, 128), jnp.int32),
                   jax.ShapeDtypeStruct((ROWS, 128), jnp.int32),
                   jax.ShapeDtypeStruct((ROWS, 128), jnp.int32)),
    )(maskA.reshape(ROWS, 128), maskB.reshape(ROWS, 128))


SAMP_PAD = SAMP + 128


@functools.lru_cache(maxsize=None)
def _compact_and_ranks_kernel():
    return functools.partial(
        pl.kernel,
        mesh=_vmesh(),
        out_type=(jax.ShapeDtypeStruct((32, SAMP_PAD), jnp.int32),
                  jax.ShapeDtypeStruct((B,), jnp.int32)),
        scratch_types=[pltpu.VMEM((SAMP_PAD,), jnp.int32),
                       pltpu.VMEM((CHUNK,), jnp.int32),
                       pltpu.VMEM((CHUNK,), jnp.int32),
                       pltpu.VMEM((PAD_CLS,), jnp.int32),
                       pltpu.VMEM((B,), jnp.int32),
                       pltpu.VMEM((B,), jnp.int32)],
        compiler_params=_sc_params(),
    )(_compact_and_ranks_body)


def _compact_and_ranks_body(pos_hbm, val_hbm, c2x_hbm, lab_hbm, selp_hbm,
                            idxs_hbm, sel_v, chp_v, chv_v, c2x_v, lab_v,
                            out_v):
    cid = lax.axis_index("c")
    sid = lax.axis_index("s")
    wid = sid * 2 + cid
    base = wid * CHUNK

    @pl.loop(0, SAMP_PAD, step=16)
    def _(j):
        sel_v[pl.ds(j, 16)] = jnp.zeros((16,), jnp.int32)

    pltpu.sync_copy(pos_hbm.at[pl.ds(base, CHUNK)], chp_v)
    pltpu.sync_copy(val_hbm.at[pl.ds(base, CHUNK)], chv_v)

    @pl.loop(0, CHUNK, step=16)
    def _(k):
        p = jnp.minimum(chp_v[pl.ds(k, 16)], SAMP)
        ok = chv_v[pl.ds(k, 16)] > 0
        gid = base + k + 1 + lax.broadcasted_iota(jnp.int32, (16,), 0)
        plsc.store_scatter(sel_v, [p], gid, mask=ok)

    pltpu.sync_copy(sel_v, selp_hbm.at[wid])

    @pl.when(jnp.logical_and(cid == 1, sid == 0))
    def _ranks():
        pltpu.sync_copy(c2x_hbm, c2x_v)
        pltpu.sync_copy(lab_hbm, lab_v)

        @pl.loop(0, B, step=16)
        def _(k):
            out_v[pl.ds(k, 16)] = plsc.load_gather(
                c2x_v, [lab_v[pl.ds(k, 16)]])

        pltpu.sync_copy(out_v, idxs_hbm)


def _selmerge_body(in_ref, out_ref):
    x = in_ref[...]
    out_ref[...] = jnp.sum(x[:, :SAMP // 128, :], axis=0) - 1


def _run_selmerge(selp):
    return pl.pallas_call(
        _selmerge_body,
        out_shape=jax.ShapeDtypeStruct((SAMP // 128, 128), jnp.int32),
    )(selp.reshape(32, SAMP_PAD // 128, 128))


@functools.lru_cache(maxsize=None)
def _gather_rows_kernel():
    return functools.partial(
        pl.kernel,
        mesh=_vmesh(),
        out_type=jax.ShapeDtypeStruct((SAMP, FDIM), jnp.float32),
        scratch_types=[pltpu.VMEM((SAMP // 32,), jnp.int32),
                       pltpu.VMEM((SAMP // 32, FDIM), jnp.float32),
                       pltpu.SemaphoreType.DMA],
    )(_gather_rows_body)


def _gather_rows_body(sel_hbm, w_hbm, out_hbm, idx_v, rows_v, sem):
    wid = lax.axis_index("s") * 2 + lax.axis_index("c")
    base = wid * (SAMP // 32)
    pltpu.sync_copy(sel_hbm.at[pl.ds(base, SAMP // 32)], idx_v)
    pltpu.async_copy(w_hbm.at[idx_v], rows_v, sem).wait()
    pltpu.sync_copy(rows_v, out_hbm.at[pl.ds(base, SAMP // 32)])


def kernel(features, labels, W):
    scores, gm3 = _run_scores(features, W)
    gm = jnp.transpose(gm3, (1, 0, 2)).reshape(B, ROWS)
    flat, seg = _run_segtop(gm)
    cand = _gather_cand_kernel()(flat[:, :NNBR].reshape(-1),
                                 scores.reshape(-1, 128))
    ids_fast, flag = _run_cand(cand.reshape(B, NCAND), seg, gm)

    def _slow():
        vals, ids = _run_topk(features, W)
        return _run_merge(vals, ids)

    nbr_pad = lax.cond(flag[0, 0] == 0, lambda: ids_fast, _slow)
    nbrs = nbr_pad[:, :NNBR].reshape(-1)
    zer = jnp.zeros((PAD_CLS,), jnp.float32)
    maskA, maskB = _scatter_masks_kernel()(zer, nbrs, labels)
    pos, valid, c2x = _run_positions(maskA, maskB)
    selp, idxs = _compact_and_ranks_kernel()(pos.reshape(-1),
                                             valid.reshape(-1),
                                             c2x.reshape(-1), labels)
    sel = _run_selmerge(selp).reshape(-1)
    weights = _gather_rows_kernel()(sel, W)
    bias = jnp.zeros((SAMP,), jnp.float32)
    return weights, bias, idxs

# --- scband reference (transcript-rebuilt; emitter-appended) ---
"""Pipeline reference for scband-hfsampler-57681410785770 (READ-ONLY COPY).

The authoritative reference and input builder live on the scoring server;
editing this copy changes nothing except your own understanding.
"""

import jax, jax.numpy as jnp
import numpy as np

B = 1024
FDIM = 128
NUM_OUTPUT = 100000
SAMPLE_NUM = 8192
N_NBR = 10

def setup_inputs(seed: int = 0) -> dict:
    key = jax.random.key(seed)
    k1, k2, k3 = jax.random.split(key, 3)
    features = jax.random.normal(k1, (B, FDIM), dtype=jnp.float32)
    labels = jax.random.randint(k2, (B,), 0, NUM_OUTPUT, dtype=jnp.int32)
    # parameter-server weight matrix (ParameterClient.add_matrix([num_output, fdim]))
    W = jax.random.normal(k3, (NUM_OUTPUT, FDIM), dtype=jnp.float32) * 0.02
    return {"features": features, "labels": labels, "W": W}

def reference(features, labels, W):
    # HFSampler.forward (training path), with Annoy ANN replaced by exact
    # angular (cosine) top-k against the full class-weight matrix, and the
    # stochastic set-difference/shuffle replaced by a deterministic
    # priority-based selection of exactly sample_num classes.
    fn = features / (jnp.linalg.norm(features, axis=1, keepdims=True) + 1e-12)
    Wn = W / (jnp.linalg.norm(W, axis=1, keepdims=True) + 1e-12)
    scores = fn @ Wn.T                              # [B, num_output]
    _, nbrs = jax.lax.top_k(scores, N_NBR)          # approx anns.get_nns_by_vector
    nbrs = nbrs.reshape(-1)
    # priority: 2 = positive label class, 1 = ANN negative candidate, 0 = other
    pri = jnp.zeros((NUM_OUTPUT,), dtype=jnp.float32)
    pri = pri.at[nbrs].set(1.0)
    pri = pri.at[labels].set(2.0)
    # deterministic tiebreak (lower class id first within a priority band)
    keymat = pri * float(NUM_OUTPUT) - jnp.arange(NUM_OUTPUT, dtype=jnp.float32)
    _, selected_cls = jax.lax.top_k(keymat, SAMPLE_NUM)  # rows fetched from client
    weights = jnp.take(W, selected_cls, axis=0)          # client.get_value_by_rows
    bias = jnp.zeros((SAMPLE_NUM,), dtype=jnp.float32)   # bias=False branch
    # idxs: position of each example's label inside the selected class list
    idxs = jnp.argmax(selected_cls[None, :] == labels[:, None], axis=1).astype(jnp.int32)
    return weights, bias, idxs

if False:  # reference __main__ guard neutralized (emitter)
    out = reference(**setup_inputs())
    print([o.shape for o in out])

if __name__ == "__main__":
    import jax
    _d = setup_inputs()
    print(jax.jit(kernel)(*tuple(_d.values())))

</pallas_src>

<mosaic_0001>
#map = affine_map<(d0, d1) -> (0)>
#map1 = affine_map<(d0, d1) -> (0, 0)>
module attributes {stable_mosaic.version = 14 : i64} {
  func.func @_gather_rows_body(%arg0: i32, %arg1: i32, %arg2: memref<8192xi32, #tpu.memory_space<hbm>>, %arg3: memref<100000x128xf32, #tpu.memory_space<hbm>>, %arg4: memref<8192x128xf32, #tpu.memory_space<hbm>>, %arg5: memref<256xi32, #tpu.memory_space<vmem>>, %arg6: memref<256x128xf32, #tpu.memory_space<vmem>>, %arg7: memref<!tpu.dma_semaphore, #tpu.memory_space<semaphore_mem>>) attributes {dimension_semantics = [#tpu.dimension_semantics<core_parallel>, #tpu.dimension_semantics<subcore_parallel>], iteration_bounds = array<i64: 2, 16>, scalar_prefetch = 0 : i64, scratch_operands = 3 : i64, tpu.core_type = #tpu.core_type<sc_vector_subcore>, window_params = [{transform_indices = #map}, {transform_indices = #map1}, {transform_indices = #map1}]} {
    %mul3A = arith.constant 2 : i32
    %mul3A_0 = arith.muli %arg1, %mul3A : i32
    %add3A = arith.addi %mul3A_0, %arg0 : i32
    %mul3A_1 = arith.constant 256 : i32
    %mul3A_2 = arith.muli %add3A, %mul3A_1 : i32
    "tpu.region"() ({
      %run_scoped3A = tpu.sem_alloc : memref<!tpu.dma_semaphore, #tpu.memory_space<semaphore_mem>>
      %dma_start3A_7 = tpu.memref_slice %arg2[%mul3A_2] : memref<8192xi32, #tpu.memory_space<hbm>> -> memref<256xi32, #tpu.memory_space<hbm>>
      %dma_start3A_8 = tpu.memref_slice %arg2[%mul3A_2] : memref<8192xi32, #tpu.memory_space<hbm>> -> memref<256xi32, #tpu.memory_space<hbm>>
      tpu.enqueue_dma source(%dma_start3A_8 : memref<256xi32, #tpu.memory_space<hbm>>) target(%arg5 : memref<256xi32, #tpu.memory_space<vmem>>) target_semaphore(%run_scoped3A : memref<!tpu.dma_semaphore, #tpu.memory_space<semaphore_mem>>)
      %dma_wait3A_9 = tpu.memref_slice %arg2[%mul3A_2] : memref<8192xi32, #tpu.memory_space<hbm>> -> memref<256xi32, #tpu.memory_space<hbm>>
      %dma_wait3A_10 = tpu.memref_slice %arg2[%mul3A_2] : memref<8192xi32, #tpu.memory_space<hbm>> -> memref<256xi32, #tpu.memory_space<hbm>>
      tpu.wait_dma2 semaphore(%run_scoped3A : memref<!tpu.dma_semaphore, #tpu.memory_space<semaphore_mem>>) src(%dma_wait3A_10 : memref<256xi32, #tpu.memory_space<hbm>>) dst(%arg5 : memref<256xi32, #tpu.memory_space<vmem>>)
      tpu.yield
    }) : () -> ()
    %dma_start3A = arith.constant 0 : i32
    %dma_start3A_3 = arith.constant 0 : i32
    %dma_start3A_4 = tpu.memref_slice %arg3[%dma_start3A, %dma_start3A_3] : memref<100000x128xf32, #tpu.memory_space<hbm>> -> memref<100000x128xf32, #tpu.memory_space<hbm>>
    tpu.enqueue_indirect_dma source(%dma_start3A_4 : memref<100000x128xf32, #tpu.memory_space<hbm>>) target(%arg6 : memref<256x128xf32, #tpu.memory_space<vmem>>) offsets(%arg5 : memref<256xi32, #tpu.memory_space<vmem>>) semaphore(%arg7 : memref<!tpu.dma_semaphore, #tpu.memory_space<semaphore_mem>>)
    %dma_wait3A = arith.constant 0 : i32
    %dma_wait3A_5 = arith.constant 0 : i32
    %dma_wait3A_6 = tpu.memref_slice %arg3[%dma_wait3A, %dma_wait3A_5] : memref<100000x128xf32, #tpu.memory_space<hbm>> -> memref<100000x128xf32, #tpu.memory_space<hbm>>
    tpu.wait_indirect_dma semaphore(%arg7 : memref<!tpu.dma_semaphore, #tpu.memory_space<semaphore_mem>>) src(%dma_wait3A_6 : memref<100000x128xf32, #tpu.memory_space<hbm>>) dst(%arg6 : memref<256x128xf32, #tpu.memory_space<vmem>>)
    "tpu.region"() ({
      %run_scoped3A = tpu.sem_alloc : memref<!tpu.dma_semaphore, #tpu.memory_space<semaphore_mem>>
      %dma_start3A_7 = arith.constant 0 : i32
      %dma_start3A_8 = tpu.memref_slice %arg4[%mul3A_2, %dma_start3A_7] : memref<8192x128xf32, #tpu.memory_space<hbm>> -> memref<256x128xf32, #tpu.memory_space<hbm>>
      %dma_start3A_9 = arith.constant 0 : i32
      %dma_start3A_10 = tpu.memref_slice %arg4[%mul3A_2, %dma_start3A_9] : memref<8192x128xf32, #tpu.memory_space<hbm>> -> memref<256x128xf32, #tpu.memory_space<hbm>>
      tpu.enqueue_dma source(%arg6 : memref<256x128xf32, #tpu.memory_space<vmem>>) target(%dma_start3A_10 : memref<256x128xf32, #tpu.memory_space<hbm>>) target_semaphore(%run_scoped3A : memref<!tpu.dma_semaphore, #tpu.memory_space<semaphore_mem>>)
      %dma_wait3A_11 = arith.constant 0 : i32
      %dma_wait3A_12 = tpu.memref_slice %arg4[%mul3A_2, %dma_wait3A_11] : memref<8192x128xf32, #tpu.memory_space<hbm>> -> memref<256x128xf32, #tpu.memory_space<hbm>>
      %dma_wait3A_13 = arith.constant 0 : i32
      %dma_wait3A_14 = tpu.memref_slice %arg4[%mul3A_2, %dma_wait3A_13] : memref<8192x128xf32, #tpu.memory_space<hbm>> -> memref<256x128xf32, #tpu.memory_space<hbm>>
      tpu.wait_dma2 semaphore(%run_scoped3A : memref<!tpu.dma_semaphore, #tpu.memory_space<semaphore_mem>>) src(%arg6 : memref<256x128xf32, #tpu.memory_space<vmem>>) dst(%dma_wait3A_14 : memref<256x128xf32, #tpu.memory_space<hbm>>)
      tpu.yield
    }) : () -> ()
    return
  }
}

#map = affine_map<(d0, d1) -> (0)>
#map1 = affine_map<(d0, d1) -> (0, 0)>
module attributes {stable_mosaic.version = 14 : i64} {
  func.func @_compact_and_ranks_body(%arg0: i32, %arg1: i32, %arg2: memref<100352xi32, #tpu.memory_space<hbm>>, %arg3: memref<100352xi32, #tpu.memory_space<hbm>>, %arg4: memref<100352xi32, #tpu.memory_space<hbm>>, %arg5: memref<1024xi32, #tpu.memory_space<hbm>>, %arg6: memref<32x8320xi32, #tpu.memory_space<hbm>>, %arg7: memref<1024xi32, #tpu.memory_space<hbm>>, %arg8: memref<8320xi32, #tpu.memory_space<vmem>>, %arg9: memref<3136xi32, #tpu.memory_space<vmem>>, %arg10: memref<3136xi32, #tpu.memory_space<vmem>>, %arg11: memref<100352xi32, #tpu.memory_space<vmem>>, %arg12: memref<1024xi32, #tpu.memory_space<vmem>>, %arg13: memref<1024xi32, #tpu.memory_space<vmem>>) attributes {dimension_semantics = [#tpu.dimension_semantics<core_parallel>, #tpu.dimension_semantics<subcore_parallel>], iteration_bounds = array<i64: 2, 16>, scalar_prefetch = 0 : i64, scratch_operands = 6 : i64, tpu.core_type = #tpu.core_type<sc_vector_subcore>, window_params = [{transform_indices = #map}, {transform_indices = #map}, {transform_indices = #map}, {transform_indices = #map}, {transform_indices = #map1}, {transform_indices = #map}]} {
    %mul3A = arith.constant 2 : i32
    %mul3A_0 = arith.muli %arg1, %mul3A : i32
    %add3A = arith.addi %mul3A_0, %arg0 : i32
    %mul3A_1 = arith.constant 3136 : i32
    %mul3A_2 = arith.muli %add3A, %mul3A_1 : i32
    %scan3A = arith.constant 0 : i32
    %scan3A_3 = arith.constant 520 : i32
    %scan3A_4 = arith.addi %scan3A, %scan3A_3 : i32
    %scan3A_5 = arith.constant 1 : i32
    scf.for %scan3A_16 = %scan3A to %scan3A_4 step %scan3A_5  : i32 {
      %mul3A_17 = arith.constant 16 : i32
      %mul3A_18 = arith.muli %scan3A_16, %mul3A_17 : i32
      %add3A_19 = arith.constant 0 : i32
      %add3A_20 = arith.addi %add3A_19, %mul3A_18 : i32
      %broadcast_in_dim3A = arith.constant 0 : i32
      %broadcast_in_dim3A_21 = vector.broadcast %broadcast_in_dim3A : i32 to vector<16xi32>
      %swap3A = arith.index_cast %add3A_20 : i32 to index
      %swap3A_22 = tpu.vector_load %arg8[%swap3A] {strides = array<i32>} : memref<8320xi32, #tpu.memory_space<vmem>>, vector<16xi32>,
      tpu.vector_store %arg8[%swap3A], %broadcast_in_dim3A_21 {strides = array<i32>} : memref<8320xi32, #tpu.memory_space<vmem>>, vector<16xi32>,
    }
    %scan3A_6 = arith.constant 520 : i32
    "tpu.region"() ({
      %run_scoped3A = tpu.sem_alloc : memref<!tpu.dma_semaphore, #tpu.memory_space<semaphore_mem>>
      %dma_start3A = tpu.memref_slice %arg2[%mul3A_2] : memref<100352xi32, #tpu.memory_space<hbm>> -> memref<3136xi32, #tpu.memory_space<hbm>>
      %dma_start3A_16 = tpu.memref_slice %arg2[%mul3A_2] : memref<100352xi32, #tpu.memory_space<hbm>> -> memref<3136xi32, #tpu.memory_space<hbm>>
      tpu.enqueue_dma source(%dma_start3A_16 : memref<3136xi32, #tpu.memory_space<hbm>>) target(%arg9 : memref<3136xi32, #tpu.memory_space<vmem>>) target_semaphore(%run_scoped3A : memref<!tpu.dma_semaphore, #tpu.memory_space<semaphore_mem>>)
      %dma_wait3A = tpu.memref_slice %arg2[%mul3A_2] : memref<100352xi32, #tpu.memory_space<hbm>> -> memref<3136xi32, #tpu.memory_space<hbm>>
      %dma_wait3A_17 = tpu.memref_slice %arg2[%mul3A_2] : memref<100352xi32, #tpu.memory_space<hbm>> -> memref<3136xi32, #tpu.memory_space<hbm>>
      tpu.wait_dma2 semaphore(%run_scoped3A : memref<!tpu.dma_semaphore, #tpu.memory_space<semaphore_mem>>) src(%dma_wait3A_17 : memref<3136xi32, #tpu.memory_space<hbm>>) dst(%arg9 : memref<3136xi32, #tpu.memory_space<vmem>>)
      tpu.yield
    }) : () -> ()
    "tpu.region"() ({
      %run_scoped3A = tpu.sem_alloc : memref<!tpu.dma_semaphore, #tpu.memory_space<semaphore_mem>>
      %dma_start3A = tpu.memref_slice %arg3[%mul3A_2] : memref<100352xi32, #tpu.memory_space<hbm>> -> memref<3136xi32, #tpu.memory_space<hbm>>
      %dma_start3A_16 = tpu.memref_slice %arg3[%mul3A_2] : memref<100352xi32, #tpu.memory_space<hbm>> -> memref<3136xi32, #tpu.memory_space<hbm>>
      tpu.enqueue_dma source(%dma_start3A_16 : memref<3136xi32, #tpu.memory_space<hbm>>) target(%arg10 : memref<3136xi32, #tpu.memory_space<vmem>>) target_semaphore(%run_scoped3A : memref<!tpu.dma_semaphore, #tpu.memory_space<semaphore_mem>>)
      %dma_wait3A = tpu.memref_slice %arg3[%mul3A_2] : memref<100352xi32, #tpu.memory_space<hbm>> -> memref<3136xi32, #tpu.memory_space<hbm>>
      %dma_wait3A_17 = tpu.memref_slice %arg3[%mul3A_2] : memref<100352xi32, #tpu.memory_space<hbm>> -> memref<3136xi32, #tpu.memory_space<hbm>>
      tpu.wait_dma2 semaphore(%run_scoped3A : memref<!tpu.dma_semaphore, #tpu.memory_space<semaphore_mem>>) src(%dma_wait3A_17 : memref<3136xi32, #tpu.memory_space<hbm>>) dst(%arg10 : memref<3136xi32, #tpu.memory_space<vmem>>)
      tpu.yield
    }) : () -> ()
    %scan3A_7 = arith.constant 0 : i32
    %scan3A_8 = arith.constant 196 : i32
    %scan3A_9 = arith.addi %scan3A_7, %scan3A_8 : i32
    %scan3A_10 = arith.constant 1 : i32
    scf.for %scan3A_16 = %scan3A_7 to %scan3A_9 step %scan3A_10  : i32 {
      %mul3A_17 = arith.constant 16 : i32
      %mul3A_18 = arith.muli %scan3A_16, %mul3A_17 : i32
      %add3A_19 = arith.constant 0 : i32
      %add3A_20 = arith.addi %add3A_19, %mul3A_18 : i32
      %get3A = arith.index_cast %add3A_20 : i32 to index
      %get3A_21 = tpu.vector_load %arg9[%get3A] {strides = array<i32>} : memref<3136xi32, #tpu.memory_space<vmem>>, vector<16xi32>,
      %min3A = arith.constant 8192 : i32
      %min3A_22 = vector.broadcast %min3A : i32 to vector<16xi32>
      %min3A_23 = arith.minsi %get3A_21, %min3A_22 : vector<16xi32>
      %get3A_24 = arith.index_cast %add3A_20 : i32 to index
      %get3A_25 = tpu.vector_load %arg10[%get3A_24] {strides = array<i32>} : memref<3136xi32, #tpu.memory_space<vmem>>, vector<16xi32>,
      %gt3A = arith.constant 0 : i32
      %gt3A_26 = vector.broadcast %gt3A : i32 to vector<16xi32>
      %gt3A_27 = arith.cmpi sgt, %get3A_25, %gt3A_26 : vector<16xi32>
      %add3A_28 = arith.addi %mul3A_2, %add3A_20 : i32
      %add3A_29 = arith.constant 1 : i32
      %add3A_30 = arith.addi %add3A_28, %add3A_29 : i32
      %iota3A = tpu.iota {dimensions = array<i32: 0>} : vector<16xi32>
      %add3A_31 = vector.broadcast %add3A_30 : i32 to vector<16xi32>
      %add3A_32 = arith.addi %add3A_31, %iota3A : vector<16xi32>
      tpu.vector_store_idx %arg8[%min3A_23], %add3A_32 masked %gt3A_27 : memref<8320xi32, #tpu.memory_space<vmem>>[vector<16xi32>], vector<16xi32>, vector<16xi1>
    }
    %scan3A_11 = arith.constant 196 : i32
    "tpu.region"() ({
      %run_scoped3A = tpu.sem_alloc : memref<!tpu.dma_semaphore, #tpu.memory_space<semaphore_mem>>
      %dma_start3A = arith.constant 0 : i32
      %dma_start3A_16 = tpu.memref_slice %arg6[%add3A, %dma_start3A] : memref<32x8320xi32, #tpu.memory_space<hbm>> -> memref<1x8320xi32, #tpu.memory_space<hbm>>
      %dma_start3A_17 = tpu.memref_squeeze %dma_start3A_16 : memref<1x8320xi32, #tpu.memory_space<hbm>> -> memref<8320xi32, #tpu.memory_space<hbm>>
      %dma_start3A_18 = arith.constant 0 : i32
      %dma_start3A_19 = tpu.memref_slice %arg6[%add3A, %dma_start3A_18] : memref<32x8320xi32, #tpu.memory_space<hbm>> -> memref<1x8320xi32, #tpu.memory_space<hbm>>
      %dma_start3A_20 = tpu.memref_squeeze %dma_start3A_19 : memref<1x8320xi32, #tpu.memory_space<hbm>> -> memref<8320xi32, #tpu.memory_space<hbm>>
      tpu.enqueue_dma source(%arg8 : memref<8320xi32, #tpu.memory_space<vmem>>) target(%dma_start3A_20 : memref<8320xi32, #tpu.memory_space<hbm>>) target_semaphore(%run_scoped3A : memref<!tpu.dma_semaphore, #tpu.memory_space<semaphore_mem>>)
      %dma_wait3A = arith.constant 0 : i32
      %dma_wait3A_21 = tpu.memref_slice %arg6[%add3A, %dma_wait3A] : memref<32x8320xi32, #tpu.memory_space<hbm>> -> memref<1x8320xi32, #tpu.memory_space<hbm>>
      %dma_wait3A_22 = tpu.memref_squeeze %dma_wait3A_21 : memref<1x8320xi32, #tpu.memory_space<hbm>> -> memref<8320xi32, #tpu.memory_space<hbm>>
      %dma_wait3A_23 = arith.constant 0 : i32
      %dma_wait3A_24 = tpu.memref_slice %arg6[%add3A, %dma_wait3A_23] : memref<32x8320xi32, #tpu.memory_space<hbm>> -> memref<1x8320xi32, #tpu.memory_space<hbm>>
      %dma_wait3A_25 = tpu.memref_squeeze %dma_wait3A_24 : memref<1x8320xi32, #tpu.memory_space<hbm>> -> memref<8320xi32, #tpu.memory_space<hbm>>
      tpu.wait_dma2 semaphore(%run_scoped3A : memref<!tpu.dma_semaphore, #tpu.memory_space<semaphore_mem>>) src(%arg8 : memref<8320xi32, #tpu.memory_space<vmem>>) dst(%dma_wait3A_25 : memref<8320xi32, #tpu.memory_space<hbm>>)
      tpu.yield
    }) : () -> ()
    %eq3A = arith.constant 1 : i32
    %eq3A_12 = arith.cmpi eq, %arg0, %eq3A : i32
    %eq3A_13 = arith.constant 0 : i32
    %eq3A_14 = arith.cmpi eq, %arg1, %eq3A_13 : i32
    %and3A = arith.andi %eq3A_12, %eq3A_14 : i1
    %convert_element_type3A = arith.extui %and3A : i1 to i32
    %cond3A = arith.constant 0 : i32
    %cond3A_15 = arith.cmpi ne, %convert_element_type3A, %cond3A : i32
    scf.if %cond3A_15 {
      "tpu.region"() ({
        %run_scoped3A = tpu.sem_alloc : memref<!tpu.dma_semaphore, #tpu.memory_space<semaphore_mem>>
        tpu.enqueue_dma source(%arg4 : memref<100352xi32, #tpu.memory_space<hbm>>) target(%arg11 : memref<100352xi32, #tpu.memory_space<vmem>>) target_semaphore(%run_scoped3A : memref<!tpu.dma_semaphore, #tpu.memory_space<semaphore_mem>>)
        tpu.wait_dma2 semaphore(%run_scoped3A : memref<!tpu.dma_semaphore, #tpu.memory_space<semaphore_mem>>) src(%arg4 : memref<100352xi32, #tpu.memory_space<hbm>>) dst(%arg11 : memref<100352xi32, #tpu.memory_space<vmem>>)
        tpu.yield
      }) : () -> ()
      "tpu.region"() ({
        %run_scoped3A = tpu.sem_alloc : memref<!tpu.dma_semaphore, #tpu.memory_space<semaphore_mem>>
        tpu.enqueue_dma source(%arg5 : memref<1024xi32, #tpu.memory_space<hbm>>) target(%arg12 : memref<1024xi32, #tpu.memory_space<vmem>>) target_semaphore(%run_scoped3A : memref<!tpu.dma_semaphore, #tpu.memory_space<semaphore_mem>>)
        tpu.wait_dma2 semaphore(%run_scoped3A : memref<!tpu.dma_semaphore, #tpu.memory_space<semaphore_mem>>) src(%arg5 : memref<1024xi32, #tpu.memory_space<hbm>>) dst(%arg12 : memref<1024xi32, #tpu.memory_space<vmem>>)
        tpu.yield
      }) : () -> ()
      %scan3A_16 = arith.constant 0 : i32
      %scan3A_17 = arith.constant 64 : i32
      %scan3A_18 = arith.addi %scan3A_16, %scan3A_17 : i32
      %scan3A_19 = arith.constant 1 : i32
      scf.for %scan3A_21 = %scan3A_16 to %scan3A_18 step %scan3A_19  : i32 {
        %mul3A_22 = arith.constant 16 : i32
        %mul3A_23 = arith.muli %scan3A_21, %mul3A_22 : i32
        %add3A_24 = arith.constant 0 : i32
        %add3A_25 = arith.addi %add3A_24, %mul3A_23 : i32
        %get3A = arith.index_cast %add3A_25 : i32 to index
        %get3A_26 = tpu.vector_load %arg12[%get3A] {strides = array<i32>} : memref<1024xi32, #tpu.memory_space<vmem>>, vector<16xi32>,
        %gather3A = tpu.vector_load_idx %arg11[%get3A_26] : memref<100352xi32, #tpu.memory_space<vmem>>[vector<16xi32>], vector<16xi32>,
        %swap3A = arith.index_cast %add3A_25 : i32 to index
        %swap3A_27 = tpu.vector_load %arg13[%swap3A] {strides = array<i32>} : memref<1024xi32, #tpu.memory_space<vmem>>, vector<16xi32>,
        tpu.vector_store %arg13[%swap3A], %gather3A {strides = array<i32>} : memref<1024xi32, #tpu.memory_space<vmem>>, vector<16xi32>,
      }
      %scan3A_20 = arith.constant 64 : i32
      "tpu.region"() ({
        %run_scoped3A = tpu.sem_alloc : memref<!tpu.dma_semaphore, #tpu.memory_space<semaphore_mem>>
        tpu.enqueue_dma source(%arg13 : memref<1024xi32, #tpu.memory_space<vmem>>) target(%arg7 : memref<1024xi32, #tpu.memory_space<hbm>>) target_semaphore(%run_scoped3A : memref<!tpu.dma_semaphore, #tpu.memory_space<semaphore_mem>>)
        tpu.wait_dma2 semaphore(%run_scoped3A : memref<!tpu.dma_semaphore, #tpu.memory_space<semaphore_mem>>) src(%arg13 : memref<1024xi32, #tpu.memory_space<vmem>>) dst(%arg7 : memref<1024xi32, #tpu.memory_space<hbm>>)
        tpu.yield
      }) : () -> ()
    } else {
    }
    return
  }
}

#map = affine_map<(d0, d1) -> (0)>
module attributes {stable_mosaic.version = 14 : i64} {
  func.func @_scatter_masks_body(%arg0: i32, %arg1: i32, %arg2: memref<100352xf32, #tpu.memory_space<hbm>>, %arg3: memref<10240xi32, #tpu.memory_space<hbm>>, %arg4: memref<1024xi32, #tpu.memory_space<hbm>>, %arg5: memref<100352xf32, #tpu.memory_space<hbm>>, %arg6: memref<100352xf32, #tpu.memory_space<hbm>>, %arg7: memref<100352xf32, #tpu.memory_space<vmem>>, %arg8: memref<10240xi32, #tpu.memory_space<vmem>>) attributes {dimension_semantics = [#tpu.dimension_semantics<core_parallel>, #tpu.dimension_semantics<subcore_parallel>], iteration_bounds = array<i64: 2, 16>, scalar_prefetch = 0 : i64, scratch_operands = 2 : i64, tpu.core_type = #tpu.core_type<sc_vector_subcore>, window_params = [{transform_indices = #map}, {transform_indices = #map}, {transform_indices = #map}, {transform_indices = #map}, {transform_indices = #map}]} {
    %broadcast_in_dim3A = arith.constant 1.000000e+00 : f32
    %broadcast_in_dim3A_0 = vector.broadcast %broadcast_in_dim3A : f32 to vector<16xf32>
    %eq3A = arith.constant 0 : i32
    %eq3A_1 = arith.cmpi eq, %arg0, %eq3A : i32
    %eq3A_2 = arith.constant 0 : i32
    %eq3A_3 = arith.cmpi eq, %arg1, %eq3A_2 : i32
    %and3A = arith.andi %eq3A_1, %eq3A_3 : i1
    %convert_element_type3A = arith.extui %and3A : i1 to i32
    %cond3A = arith.constant 0 : i32
    %cond3A_4 = arith.cmpi ne, %convert_element_type3A, %cond3A : i32
    scf.if %cond3A_4 {
      "tpu.region"() ({
        %run_scoped3A = tpu.sem_alloc : memref<!tpu.dma_semaphore, #tpu.memory_space<semaphore_mem>>
        tpu.enqueue_dma source(%arg2 : memref<100352xf32, #tpu.memory_space<hbm>>) target(%arg7 : memref<100352xf32, #tpu.memory_space<vmem>>) target_semaphore(%run_scoped3A : memref<!tpu.dma_semaphore, #tpu.memory_space<semaphore_mem>>)
        tpu.wait_dma2 semaphore(%run_scoped3A : memref<!tpu.dma_semaphore, #tpu.memory_space<semaphore_mem>>) src(%arg2 : memref<100352xf32, #tpu.memory_space<hbm>>) dst(%arg7 : memref<100352xf32, #tpu.memory_space<vmem>>)
        tpu.yield
      }) : () -> ()
      "tpu.region"() ({
        %run_scoped3A = tpu.sem_alloc : memref<!tpu.dma_semaphore, #tpu.memory_space<semaphore_mem>>
        tpu.enqueue_dma source(%arg3 : memref<10240xi32, #tpu.memory_space<hbm>>) target(%arg8 : memref<10240xi32, #tpu.memory_space<vmem>>) target_semaphore(%run_scoped3A : memref<!tpu.dma_semaphore, #tpu.memory_space<semaphore_mem>>)
        tpu.wait_dma2 semaphore(%run_scoped3A : memref<!tpu.dma_semaphore, #tpu.memory_space<semaphore_mem>>) src(%arg3 : memref<10240xi32, #tpu.memory_space<hbm>>) dst(%arg8 : memref<10240xi32, #tpu.memory_space<vmem>>)
        tpu.yield
      }) : () -> ()
      %scan3A = arith.constant 0 : i32
      %scan3A_13 = arith.constant 640 : i32
      %scan3A_14 = arith.addi %scan3A, %scan3A_13 : i32
      %scan3A_15 = arith.constant 1 : i32
      scf.for %scan3A_17 = %scan3A to %scan3A_14 step %scan3A_15  : i32 {
        %mul3A = arith.constant 16 : i32
        %mul3A_18 = arith.muli %scan3A_17, %mul3A : i32
        %add3A = arith.constant 0 : i32
        %add3A_19 = arith.addi %add3A, %mul3A_18 : i32
        %get3A = arith.index_cast %add3A_19 : i32 to index
        %get3A_20 = tpu.vector_load %arg8[%get3A] {strides = array<i32>} : memref<10240xi32, #tpu.memory_space<vmem>>, vector<16xi32>,
        tpu.vector_store_idx %arg7[%get3A_20], %broadcast_in_dim3A_0 : memref<100352xf32, #tpu.memory_space<vmem>>[vector<16xi32>], vector<16xf32>,
      }
      %scan3A_16 = arith.constant 640 : i32
      "tpu.region"() ({
        %run_scoped3A = tpu.sem_alloc : memref<!tpu.dma_semaphore, #tpu.memory_space<semaphore_mem>>
        tpu.enqueue_dma source(%arg7 : memref<100352xf32, #tpu.memory_space<vmem>>) target(%arg5 : memref<100352xf32, #tpu.memory_space<hbm>>) target_semaphore(%run_scoped3A : memref<!tpu.dma_semaphore, #tpu.memory_space<semaphore_mem>>)
        tpu.wait_dma2 semaphore(%run_scoped3A : memref<!tpu.dma_semaphore, #tpu.memory_space<semaphore_mem>>) src(%arg7 : memref<100352xf32, #tpu.memory_space<vmem>>) dst(%arg5 : memref<100352xf32, #tpu.memory_space<hbm>>)
        tpu.yield
      }) : () -> ()
    } else {
    }
    %eq3A_5 = arith.constant 1 : i32
    %eq3A_6 = arith.cmpi eq, %arg0, %eq3A_5 : i32
    %eq3A_7 = arith.constant 0 : i32
    %eq3A_8 = arith.cmpi eq, %arg1, %eq3A_7 : i32
    %and3A_9 = arith.andi %eq3A_6, %eq3A_8 : i1
    %convert_element_type3A_10 = arith.extui %and3A_9 : i1 to i32
    %cond3A_11 = arith.constant 0 : i32
    %cond3A_12 = arith.cmpi ne, %convert_element_type3A_10, %cond3A_11 : i32
    scf.if %cond3A_12 {
      "tpu.region"() ({
        %run_scoped3A = tpu.sem_alloc : memref<!tpu.dma_semaphore, #tpu.memory_space<semaphore_mem>>
        tpu.enqueue_dma source(%arg2 : memref<100352xf32, #tpu.memory_space<hbm>>) target(%arg7 : memref<100352xf32, #tpu.memory_space<vmem>>) target_semaphore(%run_scoped3A : memref<!tpu.dma_semaphore, #tpu.memory_space<semaphore_mem>>)
        tpu.wait_dma2 semaphore(%run_scoped3A : memref<!tpu.dma_semaphore, #tpu.memory_space<semaphore_mem>>) src(%arg2 : memref<100352xf32, #tpu.memory_space<hbm>>) dst(%arg7 : memref<100352xf32, #tpu.memory_space<vmem>>)
        tpu.yield
      }) : () -> ()
      "tpu.region"() ({
        %run_scoped3A = tpu.sem_alloc : memref<!tpu.dma_semaphore, #tpu.memory_space<semaphore_mem>>
        %dma_start3A = arith.constant 0 : i32
        %dma_start3A_17 = tpu.memref_slice %arg8[%dma_start3A] : memref<10240xi32, #tpu.memory_space<vmem>> -> memref<1024xi32, #tpu.memory_space<vmem>>
        %dma_start3A_18 = arith.constant 0 : i32
        %dma_start3A_19 = tpu.memref_slice %arg8[%dma_start3A_18] : memref<10240xi32, #tpu.memory_space<vmem>> -> memref<1024xi32, #tpu.memory_space<vmem>>
        tpu.enqueue_dma source(%arg4 : memref<1024xi32, #tpu.memory_space<hbm>>) target(%dma_start3A_19 : memref<1024xi32, #tpu.memory_space<vmem>>) target_semaphore(%run_scoped3A : memref<!tpu.dma_semaphore, #tpu.memory_space<semaphore_mem>>)
        %dma_wait3A = arith.constant 0 : i32
        %dma_wait3A_20 = tpu.memref_slice %arg8[%dma_wait3A] : memref<10240xi32, #tpu.memory_space<vmem>> -> memref<1024xi32, #tpu.memory_space<vmem>>
        %dma_wait3A_21 = arith.constant 0 : i32
        %dma_wait3A_22 = tpu.memref_slice %arg8[%dma_wait3A_21] : memref<10240xi32, #tpu.memory_space<vmem>> -> memref<1024xi32, #tpu.memory_space<vmem>>
        tpu.wait_dma2 semaphore(%run_scoped3A : memref<!tpu.dma_semaphore, #tpu.memory_space<semaphore_mem>>) src(%arg4 : memref<1024xi32, #tpu.memory_space<hbm>>) dst(%dma_wait3A_22 : memref<1024xi32, #tpu.memory_space<vmem>>)
        tpu.yield
      }) : () -> ()
      %scan3A = arith.constant 0 : i32
      %scan3A_13 = arith.constant 64 : i32
      %scan3A_14 = arith.addi %scan3A, %scan3A_13 : i32
      %scan3A_15 = arith.constant 1 : i32
      scf.for %scan3A_17 = %scan3A to %scan3A_14 step %scan3A_15  : i32 {
        %mul3A = arith.constant 16 : i32
        %mul3A_18 = arith.muli %scan3A_17, %mul3A : i32
        %add3A = arith.constant 0 : i32
        %add3A_19 = arith.addi %add3A, %mul3A_18 : i32
        %get3A = arith.index_cast %add3A_19 : i32 to index
        %get3A_20 = tpu.vector_load %arg8[%get3A] {strides = array<i32>} : memref<10240xi32, #tpu.memory_space<vmem>>, vector<16xi32>,
        tpu.vector_store_idx %arg7[%get3A_20], %broadcast_in_dim3A_0 : memref<100352xf32, #tpu.memory_space<vmem>>[vector<16xi32>], vector<16xf32>,
      }
      %scan3A_16 = arith.constant 64 : i32
      "tpu.region"() ({
        %run_scoped3A = tpu.sem_alloc : memref<!tpu.dma_semaphore, #tpu.memory_space<semaphore_mem>>
        tpu.enqueue_dma source(%arg7 : memref<100352xf32, #tpu.memory_space<vmem>>) target(%arg6 : memref<100352xf32, #tpu.memory_space<hbm>>) target_semaphore(%run_scoped3A : memref<!tpu.dma_semaphore, #tpu.memory_space<semaphore_mem>>)
        tpu.wait_dma2 semaphore(%run_scoped3A : memref<!tpu.dma_semaphore, #tpu.memory_space<semaphore_mem>>) src(%arg7 : memref<100352xf32, #tpu.memory_space<vmem>>) dst(%arg6 : memref<100352xf32, #tpu.memory_space<hbm>>)
        tpu.yield
      }) : () -> ()
    } else {
    }
    return
  }
}

#map = affine_map<(d0, d1) -> (0)>
#map1 = affine_map<(d0, d1) -> (0, 0)>
module attributes {stable_mosaic.version = 14 : i64} {
  func.func @gather_cand(%arg0: i32, %arg1: i32, %arg2: memref<10240xi32, #tpu.memory_space<hbm>>, %arg3: memref<802816x128xf32, #tpu.memory_space<hbm>>, %arg4: memref<10240x128xf32, #tpu.memory_space<hbm>>, %arg5: memref<320xi32, #tpu.memory_space<vmem>>, %arg6: memref<320x128xf32, #tpu.memory_space<vmem>>, %arg7: memref<!tpu.dma_semaphore, #tpu.memory_space<semaphore_mem>>) attributes {dimension_semantics = [#tpu.dimension_semantics<core_parallel>, #tpu.dimension_semantics<subcore_parallel>], iteration_bounds = array<i64: 2, 16>, scalar_prefetch = 0 : i64, scratch_operands = 3 : i64, tpu.core_type = #tpu.core_type<sc_vector_subcore>, window_params = [{transform_indices = #map}, {transform_indices = #map1}, {transform_indices = #map1}]} {
    %mul3A = arith.constant 2 : i32
    %mul3A_0 = arith.muli %arg1, %mul3A : i32
    %add3A = arith.addi %mul3A_0, %arg0 : i32
    %mul3A_1 = arith.constant 320 : i32
    %mul3A_2 = arith.muli %add3A, %mul3A_1 : i32
    "tpu.region"() ({
      %run_scoped3A = tpu.sem_alloc : memref<!tpu.dma_semaphore, #tpu.memory_space<semaphore_mem>>
      %dma_start3A_7 = tpu.memref_slice %arg2[%mul3A_2] : memref<10240xi32, #tpu.memory_space<hbm>> -> memref<320xi32, #tpu.memory_space<hbm>>
      %dma_start3A_8 = tpu.memref_slice %arg2[%mul3A_2] : memref<10240xi32, #tpu.memory_space<hbm>> -> memref<320xi32, #tpu.memory_space<hbm>>
      tpu.enqueue_dma source(%dma_start3A_8 : memref<320xi32, #tpu.memory_space<hbm>>) target(%arg5 : memref<320xi32, #tpu.memory_space<vmem>>) target_semaphore(%run_scoped3A : memref<!tpu.dma_semaphore, #tpu.memory_space<semaphore_mem>>)
      %dma_wait3A_9 = tpu.memref_slice %arg2[%mul3A_2] : memref<10240xi32, #tpu.memory_space<hbm>> -> memref<320xi32, #tpu.memory_space<hbm>>
      %dma_wait3A_10 = tpu.memref_slice %arg2[%mul3A_2] : memref<10240xi32, #tpu.memory_space<hbm>> -> memref<320xi32, #tpu.memory_space<hbm>>
      tpu.wait_dma2 semaphore(%run_scoped3A : memref<!tpu.dma_semaphore, #tpu.memory_space<semaphore_mem>>) src(%dma_wait3A_10 : memref<320xi32, #tpu.memory_space<hbm>>) dst(%arg5 : memref<320xi32, #tpu.memory_space<vmem>>)
      tpu.yield
    }) : () -> ()
    %dma_start3A = arith.constant 0 : i32
    %dma_start3A_3 = arith.constant 0 : i32
    %dma_start3A_4 = tpu.memref_slice %arg3[%dma_start3A, %dma_start3A_3] : memref<802816x128xf32, #tpu.memory_space<hbm>> -> memref<802816x128xf32, #tpu.memory_space<hbm>>
    tpu.enqueue_indirect_dma source(%dma_start3A_4 : memref<802816x128xf32, #tpu.memory_space<hbm>>) target(%arg6 : memref<320x128xf32, #tpu.memory_space<vmem>>) offsets(%arg5 : memref<320xi32, #tpu.memory_space<vmem>>) semaphore(%arg7 : memref<!tpu.dma_semaphore, #tpu.memory_space<semaphore_mem>>)
    %dma_wait3A = arith.constant 0 : i32
    %dma_wait3A_5 = arith.constant 0 : i32
    %dma_wait3A_6 = tpu.memref_slice %arg3[%dma_wait3A, %dma_wait3A_5] : memref<802816x128xf32, #tpu.memory_space<hbm>> -> memref<802816x128xf32, #tpu.memory_space<hbm>>
    tpu.wait_indirect_dma semaphore(%arg7 : memref<!tpu.dma_semaphore, #tpu.memory_space<semaphore_mem>>) src(%dma_wait3A_6 : memref<802816x128xf32, #tpu.memory_space<hbm>>) dst(%arg6 : memref<320x128xf32, #tpu.memory_space<vmem>>)
    "tpu.region"() ({
      %run_scoped3A = tpu.sem_alloc : memref<!tpu.dma_semaphore, #tpu.memory_space<semaphore_mem>>
      %dma_start3A_7 = arith.constant 0 : i32
      %dma_start3A_8 = tpu.memref_slice %arg4[%mul3A_2, %dma_start3A_7] : memref<10240x128xf32, #tpu.memory_space<hbm>> -> memref<320x128xf32, #tpu.memory_space<hbm>>
      %dma_start3A_9 = arith.constant 0 : i32
      %dma_start3A_10 = tpu.memref_slice %arg4[%mul3A_2, %dma_start3A_9] : memref<10240x128xf32, #tpu.memory_space<hbm>> -> memref<320x128xf32, #tpu.memory_space<hbm>>
      tpu.enqueue_dma source(%arg6 : memref<320x128xf32, #tpu.memory_space<vmem>>) target(%dma_start3A_10 : memref<320x128xf32, #tpu.memory_space<hbm>>) target_semaphore(%run_scoped3A : memref<!tpu.dma_semaphore, #tpu.memory_space<semaphore_mem>>)
      %dma_wait3A_11 = arith.constant 0 : i32
      %dma_wait3A_12 = tpu.memref_slice %arg4[%mul3A_2, %dma_wait3A_11] : memref<10240x128xf32, #tpu.memory_space<hbm>> -> memref<320x128xf32, #tpu.memory_space<hbm>>
      %dma_wait3A_13 = arith.constant 0 : i32
      %dma_wait3A_14 = tpu.memref_slice %arg4[%mul3A_2, %dma_wait3A_13] : memref<10240x128xf32, #tpu.memory_space<hbm>> -> memref<320x128xf32, #tpu.memory_space<hbm>>
      tpu.wait_dma2 semaphore(%run_scoped3A : memref<!tpu.dma_semaphore, #tpu.memory_space<semaphore_mem>>) src(%arg6 : memref<320x128xf32, #tpu.memory_space<vmem>>) dst(%dma_wait3A_14 : memref<320x128xf32, #tpu.memory_space<hbm>>)
      tpu.yield
    }) : () -> ()
    return
  }
}

module attributes {stable_mosaic.version = 14 : i64} {
  func.func @_segtop_body(%arg0: memref<1024x784xf32, #tpu.memory_space<vmem>>, %arg1: memref<1024x16xi32, #tpu.memory_space<vmem>>, %arg2: memref<1024x16xi32, #tpu.memory_space<vmem>>) attributes {dimension_semantics = [], scalar_prefetch = 0 : i64, scratch_operands = 0 : i64, tpu.core_type = #tpu.core_type<tc>} {
    %get3A = arith.constant 0 : index
    %get3A_0 = arith.constant 0 : index
    %get3A_1 = vector.load %arg0[%get3A, %get3A_0] : memref<1024x784xf32, #tpu.memory_space<vmem>>, vector<1024x784xf32>
    %iota3A = tpu.iota {dimensions = array<i32: 1>} : vector<1024x784xi32>
    %reduce_max3A = arith.constant dense<0xFF800000> : vector<1024xf32>
    %reduce_max3A_2 = vector.multi_reduction <maximumf>, %get3A_1, %reduce_max3A [1] : vector<1024x784xf32> to vector<1024xf32>
    %broadcast_in_dim3A = vector.shape_cast %reduce_max3A_2 : vector<1024xf32> to vector<1024x1xf32>
    %eq3A = vector.broadcast %broadcast_in_dim3A : vector<1024x1xf32> to vector<1024x784xf32>
    %eq3A_3 = arith.cmpf oeq, %get3A_1, %eq3A : vector<1024x784xf32>
    %jit3A = arith.constant 784 : i32
    %broadcast_in_dim3A_4 = vector.broadcast %jit3A : i32 to vector<1024x784xi32>
    %select_n3A = arith.select %eq3A_3, %iota3A, %broadcast_in_dim3A_4 : vector<1024x784xi1>, vector<1024x784xi32>
    %reduce_min3A = arith.constant dense<2147483647> : vector<1024xi32>
    %reduce_min3A_5 = vector.multi_reduction <minsi>, %select_n3A, %reduce_min3A [1] : vector<1024x784xi32> to vector<1024xi32>
    %broadcast_in_dim3A_6 = vector.shape_cast %reduce_min3A_5 : vector<1024xi32> to vector<1024x1xi32>
    %eq3A_7 = vector.broadcast %broadcast_in_dim3A_6 : vector<1024x1xi32> to vector<1024x784xi32>
    %eq3A_8 = arith.cmpi eq, %iota3A, %eq3A_7 : vector<1024x784xi32>
    %jit3A_9 = arith.constant -3.40282347E+38 : f32
    %broadcast_in_dim3A_10 = vector.broadcast %jit3A_9 : f32 to vector<1024x784xf32>
    %select_n3A_11 = arith.select %eq3A_8, %broadcast_in_dim3A_10, %get3A_1 : vector<1024x784xi1>, vector<1024x784xf32>
    %reduce_max3A_12 = arith.constant dense<0xFF800000> : vector<1024xf32>
    %reduce_max3A_13 = vector.multi_reduction <maximumf>, %select_n3A_11, %reduce_max3A_12 [1] : vector<1024x784xf32> to vector<1024xf32>
    %broadcast_in_dim3A_14 = vector.shape_cast %reduce_max3A_13 : vector<1024xf32> to vector<1024x1xf32>
    %eq3A_15 = vector.broadcast %broadcast_in_dim3A_14 : vector<1024x1xf32> to vector<1024x784xf32>
    %eq3A_16 = arith.cmpf oeq, %select_n3A_11, %eq3A_15 : vector<1024x784xf32>
    %jit3A_17 = arith.constant 784 : i32
    %broadcast_in_dim3A_18 = vector.broadcast %jit3A_17 : i32 to vector<1024x784xi32>
    %select_n3A_19 = arith.select %eq3A_16, %iota3A, %broadcast_in_dim3A_18 : vector<1024x784xi1>, vector<1024x784xi32>
    %reduce_min3A_20 = arith.constant dense<2147483647> : vector<1024xi32>
    %reduce_min3A_21 = vector.multi_reduction <minsi>, %select_n3A_19, %reduce_min3A_20 [1] : vector<1024x784xi32> to vector<1024xi32>
    %broadcast_in_dim3A_22 = vector.shape_cast %reduce_min3A_21 : vector<1024xi32> to vector<1024x1xi32>
    %eq3A_23 = vector.broadcast %broadcast_in_dim3A_22 : vector<1024x1xi32> to vector<1024x784xi32>
    %eq3A_24 = arith.cmpi eq, %iota3A, %eq3A_23 : vector<1024x784xi32>
    %jit3A_25 = arith.constant -3.40282347E+38 : f32
    %broadcast_in_dim3A_26 = vector.broadcast %jit3A_25 : f32 to vector<1024x784xf32>
    %select_n3A_27 = arith.select %eq3A_24, %broadcast_in_dim3A_26, %select_n3A_11 : vector<1024x784xi1>, vector<1024x784xf32>
    %reduce_max3A_28 = arith.constant dense<0xFF800000> : vector<1024xf32>
    %reduce_max3A_29 = vector.multi_reduction <maximumf>, %select_n3A_27, %reduce_max3A_28 [1] : vector<1024x784xf32> to vector<1024xf32>
    %broadcast_in_dim3A_30 = vector.shape_cast %reduce_max3A_29 : vector<1024xf32> to vector<1024x1xf32>
    %eq3A_31 = vector.broadcast %broadcast_in_dim3A_30 : vector<1024x1xf32> to vector<1024x784xf32>
    %eq3A_32 = arith.cmpf oeq, %select_n3A_27, %eq3A_31 : vector<1024x784xf32>
    %jit3A_33 = arith.constant 784 : i32
    %broadcast_in_dim3A_34 = vector.broadcast %jit3A_33 : i32 to vector<1024x784xi32>
    %select_n3A_35 = arith.select %eq3A_32, %iota3A, %broadcast_in_dim3A_34 : vector<1024x784xi1>, vector<1024x784xi32>
    %reduce_min3A_36 = arith.constant dense<2147483647> : vector<1024xi32>
    %reduce_min3A_37 = vector.multi_reduction <minsi>, %select_n3A_35, %reduce_min3A_36 [1] : vector<1024x784xi32> to vector<1024xi32>
    %broadcast_in_dim3A_38 = vector.shape_cast %reduce_min3A_37 : vector<1024xi32> to vector<1024x1xi32>
    %eq3A_39 = vector.broadcast %broadcast_in_dim3A_38 : vector<1024x1xi32> to vector<1024x784xi32>
    %eq3A_40 = arith.cmpi eq, %iota3A, %eq3A_39 : vector<1024x784xi32>
    %jit3A_41 = arith.constant -3.40282347E+38 : f32
    %broadcast_in_dim3A_42 = vector.broadcast %jit3A_41 : f32 to vector<1024x784xf32>
    %select_n3A_43 = arith.select %eq3A_40, %broadcast_in_dim3A_42, %select_n3A_27 : vector<1024x784xi1>, vector<1024x784xf32>
    %reduce_max3A_44 = arith.constant dense<0xFF800000> : vector<1024xf32>
    %reduce_max3A_45 = vector.multi_reduction <maximumf>, %select_n3A_43, %reduce_max3A_44 [1] : vector<1024x784xf32> to vector<1024xf32>
    %broadcast_in_dim3A_46 = vector.shape_cast %reduce_max3A_45 : vector<1024xf32> to vector<1024x1xf32>
    %eq3A_47 = vector.broadcast %broadcast_in_dim3A_46 : vector<1024x1xf32> to vector<1024x784xf32>
    %eq3A_48 = arith.cmpf oeq, %select_n3A_43, %eq3A_47 : vector<1024x784xf32>
    %jit3A_49 = arith.constant 784 : i32
    %broadcast_in_dim3A_50 = vector.broadcast %jit3A_49 : i32 to vector<1024x784xi32>
    %select_n3A_51 = arith.select %eq3A_48, %iota3A, %broadcast_in_dim3A_50 : vector<1024x784xi1>, vector<1024x784xi32>
    %reduce_min3A_52 = arith.constant dense<2147483647> : vector<1024xi32>
    %reduce_min3A_53 = vector.multi_reduction <minsi>, %select_n3A_51, %reduce_min3A_52 [1] : vector<1024x784xi32> to vector<1024xi32>
    %broadcast_in_dim3A_54 = vector.shape_cast %reduce_min3A_53 : vector<1024xi32> to vector<1024x1xi32>
    %eq3A_55 = vector.broadcast %broadcast_in_dim3A_54 : vector<1024x1xi32> to vector<1024x784xi32>
    %eq3A_56 = arith.cmpi eq, %iota3A, %eq3A_55 : vector<1024x784xi32>
    %jit3A_57 = arith.constant -3.40282347E+38 : f32
    %broadcast_in_dim3A_58 = vector.broadcast %jit3A_57 : f32 to vector<1024x784xf32>
    %select_n3A_59 = arith.select %eq3A_56, %broadcast_in_dim3A_58, %select_n3A_43 : vector<1024x784xi1>, vector<1024x784xf32>
    %reduce_max3A_60 = arith.constant dense<0xFF800000> : vector<1024xf32>
    %reduce_max3A_61 = vector.multi_reduction <maximumf>, %select_n3A_59, %reduce_max3A_60 [1] : vector<1024x784xf32> to vector<1024xf32>
    %broadcast_in_dim3A_62 = vector.shape_cast %reduce_max3A_61 : vector<1024xf32> to vector<1024x1xf32>
    %eq3A_63 = vector.broadcast %broadcast_in_dim3A_62 : vector<1024x1xf32> to vector<1024x784xf32>
    %eq3A_64 = arith.cmpf oeq, %select_n3A_59, %eq3A_63 : vector<1024x784xf32>
    %jit3A_65 = arith.constant 784 : i32
    %broadcast_in_dim3A_66 = vector.broadcast %jit3A_65 : i32 to vector<1024x784xi32>
    %select_n3A_67 = arith.select %eq3A_64, %iota3A, %broadcast_in_dim3A_66 : vector<1024x784xi1>, vector<1024x784xi32>
    %reduce_min3A_68 = arith.constant dense<2147483647> : vector<1024xi32>
    %reduce_min3A_69 = vector.multi_reduction <minsi>, %select_n3A_67, %reduce_min3A_68 [1] : vector<1024x784xi32> to vector<1024xi32>
    %broadcast_in_dim3A_70 = vector.shape_cast %reduce_min3A_69 : vector<1024xi32> to vector<1024x1xi32>
    %eq3A_71 = vector.broadcast %broadcast_in_dim3A_70 : vector<1024x1xi32> to vector<1024x784xi32>
    %eq3A_72 = arith.cmpi eq, %iota3A, %eq3A_71 : vector<1024x784xi32>
    %jit3A_73 = arith.constant -3.40282347E+38 : f32
    %broadcast_in_dim3A_74 = vector.broadcast %jit3A_73 : f32 to vector<1024x784xf32>
    %select_n3A_75 = arith.select %eq3A_72, %broadcast_in_dim3A_74, %select_n3A_59 : vector<1024x784xi1>, vector<1024x784xf32>
    %reduce_max3A_76 = arith.constant dense<0xFF800000> : vector<1024xf32>
    %reduce_max3A_77 = vector.multi_reduction <maximumf>, %select_n3A_75, %reduce_max3A_76 [1] : vector<1024x784xf32> to vector<1024xf32>
    %broadcast_in_dim3A_78 = vector.shape_cast %reduce_max3A_77 : vector<1024xf32> to vector<1024x1xf32>
    %eq3A_79 = vector.broadcast %broadcast_in_dim3A_78 : vector<1024x1xf32> to vector<1024x784xf32>
    %eq3A_80 = arith.cmpf oeq, %select_n3A_75, %eq3A_79 : vector<1024x784xf32>
    %jit3A_81 = arith.constant 784 : i32
    %broadcast_in_dim3A_82 = vector.broadcast %jit3A_81 : i32 to vector<1024x784xi32>
    %select_n3A_83 = arith.select %eq3A_80, %iota3A, %broadcast_in_dim3A_82 : vector<1024x784xi1>, vector<1024x784xi32>
    %reduce_min3A_84 = arith.constant dense<2147483647> : vector<1024xi32>
    %reduce_min3A_85 = vector.multi_reduction <minsi>, %select_n3A_83, %reduce_min3A_84 [1] : vector<1024x784xi32> to vector<1024xi32>
    %broadcast_in_dim3A_86 = vector.shape_cast %reduce_min3A_85 : vector<1024xi32> to vector<1024x1xi32>
    %eq3A_87 = vector.broadcast %broadcast_in_dim3A_86 : vector<1024x1xi32> to vector<1024x784xi32>
    %eq3A_88 = arith.cmpi eq, %iota3A, %eq3A_87 : vector<1024x784xi32>
    %jit3A_89 = arith.constant -3.40282347E+38 : f32
    %broadcast_in_dim3A_90 = vector.broadcast %jit3A_89 : f32 to vector<1024x784xf32>
    %select_n3A_91 = arith.select %eq3A_88, %broadcast_in_dim3A_90, %select_n3A_75 : vector<1024x784xi1>, vector<1024x784xf32>
    %reduce_max3A_92 = arith.constant dense<0xFF800000> : vector<1024xf32>
    %reduce_max3A_93 = vector.multi_reduction <maximumf>, %select_n3A_91, %reduce_max3A_92 [1] : vector<1024x784xf32> to vector<1024xf32>
    %broadcast_in_dim3A_94 = vector.shape_cast %reduce_max3A_93 : vector<1024xf32> to vector<1024x1xf32>
    %eq3A_95 = vector.broadcast %broadcast_in_dim3A_94 : vector<1024x1xf32> to vector<1024x784xf32>
    %eq3A_96 = arith.cmpf oeq, %select_n3A_91, %eq3A_95 : vector<1024x784xf32>
    %jit3A_97 = arith.constant 784 : i32
    %broadcast_in_dim3A_98 = vector.broadcast %jit3A_97 : i32 to vector<1024x784xi32>
    %select_n3A_99 = arith.select %eq3A_96, %iota3A, %broadcast_in_dim3A_98 : vector<1024x784xi1>, vector<1024x784xi32>
    %reduce_min3A_100 = arith.constant dense<2147483647> : vector<1024xi32>
    %reduce_min3A_101 = vector.multi_reduction <minsi>, %select_n3A_99, %reduce_min3A_100 [1] : vector<1024x784xi32> to vector<1024xi32>
    %broadcast_in_dim3A_102 = vector.shape_cast %reduce_min3A_101 : vector<1024xi32> to vector<1024x1xi32>
    %eq3A_103 = vector.broadcast %broadcast_in_dim3A_102 : vector<1024x1xi32> to vector<1024x784xi32>
    %eq3A_104 = arith.cmpi eq, %iota3A, %eq3A_103 : vector<1024x784xi32>
    %jit3A_105 = arith.constant -3.40282347E+38 : f32
    %broadcast_in_dim3A_106 = vector.broadcast %jit3A_105 : f32 to vector<1024x784xf32>
    %select_n3A_107 = arith.select %eq3A_104, %broadcast_in_dim3A_106, %select_n3A_91 : vector<1024x784xi1>, vector<1024x784xf32>
    %reduce_max3A_108 = arith.constant dense<0xFF800000> : vector<1024xf32>
    %reduce_max3A_109 = vector.multi_reduction <maximumf>, %select_n3A_107, %reduce_max3A_108 [1] : vector<1024x784xf32> to vector<1024xf32>
    %broadcast_in_dim3A_110 = vector.shape_cast %reduce_max3A_109 : vector<1024xf32> to vector<1024x1xf32>
    %eq3A_111 = vector.broadcast %broadcast_in_dim3A_110 : vector<1024x1xf32> to vector<1024x784xf32>
    %eq3A_112 = arith.cmpf oeq, %select_n3A_107, %eq3A_111 : vector<1024x784xf32>
    %jit3A_113 = arith.constant 784 : i32
    %broadcast_in_dim3A_114 = vector.broadcast %jit3A_113 : i32 to vector<1024x784xi32>
    %select_n3A_115 = arith.select %eq3A_112, %iota3A, %broadcast_in_dim3A_114 : vector<1024x784xi1>, vector<1024x784xi32>
    %reduce_min3A_116 = arith.constant dense<2147483647> : vector<1024xi32>
    %reduce_min3A_117 = vector.multi_reduction <minsi>, %select_n3A_115, %reduce_min3A_116 [1] : vector<1024x784xi32> to vector<1024xi32>
    %broadcast_in_dim3A_118 = vector.shape_cast %reduce_min3A_117 : vector<1024xi32> to vector<1024x1xi32>
    %eq3A_119 = vector.broadcast %broadcast_in_dim3A_118 : vector<1024x1xi32> to vector<1024x784xi32>
    %eq3A_120 = arith.cmpi eq, %iota3A, %eq3A_119 : vector<1024x784xi32>
    %jit3A_121 = arith.constant -3.40282347E+38 : f32
    %broadcast_in_dim3A_122 = vector.broadcast %jit3A_121 : f32 to vector<1024x784xf32>
    %select_n3A_123 = arith.select %eq3A_120, %broadcast_in_dim3A_122, %select_n3A_107 : vector<1024x784xi1>, vector<1024x784xf32>
    %reduce_max3A_124 = arith.constant dense<0xFF800000> : vector<1024xf32>
    %reduce_max3A_125 = vector.multi_reduction <maximumf>, %select_n3A_123, %reduce_max3A_124 [1] : vector<1024x784xf32> to vector<1024xf32>
    %broadcast_in_dim3A_126 = vector.shape_cast %reduce_max3A_125 : vector<1024xf32> to vector<1024x1xf32>
    %eq3A_127 = vector.broadcast %broadcast_in_dim3A_126 : vector<1024x1xf32> to vector<1024x784xf32>
    %eq3A_128 = arith.cmpf oeq, %select_n3A_123, %eq3A_127 : vector<1024x784xf32>
    %jit3A_129 = arith.constant 784 : i32
    %broadcast_in_dim3A_130 = vector.broadcast %jit3A_129 : i32 to vector<1024x784xi32>
    %select_n3A_131 = arith.select %eq3A_128, %iota3A, %broadcast_in_dim3A_130 : vector<1024x784xi1>, vector<1024x784xi32>
    %reduce_min3A_132 = arith.constant dense<2147483647> : vector<1024xi32>
    %reduce_min3A_133 = vector.multi_reduction <minsi>, %select_n3A_131, %reduce_min3A_132 [1] : vector<1024x784xi32> to vector<1024xi32>
    %broadcast_in_dim3A_134 = vector.shape_cast %reduce_min3A_133 : vector<1024xi32> to vector<1024x1xi32>
    %eq3A_135 = vector.broadcast %broadcast_in_dim3A_134 : vector<1024x1xi32> to vector<1024x784xi32>
    %eq3A_136 = arith.cmpi eq, %iota3A, %eq3A_135 : vector<1024x784xi32>
    %jit3A_137 = arith.constant -3.40282347E+38 : f32
    %broadcast_in_dim3A_138 = vector.broadcast %jit3A_137 : f32 to vector<1024x784xf32>
    %select_n3A_139 = arith.select %eq3A_136, %broadcast_in_dim3A_138, %select_n3A_123 : vector<1024x784xi1>, vector<1024x784xf32>
    %reduce_max3A_140 = arith.constant dense<0xFF800000> : vector<1024xf32>
    %reduce_max3A_141 = vector.multi_reduction <maximumf>, %select_n3A_139, %reduce_max3A_140 [1] : vector<1024x784xf32> to vector<1024xf32>
    %broadcast_in_dim3A_142 = vector.shape_cast %reduce_max3A_141 : vector<1024xf32> to vector<1024x1xf32>
    %eq3A_143 = vector.broadcast %broadcast_in_dim3A_142 : vector<1024x1xf32> to vector<1024x784xf32>
    %eq3A_144 = arith.cmpf oeq, %select_n3A_139, %eq3A_143 : vector<1024x784xf32>
    %jit3A_145 = arith.constant 784 : i32
    %broadcast_in_dim3A_146 = vector.broadcast %jit3A_145 : i32 to vector<1024x784xi32>
    %select_n3A_147 = arith.select %eq3A_144, %iota3A, %broadcast_in_dim3A_146 : vector<1024x784xi1>, vector<1024x784xi32>
    %reduce_min3A_148 = arith.constant dense<2147483647> : vector<1024xi32>
    %reduce_min3A_149 = vector.multi_reduction <minsi>, %select_n3A_147, %reduce_min3A_148 [1] : vector<1024x784xi32> to vector<1024xi32>
    %broadcast_in_dim3A_150 = vector.shape_cast %reduce_min3A_149 : vector<1024xi32> to vector<1024x1xi32>
    %broadcast_in_dim3A_151 = arith.constant 0 : i32
    %broadcast_in_dim3A_152 = vector.broadcast %broadcast_in_dim3A_151 : i32 to vector<1024x6xi32>
    %concatenate3A = tpu.concatenate %broadcast_in_dim3A_6, %broadcast_in_dim3A_22, %broadcast_in_dim3A_38, %broadcast_in_dim3A_54, %broadcast_in_dim3A_70, %broadcast_in_dim3A_86, %broadcast_in_dim3A_102, %broadcast_in_dim3A_118, %broadcast_in_dim3A_134, %broadcast_in_dim3A_150, %broadcast_in_dim3A_152 in 1 : vector<1024x1xi32>, vector<1024x1xi32>, vector<1024x1xi32>, vector<1024x1xi32>, vector<1024x1xi32>, vector<1024x1xi32>, vector<1024x1xi32>, vector<1024x1xi32>, vector<1024x1xi32>, vector<1024x1xi32>, vector<1024x6xi32> -> vector<1024x16xi32>
    %swap3A = arith.constant 0 : index
    %swap3A_153 = arith.constant 0 : index
    %swap3A_154 = vector.load %arg2[%swap3A, %swap3A_153] : memref<1024x16xi32, #tpu.memory_space<vmem>>, vector<1024x16xi32>
    tpu.vector_store %arg2[%swap3A, %swap3A_153], %concatenate3A {strides = array<i32>} : memref<1024x16xi32, #tpu.memory_space<vmem>>, vector<1024x16xi32>,
    %iota3A_155 = tpu.iota {dimensions = array<i32: 0>} : vector<1024x16xi32>
    %iota3A_156 = tpu.iota {dimensions = array<i32: 1>} : vector<1024x16xi32>
    %lt3A = arith.constant 10 : i32
    %lt3A_157 = vector.broadcast %lt3A : i32 to vector<1024x16xi32>
    %lt3A_158 = arith.cmpi slt, %iota3A_156, %lt3A_157 : vector<1024x16xi32>
    %mul3A = arith.constant 784 : i32
    %mul3A_159 = vector.broadcast %mul3A : i32 to vector<1024x16xi32>
    %mul3A_160 = arith.muli %iota3A_155, %mul3A_159 : vector<1024x16xi32>
    %add3A = arith.addi %mul3A_160, %concatenate3A : vector<1024x16xi32>
    %jit3A_161 = arith.constant 0 : i32
    %broadcast_in_dim3A_162 = vector.broadcast %jit3A_161 : i32 to vector<1024x16xi32>
    %select_n3A_163 = arith.select %lt3A_158, %add3A, %broadcast_in_dim3A_162 : vector<1024x16xi1>, vector<1024x16xi32>
    %swap3A_164 = arith.constant 0 : index
    %swap3A_165 = arith.constant 0 : index
    %swap3A_166 = vector.load %arg1[%swap3A_164, %swap3A_165] : memref<1024x16xi32, #tpu.memory_space<vmem>>, vector<1024x16xi32>
    tpu.vector_store %arg1[%swap3A_164, %swap3A_165], %select_n3A_163 {strides = array<i32>} : memref<1024x16xi32, #tpu.memory_space<vmem>>, vector<1024x16xi32>,
    return
  }
}

module attributes {stable_mosaic.version = 14 : i64} {
  func.func @_scores_body(%arg0: i32, %arg1: memref<1024x128xf32, #tpu.memory_space<vmem>>, %arg2: memref<2048x128xf32, #tpu.memory_space<vmem>>, %arg3: memref<1024x2048xf32, #tpu.memory_space<vmem>>, %arg4: memref<1x1024x16xf32, #tpu.memory_space<vmem>>, %arg5: memref<1024x128xf32, #tpu.memory_space<vmem>>) attributes {dimension_semantics = [#tpu.dimension_semantics<arbitrary>], iteration_bounds = array<i64: 49>, scalar_prefetch = 0 : i64, scratch_operands = 1 : i64, tpu.core_type = #tpu.core_type<tc>, window_params = [{pipeline_mode = #tpu.pipeline_mode<synchronous>, transform_indices = @transform_0, window_bounds = array<i64: 1024, 128>}, {transform_indices = @transform_1, window_bounds = array<i64: 2048, 128>}, {transform_indices = @transform_2, window_bounds = array<i64: 1024, 2048>}, {transform_indices = @transform_3, window_bounds = array<i64: 1, 1024, 16>}]} {
    %eq3A = arith.constant 0 : i32
    %eq3A_0 = arith.cmpi eq, %arg0, %eq3A : i32
    %convert_element_type3A = arith.extui %eq3A_0 : i1 to i32
    %cond3A = arith.constant 0 : i32
    %cond3A_1 = arith.cmpi ne, %convert_element_type3A, %cond3A : i32
    scf.if %cond3A_1 {
      %get3A_21 = arith.constant 0 : index
      %get3A_22 = arith.constant 0 : index
      %get3A_23 = vector.load %arg1[%get3A_21, %get3A_22] : memref<1024x128xf32, #tpu.memory_space<vmem>>, vector<1024x128xf32>
      %mul3A_24 = arith.mulf %get3A_23, %get3A_23 : vector<1024x128xf32>
      %reduce_sum3A_25 = arith.constant dense<0.000000e+00> : vector<1024xf32>
      %reduce_sum3A_26 = vector.multi_reduction <add>, %mul3A_24, %reduce_sum3A_25 [1] : vector<1024x128xf32> to vector<1024xf32>
      %broadcast_in_dim3A_27 = vector.shape_cast %reduce_sum3A_26 : vector<1024xf32> to vector<1024x1xf32>
      %sqrt3A_28 = math.sqrt %broadcast_in_dim3A_27 : vector<1024x1xf32>
      %add3A_29 = arith.constant 9.99999996E-13 : f32
      %add3A_30 = vector.broadcast %add3A_29 : f32 to vector<1024x1xf32>
      %add3A_31 = arith.addf %sqrt3A_28, %add3A_30 : vector<1024x1xf32>
      %div3A_32 = vector.broadcast %add3A_31 : vector<1024x1xf32> to vector<1024x128xf32>
      %div3A_33 = arith.divf %get3A_23, %div3A_32 : vector<1024x128xf32>
      %swap3A = arith.constant 0 : index
      %swap3A_34 = arith.constant 0 : index
      %swap3A_35 = vector.load %arg5[%swap3A, %swap3A_34] : memref<1024x128xf32, #tpu.memory_space<vmem>>, vector<1024x128xf32>
      tpu.vector_store %arg5[%swap3A, %swap3A_34], %div3A_33 {strides = array<i32>} : memref<1024x128xf32, #tpu.memory_space<vmem>>, vector<1024x128xf32>,
    } else {
    }
    %get3A = arith.constant 0 : index
    %get3A_2 = arith.constant 0 : index
    %get3A_3 = vector.load %arg2[%get3A, %get3A_2] : memref<2048x128xf32, #tpu.memory_space<vmem>>, vector<2048x128xf32>
    %mul3A = arith.mulf %get3A_3, %get3A_3 : vector<2048x128xf32>
    %reduce_sum3A = arith.constant dense<0.000000e+00> : vector<2048xf32>
    %reduce_sum3A_4 = vector.multi_reduction <add>, %mul3A, %reduce_sum3A [1] : vector<2048x128xf32> to vector<2048xf32>
    %broadcast_in_dim3A = vector.shape_cast %reduce_sum3A_4 : vector<2048xf32> to vector<2048x1xf32>
    %sqrt3A = math.sqrt %broadcast_in_dim3A : vector<2048x1xf32>
    %add3A = arith.constant 9.99999996E-13 : f32
    %add3A_5 = vector.broadcast %add3A : f32 to vector<2048x1xf32>
    %add3A_6 = arith.addf %sqrt3A, %add3A_5 : vector<2048x1xf32>
    %div3A = vector.broadcast %add3A_6 : vector<2048x1xf32> to vector<2048x128xf32>
    %div3A_7 = arith.divf %get3A_3, %div3A : vector<2048x128xf32>
    %get3A_8 = arith.constant 0 : index
    %get3A_9 = arith.constant 0 : index
    %get3A_10 = vector.load %arg5[%get3A_8, %get3A_9] : memref<1024x128xf32, #tpu.memory_space<vmem>>, vector<1024x128xf32>
    %dot_general3A = arith.constant dense<0.000000e+00> : vector<1024x2048xf32>
    %dot_general3A_11 = tpu.matmul %get3A_10, %div3A_7, %dot_general3A {dimension_numbers = #tpu.dot_dimension_numbers<[1], [1], [0], [0], [0, 0, 1, 0], [], []>, transpose_lhs_hint = false} : vector<1024x128xf32>, vector<2048x128xf32>, vector<1024x2048xf32> -> vector<1024x2048xf32>
    %lt3A = arith.constant 48 : i32
    %lt3A_12 = arith.cmpi slt, %arg0, %lt3A : i32
    %convert_element_type3A_13 = arith.extui %lt3A_12 : i1 to i32
    %cond3A_14 = arith.constant 0 : i32
    %cond3A_15 = arith.cmpi ne, %convert_element_type3A_13, %cond3A_14 : i32
    scf.if %cond3A_15 {
      %swap3A = arith.constant 0 : index
      %swap3A_21 = arith.constant 0 : index
      %swap3A_22 = vector.load %arg3[%swap3A, %swap3A_21] : memref<1024x2048xf32, #tpu.memory_space<vmem>>, vector<1024x2048xf32>
      tpu.vector_store %arg3[%swap3A, %swap3A_21], %dot_general3A_11 {strides = array<i32>} : memref<1024x2048xf32, #tpu.memory_space<vmem>>, vector<1024x2048xf32>,
      %reshape3A = vector.shape_cast %dot_general3A_11 : vector<1024x2048xf32> to vector<1024x16x128xf32>
      %reduce_max3A = arith.constant dense<0xFF800000> : vector<1024x16xf32>
      %reduce_max3A_23 = vector.multi_reduction <maximumf>, %reshape3A, %reduce_max3A [2] : vector<1024x16x128xf32> to vector<1024x16xf32>
      %reshape3A_24 = vector.shape_cast %reduce_max3A_23 : vector<1024x16xf32> to vector<1x1024x16xf32>
      %swap3A_25 = arith.constant 0 : index
      %swap3A_26 = arith.constant 0 : index
      %swap3A_27 = arith.constant 0 : index
      %swap3A_28 = vector.load %arg4[%swap3A_25, %swap3A_26, %swap3A_27] : memref<1x1024x16xf32, #tpu.memory_space<vmem>>, vector<1x1024x16xf32>
      tpu.vector_store %arg4[%swap3A_25, %swap3A_26, %swap3A_27], %reshape3A_24 {strides = array<i32>} : memref<1x1024x16xf32, #tpu.memory_space<vmem>>, vector<1x1024x16xf32>,
    } else {
    }
    %eq3A_16 = arith.constant 48 : i32
    %eq3A_17 = arith.cmpi eq, %arg0, %eq3A_16 : i32
    %convert_element_type3A_18 = arith.extui %eq3A_17 : i1 to i32
    %cond3A_19 = arith.constant 0 : i32
    %cond3A_20 = arith.cmpi ne, %convert_element_type3A_18, %cond3A_19 : i32
    scf.if %cond3A_20 {
      %iota3A = tpu.iota {dimensions = array<i32: 1>} : vector<1024x2048xi32>
      %mul3A_21 = arith.constant 2048 : i32
      %mul3A_22 = arith.muli %arg0, %mul3A_21 : i32
      %add3A_23 = vector.broadcast %mul3A_22 : i32 to vector<1024x2048xi32>
      %add3A_24 = arith.addi %iota3A, %add3A_23 : vector<1024x2048xi32>
      %lt3A_25 = arith.constant 100000 : i32
      %lt3A_26 = vector.broadcast %lt3A_25 : i32 to vector<1024x2048xi32>
      %lt3A_27 = arith.cmpi slt, %add3A_24, %lt3A_26 : vector<1024x2048xi32>
      %jit3A = arith.constant -3.40282347E+38 : f32
      %broadcast_in_dim3A_28 = vector.broadcast %jit3A : f32 to vector<1024x2048xf32>
      %select_n3A = arith.select %lt3A_27, %dot_general3A_11, %broadcast_in_dim3A_28 : vector<1024x2048xi1>, vector<1024x2048xf32>
      %swap3A = arith.constant 0 : index
      %swap3A_29 = arith.constant 0 : index
      %swap3A_30 = vector.load %arg3[%swap3A, %swap3A_29] : memref<1024x2048xf32, #tpu.memory_space<vmem>>, vector<1024x2048xf32>
      tpu.vector_store %arg3[%swap3A, %swap3A_29], %select_n3A {strides = array<i32>} : memref<1024x2048xf32, #tpu.memory_space<vmem>>, vector<1024x2048xf32>,
      %reshape3A = vector.shape_cast %select_n3A : vector<1024x2048xf32> to vector<1024x16x128xf32>
      %reduce_max3A = arith.constant dense<0xFF800000> : vector<1024x16xf32>
      %reduce_max3A_31 = vector.multi_reduction <maximumf>, %reshape3A, %reduce_max3A [2] : vector<1024x16x128xf32> to vector<1024x16xf32>
      %reshape3A_32 = vector.shape_cast %reduce_max3A_31 : vector<1024x16xf32> to vector<1x1024x16xf32>
      %swap3A_33 = arith.constant 0 : index
      %swap3A_34 = arith.constant 0 : index
      %swap3A_35 = arith.constant 0 : index
      %swap3A_36 = vector.load %arg4[%swap3A_33, %swap3A_34, %swap3A_35] : memref<1x1024x16xf32, #tpu.memory_space<vmem>>, vector<1x1024x16xf32>
      tpu.vector_store %arg4[%swap3A_33, %swap3A_34, %swap3A_35], %reshape3A_32 {strides = array<i32>} : memref<1x1024x16xf32, #tpu.memory_space<vmem>>, vector<1x1024x16xf32>,
    } else {
    }
    return
  }
  func.func @transform_0(%arg0: i32) -> (i32, i32) {
    %c0_i32 = arith.constant 0 : i32
    %c0_i32_0 = arith.constant 0 : i32
    %c0_i32_1 = arith.constant 0 : i32
    return %c0_i32, %c0_i32_0 : i32, i32
  }
  func.func @transform_1(%arg0: i32) -> (i32, i32) {
    %c0_i32 = arith.constant 0 : i32
    %c0_i32_0 = arith.constant 0 : i32
    return %arg0, %c0_i32 : i32, i32
  }
  func.func @transform_2(%arg0: i32) -> (i32, i32) {
    %c0_i32 = arith.constant 0 : i32
    %c0_i32_0 = arith.constant 0 : i32
    return %c0_i32, %arg0 : i32, i32
  }
  func.func @transform_3(%arg0: i32) -> (i32, i32, i32) {
    %c0_i32 = arith.constant 0 : i32
    %c0_i32_0 = arith.constant 0 : i32
    %c0_i32_1 = arith.constant 0 : i32
    return %arg0, %c0_i32, %c0_i32_0 : i32, i32, i32
  }
}

module attributes {stable_mosaic.version = 14 : i64} {
  func.func @_cand_body(%arg0: memref<1024x1280xf32, #tpu.memory_space<vmem>>, %arg1: memref<1024x16xi32, #tpu.memory_space<vmem>>, %arg2: memref<1024x784xf32, #tpu.memory_space<vmem>>, %arg3: memref<1024x128xi32, #tpu.memory_space<vmem>>, %arg4: memref<1x1xi32, #tpu.memory_space<vmem>>) attributes {dimension_semantics = [], scalar_prefetch = 0 : i64, scratch_operands = 0 : i64, tpu.core_type = #tpu.core_type<tc>} {
    %get3A = arith.constant 0 : index
    %get3A_0 = arith.constant 0 : index
    %get3A_1 = vector.load %arg0[%get3A, %get3A_0] : memref<1024x1280xf32, #tpu.memory_space<vmem>>, vector<1024x1280xf32>
    %iota3A = tpu.iota {dimensions = array<i32: 1>} : vector<1024x1280xi32>
    %get3A_2 = arith.constant 0 : index
    %get3A_3 = arith.constant 0 : index
    %get3A_4 = vector.load %arg1[%get3A_2, %get3A_3] : memref<1024x16xi32, #tpu.memory_space<vmem>>, vector<1024x16xi32>
    %iota3A_5 = tpu.iota {dimensions = array<i32: 1>} : vector<1024x16xi32>
    %reduce_max3A = arith.constant dense<0xFF800000> : vector<1024xf32>
    %reduce_max3A_6 = vector.multi_reduction <maximumf>, %get3A_1, %reduce_max3A [1] : vector<1024x1280xf32> to vector<1024xf32>
    %broadcast_in_dim3A = vector.shape_cast %reduce_max3A_6 : vector<1024xf32> to vector<1024x1xf32>
    %eq3A = vector.broadcast %broadcast_in_dim3A : vector<1024x1xf32> to vector<1024x1280xf32>
    %eq3A_7 = arith.cmpf oeq, %get3A_1, %eq3A : vector<1024x1280xf32>
    %jit3A = arith.constant 1280 : i32
    %broadcast_in_dim3A_8 = vector.broadcast %jit3A : i32 to vector<1024x1280xi32>
    %select_n3A = arith.select %eq3A_7, %iota3A, %broadcast_in_dim3A_8 : vector<1024x1280xi1>, vector<1024x1280xi32>
    %reduce_min3A = arith.constant dense<2147483647> : vector<1024xi32>
    %reduce_min3A_9 = vector.multi_reduction <minsi>, %select_n3A, %reduce_min3A [1] : vector<1024x1280xi32> to vector<1024xi32>
    %broadcast_in_dim3A_10 = vector.shape_cast %reduce_min3A_9 : vector<1024xi32> to vector<1024x1xi32>
    %eq3A_11 = vector.broadcast %broadcast_in_dim3A_10 : vector<1024x1xi32> to vector<1024x1280xi32>
    %eq3A_12 = arith.cmpi eq, %iota3A, %eq3A_11 : vector<1024x1280xi32>
    %jit3A_13 = arith.constant -3.40282347E+38 : f32
    %broadcast_in_dim3A_14 = vector.broadcast %jit3A_13 : f32 to vector<1024x1280xf32>
    %select_n3A_15 = arith.select %eq3A_12, %broadcast_in_dim3A_14, %get3A_1 : vector<1024x1280xi1>, vector<1024x1280xf32>
    %jit3A_16 = arith.constant 128 : i32
    %div3A = vector.broadcast %jit3A_16 : i32 to vector<1024x1xi32>
    %div3A_17 = arith.divsi %broadcast_in_dim3A_10, %div3A : vector<1024x1xi32>
    %sign3A = arith.constant 0 : i32
    %sign3A_18 = vector.broadcast %sign3A : i32 to vector<1024x1xi32>
    %sign3A_19 = arith.cmpi sgt, %broadcast_in_dim3A_10, %sign3A_18 : vector<1024x1xi32>
    %sign3A_20 = arith.extui %sign3A_19 : vector<1024x1xi1> to vector<1024x1xi32>
    %sign3A_21 = arith.constant 0 : i32
    %sign3A_22 = vector.broadcast %sign3A_21 : i32 to vector<1024x1xi32>
    %sign3A_23 = arith.cmpi slt, %broadcast_in_dim3A_10, %sign3A_22 : vector<1024x1xi32>
    %sign3A_24 = arith.extui %sign3A_23 : vector<1024x1xi1> to vector<1024x1xi32>
    %sign3A_25 = arith.subi %sign3A_20, %sign3A_24 : vector<1024x1xi32>
    %sign3A_26 = arith.constant 0 : i32
    %sign3A_27 = arith.cmpi sgt, %jit3A_16, %sign3A_26 : i32
    %sign3A_28 = arith.extui %sign3A_27 : i1 to i32
    %sign3A_29 = arith.constant 0 : i32
    %sign3A_30 = arith.cmpi slt, %jit3A_16, %sign3A_29 : i32
    %sign3A_31 = arith.extui %sign3A_30 : i1 to i32
    %sign3A_32 = arith.subi %sign3A_28, %sign3A_31 : i32
    %ne3A = vector.broadcast %sign3A_32 : i32 to vector<1024x1xi32>
    %ne3A_33 = arith.cmpi ne, %sign3A_25, %ne3A : vector<1024x1xi32>
    %rem3A = vector.broadcast %jit3A_16 : i32 to vector<1024x1xi32>
    %rem3A_34 = arith.remsi %broadcast_in_dim3A_10, %rem3A : vector<1024x1xi32>
    %ne3A_35 = arith.constant 0 : i32
    %ne3A_36 = vector.broadcast %ne3A_35 : i32 to vector<1024x1xi32>
    %ne3A_37 = arith.cmpi ne, %rem3A_34, %ne3A_36 : vector<1024x1xi32>
    %and3A = arith.andi %ne3A_33, %ne3A_37 : vector<1024x1xi1>
    %sub3A = arith.constant 1 : i32
    %sub3A_38 = vector.broadcast %sub3A : i32 to vector<1024x1xi32>
    %sub3A_39 = arith.subi %div3A_17, %sub3A_38 : vector<1024x1xi32>
    %select_n3A_40 = arith.select %and3A, %sub3A_39, %div3A_17 : vector<1024x1xi1>, vector<1024x1xi32>
    %mul3A = arith.constant 128 : i32
    %mul3A_41 = vector.broadcast %mul3A : i32 to vector<1024x1xi32>
    %mul3A_42 = arith.muli %select_n3A_40, %mul3A_41 : vector<1024x1xi32>
    %sub3A_43 = arith.subi %broadcast_in_dim3A_10, %mul3A_42 : vector<1024x1xi32>
    %eq3A_44 = vector.broadcast %select_n3A_40 : vector<1024x1xi32> to vector<1024x16xi32>
    %eq3A_45 = arith.cmpi eq, %iota3A_5, %eq3A_44 : vector<1024x16xi32>
    %jit3A_46 = arith.constant 0 : i32
    %broadcast_in_dim3A_47 = vector.broadcast %jit3A_46 : i32 to vector<1024x16xi32>
    %select_n3A_48 = arith.select %eq3A_45, %get3A_4, %broadcast_in_dim3A_47 : vector<1024x16xi1>, vector<1024x16xi32>
    %reduce_sum3A = arith.constant dense<0> : vector<1024xi32>
    %reduce_sum3A_49 = vector.multi_reduction <add>, %select_n3A_48, %reduce_sum3A [1] : vector<1024x16xi32> to vector<1024xi32>
    %broadcast_in_dim3A_50 = vector.shape_cast %reduce_sum3A_49 : vector<1024xi32> to vector<1024x1xi32>
    %mul3A_51 = arith.constant 128 : i32
    %mul3A_52 = vector.broadcast %mul3A_51 : i32 to vector<1024x1xi32>
    %mul3A_53 = arith.muli %broadcast_in_dim3A_50, %mul3A_52 : vector<1024x1xi32>
    %add3A = arith.addi %mul3A_53, %sub3A_43 : vector<1024x1xi32>
    %reduce_max3A_54 = arith.constant dense<0xFF800000> : vector<1024xf32>
    %reduce_max3A_55 = vector.multi_reduction <maximumf>, %select_n3A_15, %reduce_max3A_54 [1] : vector<1024x1280xf32> to vector<1024xf32>
    %broadcast_in_dim3A_56 = vector.shape_cast %reduce_max3A_55 : vector<1024xf32> to vector<1024x1xf32>
    %eq3A_57 = vector.broadcast %broadcast_in_dim3A_56 : vector<1024x1xf32> to vector<1024x1280xf32>
    %eq3A_58 = arith.cmpf oeq, %select_n3A_15, %eq3A_57 : vector<1024x1280xf32>
    %jit3A_59 = arith.constant 1280 : i32
    %broadcast_in_dim3A_60 = vector.broadcast %jit3A_59 : i32 to vector<1024x1280xi32>
    %select_n3A_61 = arith.select %eq3A_58, %iota3A, %broadcast_in_dim3A_60 : vector<1024x1280xi1>, vector<1024x1280xi32>
    %reduce_min3A_62 = arith.constant dense<2147483647> : vector<1024xi32>
    %reduce_min3A_63 = vector.multi_reduction <minsi>, %select_n3A_61, %reduce_min3A_62 [1] : vector<1024x1280xi32> to vector<1024xi32>
    %broadcast_in_dim3A_64 = vector.shape_cast %reduce_min3A_63 : vector<1024xi32> to vector<1024x1xi32>
    %eq3A_65 = vector.broadcast %broadcast_in_dim3A_64 : vector<1024x1xi32> to vector<1024x1280xi32>
    %eq3A_66 = arith.cmpi eq, %iota3A, %eq3A_65 : vector<1024x1280xi32>
    %jit3A_67 = arith.constant -3.40282347E+38 : f32
    %broadcast_in_dim3A_68 = vector.broadcast %jit3A_67 : f32 to vector<1024x1280xf32>
    %select_n3A_69 = arith.select %eq3A_66, %broadcast_in_dim3A_68, %select_n3A_15 : vector<1024x1280xi1>, vector<1024x1280xf32>
    %jit3A_70 = arith.constant 128 : i32
    %div3A_71 = vector.broadcast %jit3A_70 : i32 to vector<1024x1xi32>
    %div3A_72 = arith.divsi %broadcast_in_dim3A_64, %div3A_71 : vector<1024x1xi32>
    %sign3A_73 = arith.constant 0 : i32
    %sign3A_74 = vector.broadcast %sign3A_73 : i32 to vector<1024x1xi32>
    %sign3A_75 = arith.cmpi sgt, %broadcast_in_dim3A_64, %sign3A_74 : vector<1024x1xi32>
    %sign3A_76 = arith.extui %sign3A_75 : vector<1024x1xi1> to vector<1024x1xi32>
    %sign3A_77 = arith.constant 0 : i32
    %sign3A_78 = vector.broadcast %sign3A_77 : i32 to vector<1024x1xi32>
    %sign3A_79 = arith.cmpi slt, %broadcast_in_dim3A_64, %sign3A_78 : vector<1024x1xi32>
    %sign3A_80 = arith.extui %sign3A_79 : vector<1024x1xi1> to vector<1024x1xi32>
    %sign3A_81 = arith.subi %sign3A_76, %sign3A_80 : vector<1024x1xi32>
    %sign3A_82 = arith.constant 0 : i32
    %sign3A_83 = arith.cmpi sgt, %jit3A_70, %sign3A_82 : i32
    %sign3A_84 = arith.extui %sign3A_83 : i1 to i32
    %sign3A_85 = arith.constant 0 : i32
    %sign3A_86 = arith.cmpi slt, %jit3A_70, %sign3A_85 : i32
    %sign3A_87 = arith.extui %sign3A_86 : i1 to i32
    %sign3A_88 = arith.subi %sign3A_84, %sign3A_87 : i32
    %ne3A_89 = vector.broadcast %sign3A_88 : i32 to vector<1024x1xi32>
    %ne3A_90 = arith.cmpi ne, %sign3A_81, %ne3A_89 : vector<1024x1xi32>
    %rem3A_91 = vector.broadcast %jit3A_70 : i32 to vector<1024x1xi32>
    %rem3A_92 = arith.remsi %broadcast_in_dim3A_64, %rem3A_91 : vector<1024x1xi32>
    %ne3A_93 = arith.constant 0 : i32
    %ne3A_94 = vector.broadcast %ne3A_93 : i32 to vector<1024x1xi32>
    %ne3A_95 = arith.cmpi ne, %rem3A_92, %ne3A_94 : vector<1024x1xi32>
    %and3A_96 = arith.andi %ne3A_90, %ne3A_95 : vector<1024x1xi1>
    %sub3A_97 = arith.constant 1 : i32
    %sub3A_98 = vector.broadcast %sub3A_97 : i32 to vector<1024x1xi32>
    %sub3A_99 = arith.subi %div3A_72, %sub3A_98 : vector<1024x1xi32>
    %select_n3A_100 = arith.select %and3A_96, %sub3A_99, %div3A_72 : vector<1024x1xi1>, vector<1024x1xi32>
    %mul3A_101 = arith.constant 128 : i32
    %mul3A_102 = vector.broadcast %mul3A_101 : i32 to vector<1024x1xi32>
    %mul3A_103 = arith.muli %select_n3A_100, %mul3A_102 : vector<1024x1xi32>
    %sub3A_104 = arith.subi %broadcast_in_dim3A_64, %mul3A_103 : vector<1024x1xi32>
    %eq3A_105 = vector.broadcast %select_n3A_100 : vector<1024x1xi32> to vector<1024x16xi32>
    %eq3A_106 = arith.cmpi eq, %iota3A_5, %eq3A_105 : vector<1024x16xi32>
    %jit3A_107 = arith.constant 0 : i32
    %broadcast_in_dim3A_108 = vector.broadcast %jit3A_107 : i32 to vector<1024x16xi32>
    %select_n3A_109 = arith.select %eq3A_106, %get3A_4, %broadcast_in_dim3A_108 : vector<1024x16xi1>, vector<1024x16xi32>
    %reduce_sum3A_110 = arith.constant dense<0> : vector<1024xi32>
    %reduce_sum3A_111 = vector.multi_reduction <add>, %select_n3A_109, %reduce_sum3A_110 [1] : vector<1024x16xi32> to vector<1024xi32>
    %broadcast_in_dim3A_112 = vector.shape_cast %reduce_sum3A_111 : vector<1024xi32> to vector<1024x1xi32>
    %mul3A_113 = arith.constant 128 : i32
    %mul3A_114 = vector.broadcast %mul3A_113 : i32 to vector<1024x1xi32>
    %mul3A_115 = arith.muli %broadcast_in_dim3A_112, %mul3A_114 : vector<1024x1xi32>
    %add3A_116 = arith.addi %mul3A_115, %sub3A_104 : vector<1024x1xi32>
    %reduce_max3A_117 = arith.constant dense<0xFF800000> : vector<1024xf32>
    %reduce_max3A_118 = vector.multi_reduction <maximumf>, %select_n3A_69, %reduce_max3A_117 [1] : vector<1024x1280xf32> to vector<1024xf32>
    %broadcast_in_dim3A_119 = vector.shape_cast %reduce_max3A_118 : vector<1024xf32> to vector<1024x1xf32>
    %eq3A_120 = vector.broadcast %broadcast_in_dim3A_119 : vector<1024x1xf32> to vector<1024x1280xf32>
    %eq3A_121 = arith.cmpf oeq, %select_n3A_69, %eq3A_120 : vector<1024x1280xf32>
    %jit3A_122 = arith.constant 1280 : i32
    %broadcast_in_dim3A_123 = vector.broadcast %jit3A_122 : i32 to vector<1024x1280xi32>
    %select_n3A_124 = arith.select %eq3A_121, %iota3A, %broadcast_in_dim3A_123 : vector<1024x1280xi1>, vector<1024x1280xi32>
    %reduce_min3A_125 = arith.constant dense<2147483647> : vector<1024xi32>
    %reduce_min3A_126 = vector.multi_reduction <minsi>, %select_n3A_124, %reduce_min3A_125 [1] : vector<1024x1280xi32> to vector<1024xi32>
    %broadcast_in_dim3A_127 = vector.shape_cast %reduce_min3A_126 : vector<1024xi32> to vector<1024x1xi32>
    %eq3A_128 = vector.broadcast %broadcast_in_dim3A_127 : vector<1024x1xi32> to vector<1024x1280xi32>
    %eq3A_129 = arith.cmpi eq, %iota3A, %eq3A_128 : vector<1024x1280xi32>
    %jit3A_130 = arith.constant -3.40282347E+38 : f32
    %broadcast_in_dim3A_131 = vector.broadcast %jit3A_130 : f32 to vector<1024x1280xf32>
    %select_n3A_132 = arith.select %eq3A_129, %broadcast_in_dim3A_131, %select_n3A_69 : vector<1024x1280xi1>, vector<1024x1280xf32>
    %jit3A_133 = arith.constant 128 : i32
    %div3A_134 = vector.broadcast %jit3A_133 : i32 to vector<1024x1xi32>
    %div3A_135 = arith.divsi %broadcast_in_dim3A_127, %div3A_134 : vector<1024x1xi32>
    %sign3A_136 = arith.constant 0 : i32
    %sign3A_137 = vector.broadcast %sign3A_136 : i32 to vector<1024x1xi32>
    %sign3A_138 = arith.cmpi sgt, %broadcast_in_dim3A_127, %sign3A_137 : vector<1024x1xi32>
    %sign3A_139 = arith.extui %sign3A_138 : vector<1024x1xi1> to vector<1024x1xi32>
    %sign3A_140 = arith.constant 0 : i32
    %sign3A_141 = vector.broadcast %sign3A_140 : i32 to vector<1024x1xi32>
    %sign3A_142 = arith.cmpi slt, %broadcast_in_dim3A_127, %sign3A_141 : vector<1024x1xi32>
    %sign3A_143 = arith.extui %sign3A_142 : vector<1024x1xi1> to vector<1024x1xi32>
    %sign3A_144 = arith.subi %sign3A_139, %sign3A_143 : vector<1024x1xi32>
    %sign3A_145 = arith.constant 0 : i32
    %sign3A_146 = arith.cmpi sgt, %jit3A_133, %sign3A_145 : i32
    %sign3A_147 = arith.extui %sign3A_146 : i1 to i32
    %sign3A_148 = arith.constant 0 : i32
    %sign3A_149 = arith.cmpi slt, %jit3A_133, %sign3A_148 : i32
    %sign3A_150 = arith.extui %sign3A_149 : i1 to i32
    %sign3A_151 = arith.subi %sign3A_147, %sign3A_150 : i32
    %ne3A_152 = vector.broadcast %sign3A_151 : i32 to vector<1024x1xi32>
    %ne3A_153 = arith.cmpi ne, %sign3A_144, %ne3A_152 : vector<1024x1xi32>
    %rem3A_154 = vector.broadcast %jit3A_133 : i32 to vector<1024x1xi32>
    %rem3A_155 = arith.remsi %broadcast_in_dim3A_127, %rem3A_154 : vector<1024x1xi32>
    %ne3A_156 = arith.constant 0 : i32
    %ne3A_157 = vector.broadcast %ne3A_156 : i32 to vector<1024x1xi32>
    %ne3A_158 = arith.cmpi ne, %rem3A_155, %ne3A_157 : vector<1024x1xi32>
    %and3A_159 = arith.andi %ne3A_153, %ne3A_158 : vector<1024x1xi1>
    %sub3A_160 = arith.constant 1 : i32
    %sub3A_161 = vector.broadcast %sub3A_160 : i32 to vector<1024x1xi32>
    %sub3A_162 = arith.subi %div3A_135, %sub3A_161 : vector<1024x1xi32>
    %select_n3A_163 = arith.select %and3A_159, %sub3A_162, %div3A_135 : vector<1024x1xi1>, vector<1024x1xi32>
    %mul3A_164 = arith.constant 128 : i32
    %mul3A_165 = vector.broadcast %mul3A_164 : i32 to vector<1024x1xi32>
    %mul3A_166 = arith.muli %select_n3A_163, %mul3A_165 : vector<1024x1xi32>
    %sub3A_167 = arith.subi %broadcast_in_dim3A_127, %mul3A_166 : vector<1024x1xi32>
    %eq3A_168 = vector.broadcast %select_n3A_163 : vector<1024x1xi32> to vector<1024x16xi32>
    %eq3A_169 = arith.cmpi eq, %iota3A_5, %eq3A_168 : vector<1024x16xi32>
    %jit3A_170 = arith.constant 0 : i32
    %broadcast_in_dim3A_171 = vector.broadcast %jit3A_170 : i32 to vector<1024x16xi32>
    %select_n3A_172 = arith.select %eq3A_169, %get3A_4, %broadcast_in_dim3A_171 : vector<1024x16xi1>, vector<1024x16xi32>
    %reduce_sum3A_173 = arith.constant dense<0> : vector<1024xi32>
    %reduce_sum3A_174 = vector.multi_reduction <add>, %select_n3A_172, %reduce_sum3A_173 [1] : vector<1024x16xi32> to vector<1024xi32>
    %broadcast_in_dim3A_175 = vector.shape_cast %reduce_sum3A_174 : vector<1024xi32> to vector<1024x1xi32>
    %mul3A_176 = arith.constant 128 : i32
    %mul3A_177 = vector.broadcast %mul3A_176 : i32 to vector<1024x1xi32>
    %mul3A_178 = arith.muli %broadcast_in_dim3A_175, %mul3A_177 : vector<1024x1xi32>
    %add3A_179 = arith.addi %mul3A_178, %sub3A_167 : vector<1024x1xi32>
    %reduce_max3A_180 = arith.constant dense<0xFF800000> : vector<1024xf32>
    %reduce_max3A_181 = vector.multi_reduction <maximumf>, %select_n3A_132, %reduce_max3A_180 [1] : vector<1024x1280xf32> to vector<1024xf32>
    %broadcast_in_dim3A_182 = vector.shape_cast %reduce_max3A_181 : vector<1024xf32> to vector<1024x1xf32>
    %eq3A_183 = vector.broadcast %broadcast_in_dim3A_182 : vector<1024x1xf32> to vector<1024x1280xf32>
    %eq3A_184 = arith.cmpf oeq, %select_n3A_132, %eq3A_183 : vector<1024x1280xf32>
    %jit3A_185 = arith.constant 1280 : i32
    %broadcast_in_dim3A_186 = vector.broadcast %jit3A_185 : i32 to vector<1024x1280xi32>
    %select_n3A_187 = arith.select %eq3A_184, %iota3A, %broadcast_in_dim3A_186 : vector<1024x1280xi1>, vector<1024x1280xi32>
    %reduce_min3A_188 = arith.constant dense<2147483647> : vector<1024xi32>
    %reduce_min3A_189 = vector.multi_reduction <minsi>, %select_n3A_187, %reduce_min3A_188 [1] : vector<1024x1280xi32> to vector<1024xi32>
    %broadcast_in_dim3A_190 = vector.shape_cast %reduce_min3A_189 : vector<1024xi32> to vector<1024x1xi32>
    %eq3A_191 = vector.broadcast %broadcast_in_dim3A_190 : vector<1024x1xi32> to vector<1024x1280xi32>
    %eq3A_192 = arith.cmpi eq, %iota3A, %eq3A_191 : vector<1024x1280xi32>
    %jit3A_193 = arith.constant -3.40282347E+38 : f32
    %broadcast_in_dim3A_194 = vector.broadcast %jit3A_193 : f32 to vector<1024x1280xf32>
    %select_n3A_195 = arith.select %eq3A_192, %broadcast_in_dim3A_194, %select_n3A_132 : vector<1024x1280xi1>, vector<1024x1280xf32>
    %jit3A_196 = arith.constant 128 : i32
    %div3A_197 = vector.broadcast %jit3A_196 : i32 to vector<1024x1xi32>
    %div3A_198 = arith.divsi %broadcast_in_dim3A_190, %div3A_197 : vector<1024x1xi32>
    %sign3A_199 = arith.constant 0 : i32
    %sign3A_200 = vector.broadcast %sign3A_199 : i32 to vector<1024x1xi32>
    %sign3A_201 = arith.cmpi sgt, %broadcast_in_dim3A_190, %sign3A_200 : vector<1024x1xi32>
    %sign3A_202 = arith.extui %sign3A_201 : vector<1024x1xi1> to vector<1024x1xi32>
    %sign3A_203 = arith.constant 0 : i32
    %sign3A_204 = vector.broadcast %sign3A_203 : i32 to vector<1024x1xi32>
    %sign3A_205 = arith.cmpi slt, %broadcast_in_dim3A_190, %sign3A_204 : vector<1024x1xi32>
    %sign3A_206 = arith.extui %sign3A_205 : vector<1024x1xi1> to vector<1024x1xi32>
    %sign3A_207 = arith.subi %sign3A_202, %sign3A_206 : vector<1024x1xi32>
    %sign3A_208 = arith.constant 0 : i32
    %sign3A_209 = arith.cmpi sgt, %jit3A_196, %sign3A_208 : i32
    %sign3A_210 = arith.extui %sign3A_209 : i1 to i32
    %sign3A_211 = arith.constant 0 : i32
    %sign3A_212 = arith.cmpi slt, %jit3A_196, %sign3A_211 : i32
    %sign3A_213 = arith.extui %sign3A_212 : i1 to i32
    %sign3A_214 = arith.subi %sign3A_210, %sign3A_213 : i32
    %ne3A_215 = vector.broadcast %sign3A_214 : i32 to vector<1024x1xi32>
    %ne3A_216 = arith.cmpi ne, %sign3A_207, %ne3A_215 : vector<1024x1xi32>
    %rem3A_217 = vector.broadcast %jit3A_196 : i32 to vector<1024x1xi32>
    %rem3A_218 = arith.remsi %broadcast_in_dim3A_190, %rem3A_217 : vector<1024x1xi32>
    %ne3A_219 = arith.constant 0 : i32
    %ne3A_220 = vector.broadcast %ne3A_219 : i32 to vector<1024x1xi32>
    %ne3A_221 = arith.cmpi ne, %rem3A_218, %ne3A_220 : vector<1024x1xi32>
    %and3A_222 = arith.andi %ne3A_216, %ne3A_221 : vector<1024x1xi1>
    %sub3A_223 = arith.constant 1 : i32
    %sub3A_224 = vector.broadcast %sub3A_223 : i32 to vector<1024x1xi32>
    %sub3A_225 = arith.subi %div3A_198, %sub3A_224 : vector<1024x1xi32>
    %select_n3A_226 = arith.select %and3A_222, %sub3A_225, %div3A_198 : vector<1024x1xi1>, vector<1024x1xi32>
    %mul3A_227 = arith.constant 128 : i32
    %mul3A_228 = vector.broadcast %mul3A_227 : i32 to vector<1024x1xi32>
    %mul3A_229 = arith.muli %select_n3A_226, %mul3A_228 : vector<1024x1xi32>
    %sub3A_230 = arith.subi %broadcast_in_dim3A_190, %mul3A_229 : vector<1024x1xi32>
    %eq3A_231 = vector.broadcast %select_n3A_226 : vector<1024x1xi32> to vector<1024x16xi32>
    %eq3A_232 = arith.cmpi eq, %iota3A_5, %eq3A_231 : vector<1024x16xi32>
    %jit3A_233 = arith.constant 0 : i32
    %broadcast_in_dim3A_234 = vector.broadcast %jit3A_233 : i32 to vector<1024x16xi32>
    %select_n3A_235 = arith.select %eq3A_232, %get3A_4, %broadcast_in_dim3A_234 : vector<1024x16xi1>, vector<1024x16xi32>
    %reduce_sum3A_236 = arith.constant dense<0> : vector<1024xi32>
    %reduce_sum3A_237 = vector.multi_reduction <add>, %select_n3A_235, %reduce_sum3A_236 [1] : vector<1024x16xi32> to vector<1024xi32>
    %broadcast_in_dim3A_238 = vector.shape_cast %reduce_sum3A_237 : vector<1024xi32> to vector<1024x1xi32>
    %mul3A_239 = arith.constant 128 : i32
    %mul3A_240 = vector.broadcast %mul3A_239 : i32 to vector<1024x1xi32>
    %mul3A_241 = arith.muli %broadcast_in_dim3A_238, %mul3A_240 : vector<1024x1xi32>
    %add3A_242 = arith.addi %mul3A_241, %sub3A_230 : vector<1024x1xi32>
    %reduce_max3A_243 = arith.constant dense<0xFF800000> : vector<1024xf32>
    %reduce_max3A_244 = vector.multi_reduction <maximumf>, %select_n3A_195, %reduce_max3A_243 [1] : vector<1024x1280xf32> to vector<1024xf32>
    %broadcast_in_dim3A_245 = vector.shape_cast %reduce_max3A_244 : vector<1024xf32> to vector<1024x1xf32>
    %eq3A_246 = vector.broadcast %broadcast_in_dim3A_245 : vector<1024x1xf32> to vector<1024x1280xf32>
    %eq3A_247 = arith.cmpf oeq, %select_n3A_195, %eq3A_246 : vector<1024x1280xf32>
    %jit3A_248 = arith.constant 1280 : i32
    %broadcast_in_dim3A_249 = vector.broadcast %jit3A_248 : i32 to vector<1024x1280xi32>
    %select_n3A_250 = arith.select %eq3A_247, %iota3A, %broadcast_in_dim3A_249 : vector<1024x1280xi1>, vector<1024x1280xi32>
    %reduce_min3A_251 = arith.constant dense<2147483647> : vector<1024xi32>
    %reduce_min3A_252 = vector.multi_reduction <minsi>, %select_n3A_250, %reduce_min3A_251 [1] : vector<1024x1280xi32> to vector<1024xi32>
    %broadcast_in_dim3A_253 = vector.shape_cast %reduce_min3A_252 : vector<1024xi32> to vector<1024x1xi32>
    %eq3A_254 = vector.broadcast %broadcast_in_dim3A_253 : vector<1024x1xi32> to vector<1024x1280xi32>
    %eq3A_255 = arith.cmpi eq, %iota3A, %eq3A_254 : vector<1024x1280xi32>
    %jit3A_256 = arith.constant -3.40282347E+38 : f32
    %broadcast_in_dim3A_257 = vector.broadcast %jit3A_256 : f32 to vector<1024x1280xf32>
    %select_n3A_258 = arith.select %eq3A_255, %broadcast_in_dim3A_257, %select_n3A_195 : vector<1024x1280xi1>, vector<1024x1280xf32>
    %jit3A_259 = arith.constant 128 : i32
    %div3A_260 = vector.broadcast %jit3A_259 : i32 to vector<1024x1xi32>
    %div3A_261 = arith.divsi %broadcast_in_dim3A_253, %div3A_260 : vector<1024x1xi32>
    %sign3A_262 = arith.constant 0 : i32
    %sign3A_263 = vector.broadcast %sign3A_262 : i32 to vector<1024x1xi32>
    %sign3A_264 = arith.cmpi sgt, %broadcast_in_dim3A_253, %sign3A_263 : vector<1024x1xi32>
    %sign3A_265 = arith.extui %sign3A_264 : vector<1024x1xi1> to vector<1024x1xi32>
    %sign3A_266 = arith.constant 0 : i32
    %sign3A_267 = vector.broadcast %sign3A_266 : i32 to vector<1024x1xi32>
    %sign3A_268 = arith.cmpi slt, %broadcast_in_dim3A_253, %sign3A_267 : vector<1024x1xi32>
    %sign3A_269 = arith.extui %sign3A_268 : vector<1024x1xi1> to vector<1024x1xi32>
    %sign3A_270 = arith.subi %sign3A_265, %sign3A_269 : vector<1024x1xi32>
    %sign3A_271 = arith.constant 0 : i32
    %sign3A_272 = arith.cmpi sgt, %jit3A_259, %sign3A_271 : i32
    %sign3A_273 = arith.extui %sign3A_272 : i1 to i32
    %sign3A_274 = arith.constant 0 : i32
    %sign3A_275 = arith.cmpi slt, %jit3A_259, %sign3A_274 : i32
    %sign3A_276 = arith.extui %sign3A_275 : i1 to i32
    %sign3A_277 = arith.subi %sign3A_273, %sign3A_276 : i32
    %ne3A_278 = vector.broadcast %sign3A_277 : i32 to vector<1024x1xi32>
    %ne3A_279 = arith.cmpi ne, %sign3A_270, %ne3A_278 : vector<1024x1xi32>
    %rem3A_280 = vector.broadcast %jit3A_259 : i32 to vector<1024x1xi32>
    %rem3A_281 = arith.remsi %broadcast_in_dim3A_253, %rem3A_280 : vector<1024x1xi32>
    %ne3A_282 = arith.constant 0 : i32
    %ne3A_283 = vector.broadcast %ne3A_282 : i32 to vector<1024x1xi32>
    %ne3A_284 = arith.cmpi ne, %rem3A_281, %ne3A_283 : vector<1024x1xi32>
    %and3A_285 = arith.andi %ne3A_279, %ne3A_284 : vector<1024x1xi1>
    %sub3A_286 = arith.constant 1 : i32
    %sub3A_287 = vector.broadcast %sub3A_286 : i32 to vector<1024x1xi32>
    %sub3A_288 = arith.subi %div3A_261, %sub3A_287 : vector<1024x1xi32>
    %select_n3A_289 = arith.select %and3A_285, %sub3A_288, %div3A_261 : vector<1024x1xi1>, vector<1024x1xi32>
    %mul3A_290 = arith.constant 128 : i32
    %mul3A_291 = vector.broadcast %mul3A_290 : i32 to vector<1024x1xi32>
    %mul3A_292 = arith.muli %select_n3A_289, %mul3A_291 : vector<1024x1xi32>
    %sub3A_293 = arith.subi %broadcast_in_dim3A_253, %mul3A_292 : vector<1024x1xi32>
    %eq3A_294 = vector.broadcast %select_n3A_289 : vector<1024x1xi32> to vector<1024x16xi32>
    %eq3A_295 = arith.cmpi eq, %iota3A_5, %eq3A_294 : vector<1024x16xi32>
    %jit3A_296 = arith.constant 0 : i32
    %broadcast_in_dim3A_297 = vector.broadcast %jit3A_296 : i32 to vector<1024x16xi32>
    %select_n3A_298 = arith.select %eq3A_295, %get3A_4, %broadcast_in_dim3A_297 : vector<1024x16xi1>, vector<1024x16xi32>
    %reduce_sum3A_299 = arith.constant dense<0> : vector<1024xi32>
    %reduce_sum3A_300 = vector.multi_reduction <add>, %select_n3A_298, %reduce_sum3A_299 [1] : vector<1024x16xi32> to vector<1024xi32>
    %broadcast_in_dim3A_301 = vector.shape_cast %reduce_sum3A_300 : vector<1024xi32> to vector<1024x1xi32>
    %mul3A_302 = arith.constant 128 : i32
    %mul3A_303 = vector.broadcast %mul3A_302 : i32 to vector<1024x1xi32>
    %mul3A_304 = arith.muli %broadcast_in_dim3A_301, %mul3A_303 : vector<1024x1xi32>
    %add3A_305 = arith.addi %mul3A_304, %sub3A_293 : vector<1024x1xi32>
    %reduce_max3A_306 = arith.constant dense<0xFF800000> : vector<1024xf32>
    %reduce_max3A_307 = vector.multi_reduction <maximumf>, %select_n3A_258, %reduce_max3A_306 [1] : vector<1024x1280xf32> to vector<1024xf32>
    %broadcast_in_dim3A_308 = vector.shape_cast %reduce_max3A_307 : vector<1024xf32> to vector<1024x1xf32>
    %eq3A_309 = vector.broadcast %broadcast_in_dim3A_308 : vector<1024x1xf32> to vector<1024x1280xf32>
    %eq3A_310 = arith.cmpf oeq, %select_n3A_258, %eq3A_309 : vector<1024x1280xf32>
    %jit3A_311 = arith.constant 1280 : i32
    %broadcast_in_dim3A_312 = vector.broadcast %jit3A_311 : i32 to vector<1024x1280xi32>
    %select_n3A_313 = arith.select %eq3A_310, %iota3A, %broadcast_in_dim3A_312 : vector<1024x1280xi1>, vector<1024x1280xi32>
    %reduce_min3A_314 = arith.constant dense<2147483647> : vector<1024xi32>
    %reduce_min3A_315 = vector.multi_reduction <minsi>, %select_n3A_313, %reduce_min3A_314 [1] : vector<1024x1280xi32> to vector<1024xi32>
    %broadcast_in_dim3A_316 = vector.shape_cast %reduce_min3A_315 : vector<1024xi32> to vector<1024x1xi32>
    %eq3A_317 = vector.broadcast %broadcast_in_dim3A_316 : vector<1024x1xi32> to vector<1024x1280xi32>
    %eq3A_318 = arith.cmpi eq, %iota3A, %eq3A_317 : vector<1024x1280xi32>
    %jit3A_319 = arith.constant -3.40282347E+38 : f32
    %broadcast_in_dim3A_320 = vector.broadcast %jit3A_319 : f32 to vector<1024x1280xf32>
    %select_n3A_321 = arith.select %eq3A_318, %broadcast_in_dim3A_320, %select_n3A_258 : vector<1024x1280xi1>, vector<1024x1280xf32>
    %jit3A_322 = arith.constant 128 : i32
    %div3A_323 = vector.broadcast %jit3A_322 : i32 to vector<1024x1xi32>
    %div3A_324 = arith.divsi %broadcast_in_dim3A_316, %div3A_323 : vector<1024x1xi32>
    %sign3A_325 = arith.constant 0 : i32
    %sign3A_326 = vector.broadcast %sign3A_325 : i32 to vector<1024x1xi32>
    %sign3A_327 = arith.cmpi sgt, %broadcast_in_dim3A_316, %sign3A_326 : vector<1024x1xi32>
    %sign3A_328 = arith.extui %sign3A_327 : vector<1024x1xi1> to vector<1024x1xi32>
    %sign3A_329 = arith.constant 0 : i32
    %sign3A_330 = vector.broadcast %sign3A_329 : i32 to vector<1024x1xi32>
    %sign3A_331 = arith.cmpi slt, %broadcast_in_dim3A_316, %sign3A_330 : vector<1024x1xi32>
    %sign3A_332 = arith.extui %sign3A_331 : vector<1024x1xi1> to vector<1024x1xi32>
    %sign3A_333 = arith.subi %sign3A_328, %sign3A_332 : vector<1024x1xi32>
    %sign3A_334 = arith.constant 0 : i32
    %sign3A_335 = arith.cmpi sgt, %jit3A_322, %sign3A_334 : i32
    %sign3A_336 = arith.extui %sign3A_335 : i1 to i32
    %sign3A_337 = arith.constant 0 : i32
    %sign3A_338 = arith.cmpi slt, %jit3A_322, %sign3A_337 : i32
    %sign3A_339 = arith.extui %sign3A_338 : i1 to i32
    %sign3A_340 = arith.subi %sign3A_336, %sign3A_339 : i32
    %ne3A_341 = vector.broadcast %sign3A_340 : i32 to vector<1024x1xi32>
    %ne3A_342 = arith.cmpi ne, %sign3A_333, %ne3A_341 : vector<1024x1xi32>
    %rem3A_343 = vector.broadcast %jit3A_322 : i32 to vector<1024x1xi32>
    %rem3A_344 = arith.remsi %broadcast_in_dim3A_316, %rem3A_343 : vector<1024x1xi32>
    %ne3A_345 = arith.constant 0 : i32
    %ne3A_346 = vector.broadcast %ne3A_345 : i32 to vector<1024x1xi32>
    %ne3A_347 = arith.cmpi ne, %rem3A_344, %ne3A_346 : vector<1024x1xi32>
    %and3A_348 = arith.andi %ne3A_342, %ne3A_347 : vector<1024x1xi1>
    %sub3A_349 = arith.constant 1 : i32
    %sub3A_350 = vector.broadcast %sub3A_349 : i32 to vector<1024x1xi32>
    %sub3A_351 = arith.subi %div3A_324, %sub3A_350 : vector<1024x1xi32>
    %select_n3A_352 = arith.select %and3A_348, %sub3A_351, %div3A_324 : vector<1024x1xi1>, vector<1024x1xi32>
    %mul3A_353 = arith.constant 128 : i32
    %mul3A_354 = vector.broadcast %mul3A_353 : i32 to vector<1024x1xi32>
    %mul3A_355 = arith.muli %select_n3A_352, %mul3A_354 : vector<1024x1xi32>
    %sub3A_356 = arith.subi %broadcast_in_dim3A_316, %mul3A_355 : vector<1024x1xi32>
    %eq3A_357 = vector.broadcast %select_n3A_352 : vector<1024x1xi32> to vector<1024x16xi32>
    %eq3A_358 = arith.cmpi eq, %iota3A_5, %eq3A_357 : vector<1024x16xi32>
    %jit3A_359 = arith.constant 0 : i32
    %broadcast_in_dim3A_360 = vector.broadcast %jit3A_359 : i32 to vector<1024x16xi32>
    %select_n3A_361 = arith.select %eq3A_358, %get3A_4, %broadcast_in_dim3A_360 : vector<1024x16xi1>, vector<1024x16xi32>
    %reduce_sum3A_362 = arith.constant dense<0> : vector<1024xi32>
    %reduce_sum3A_363 = vector.multi_reduction <add>, %select_n3A_361, %reduce_sum3A_362 [1] : vector<1024x16xi32> to vector<1024xi32>
    %broadcast_in_dim3A_364 = vector.shape_cast %reduce_sum3A_363 : vector<1024xi32> to vector<1024x1xi32>
    %mul3A_365 = arith.constant 128 : i32
    %mul3A_366 = vector.broadcast %mul3A_365 : i32 to vector<1024x1xi32>
    %mul3A_367 = arith.muli %broadcast_in_dim3A_364, %mul3A_366 : vector<1024x1xi32>
    %add3A_368 = arith.addi %mul3A_367, %sub3A_356 : vector<1024x1xi32>
    %reduce_max3A_369 = arith.constant dense<0xFF800000> : vector<1024xf32>
    %reduce_max3A_370 = vector.multi_reduction <maximumf>, %select_n3A_321, %reduce_max3A_369 [1] : vector<1024x1280xf32> to vector<1024xf32>
    %broadcast_in_dim3A_371 = vector.shape_cast %reduce_max3A_370 : vector<1024xf32> to vector<1024x1xf32>
    %eq3A_372 = vector.broadcast %broadcast_in_dim3A_371 : vector<1024x1xf32> to vector<1024x1280xf32>
    %eq3A_373 = arith.cmpf oeq, %select_n3A_321, %eq3A_372 : vector<1024x1280xf32>
    %jit3A_374 = arith.constant 1280 : i32
    %broadcast_in_dim3A_375 = vector.broadcast %jit3A_374 : i32 to vector<1024x1280xi32>
    %select_n3A_376 = arith.select %eq3A_373, %iota3A, %broadcast_in_dim3A_375 : vector<1024x1280xi1>, vector<1024x1280xi32>
    %reduce_min3A_377 = arith.constant dense<2147483647> : vector<1024xi32>
    %reduce_min3A_378 = vector.multi_reduction <minsi>, %select_n3A_376, %reduce_min3A_377 [1] : vector<1024x1280xi32> to vector<1024xi32>
    %broadcast_in_dim3A_379 = vector.shape_cast %reduce_min3A_378 : vector<1024xi32> to vector<1024x1xi32>
    %eq3A_380 = vector.broadcast %broadcast_in_dim3A_379 : vector<1024x1xi32> to vector<1024x1280xi32>
    %eq3A_381 = arith.cmpi eq, %iota3A, %eq3A_380 : vector<1024x1280xi32>
    %jit3A_382 = arith.constant -3.40282347E+38 : f32
    %broadcast_in_dim3A_383 = vector.broadcast %jit3A_382 : f32 to vector<1024x1280xf32>
    %select_n3A_384 = arith.select %eq3A_381, %broadcast_in_dim3A_383, %select_n3A_321 : vector<1024x1280xi1>, vector<1024x1280xf32>
    %jit3A_385 = arith.constant 128 : i32
    %div3A_386 = vector.broadcast %jit3A_385 : i32 to vector<1024x1xi32>
    %div3A_387 = arith.divsi %broadcast_in_dim3A_379, %div3A_386 : vector<1024x1xi32>
    %sign3A_388 = arith.constant 0 : i32
    %sign3A_389 = vector.broadcast %sign3A_388 : i32 to vector<1024x1xi32>
    %sign3A_390 = arith.cmpi sgt, %broadcast_in_dim3A_379, %sign3A_389 : vector<1024x1xi32>
    %sign3A_391 = arith.extui %sign3A_390 : vector<1024x1xi1> to vector<1024x1xi32>
    %sign3A_392 = arith.constant 0 : i32
    %sign3A_393 = vector.broadcast %sign3A_392 : i32 to vector<1024x1xi32>
    %sign3A_394 = arith.cmpi slt, %broadcast_in_dim3A_379, %sign3A_393 : vector<1024x1xi32>
    %sign3A_395 = arith.extui %sign3A_394 : vector<1024x1xi1> to vector<1024x1xi32>
    %sign3A_396 = arith.subi %sign3A_391, %sign3A_395 : vector<1024x1xi32>
    %sign3A_397 = arith.constant 0 : i32
    %sign3A_398 = arith.cmpi sgt, %jit3A_385, %sign3A_397 : i32
    %sign3A_399 = arith.extui %sign3A_398 : i1 to i32
    %sign3A_400 = arith.constant 0 : i32
    %sign3A_401 = arith.cmpi slt, %jit3A_385, %sign3A_400 : i32
    %sign3A_402 = arith.extui %sign3A_401 : i1 to i32
    %sign3A_403 = arith.subi %sign3A_399, %sign3A_402 : i32
    %ne3A_404 = vector.broadcast %sign3A_403 : i32 to vector<1024x1xi32>
    %ne3A_405 = arith.cmpi ne, %sign3A_396, %ne3A_404 : vector<1024x1xi32>
    %rem3A_406 = vector.broadcast %jit3A_385 : i32 to vector<1024x1xi32>
    %rem3A_407 = arith.remsi %broadcast_in_dim3A_379, %rem3A_406 : vector<1024x1xi32>
    %ne3A_408 = arith.constant 0 : i32
    %ne3A_409 = vector.broadcast %ne3A_408 : i32 to vector<1024x1xi32>
    %ne3A_410 = arith.cmpi ne, %rem3A_407, %ne3A_409 : vector<1024x1xi32>
    %and3A_411 = arith.andi %ne3A_405, %ne3A_410 : vector<1024x1xi1>
    %sub3A_412 = arith.constant 1 : i32
    %sub3A_413 = vector.broadcast %sub3A_412 : i32 to vector<1024x1xi32>
    %sub3A_414 = arith.subi %div3A_387, %sub3A_413 : vector<1024x1xi32>
    %select_n3A_415 = arith.select %and3A_411, %sub3A_414, %div3A_387 : vector<1024x1xi1>, vector<1024x1xi32>
    %mul3A_416 = arith.constant 128 : i32
    %mul3A_417 = vector.broadcast %mul3A_416 : i32 to vector<1024x1xi32>
    %mul3A_418 = arith.muli %select_n3A_415, %mul3A_417 : vector<1024x1xi32>
    %sub3A_419 = arith.subi %broadcast_in_dim3A_379, %mul3A_418 : vector<1024x1xi32>
    %eq3A_420 = vector.broadcast %select_n3A_415 : vector<1024x1xi32> to vector<1024x16xi32>
    %eq3A_421 = arith.cmpi eq, %iota3A_5, %eq3A_420 : vector<1024x16xi32>
    %jit3A_422 = arith.constant 0 : i32
    %broadcast_in_dim3A_423 = vector.broadcast %jit3A_422 : i32 to vector<1024x16xi32>
    %select_n3A_424 = arith.select %eq3A_421, %get3A_4, %broadcast_in_dim3A_423 : vector<1024x16xi1>, vector<1024x16xi32>
    %reduce_sum3A_425 = arith.constant dense<0> : vector<1024xi32>
    %reduce_sum3A_426 = vector.multi_reduction <add>, %select_n3A_424, %reduce_sum3A_425 [1] : vector<1024x16xi32> to vector<1024xi32>
    %broadcast_in_dim3A_427 = vector.shape_cast %reduce_sum3A_426 : vector<1024xi32> to vector<1024x1xi32>
    %mul3A_428 = arith.constant 128 : i32
    %mul3A_429 = vector.broadcast %mul3A_428 : i32 to vector<1024x1xi32>
    %mul3A_430 = arith.muli %broadcast_in_dim3A_427, %mul3A_429 : vector<1024x1xi32>
    %add3A_431 = arith.addi %mul3A_430, %sub3A_419 : vector<1024x1xi32>
    %reduce_max3A_432 = arith.constant dense<0xFF800000> : vector<1024xf32>
    %reduce_max3A_433 = vector.multi_reduction <maximumf>, %select_n3A_384, %reduce_max3A_432 [1] : vector<1024x1280xf32> to vector<1024xf32>
    %broadcast_in_dim3A_434 = vector.shape_cast %reduce_max3A_433 : vector<1024xf32> to vector<1024x1xf32>
    %eq3A_435 = vector.broadcast %broadcast_in_dim3A_434 : vector<1024x1xf32> to vector<1024x1280xf32>
    %eq3A_436 = arith.cmpf oeq, %select_n3A_384, %eq3A_435 : vector<1024x1280xf32>
    %jit3A_437 = arith.constant 1280 : i32
    %broadcast_in_dim3A_438 = vector.broadcast %jit3A_437 : i32 to vector<1024x1280xi32>
    %select_n3A_439 = arith.select %eq3A_436, %iota3A, %broadcast_in_dim3A_438 : vector<1024x1280xi1>, vector<1024x1280xi32>
    %reduce_min3A_440 = arith.constant dense<2147483647> : vector<1024xi32>
    %reduce_min3A_441 = vector.multi_reduction <minsi>, %select_n3A_439, %reduce_min3A_440 [1] : vector<1024x1280xi32> to vector<1024xi32>
    %broadcast_in_dim3A_442 = vector.shape_cast %reduce_min3A_441 : vector<1024xi32> to vector<1024x1xi32>
    %eq3A_443 = vector.broadcast %broadcast_in_dim3A_442 : vector<1024x1xi32> to vector<1024x1280xi32>
    %eq3A_444 = arith.cmpi eq, %iota3A, %eq3A_443 : vector<1024x1280xi32>
    %jit3A_445 = arith.constant -3.40282347E+38 : f32
    %broadcast_in_dim3A_446 = vector.broadcast %jit3A_445 : f32 to vector<1024x1280xf32>
    %select_n3A_447 = arith.select %eq3A_444, %broadcast_in_dim3A_446, %select_n3A_384 : vector<1024x1280xi1>, vector<1024x1280xf32>
    %jit3A_448 = arith.constant 128 : i32
    %div3A_449 = vector.broadcast %jit3A_448 : i32 to vector<1024x1xi32>
    %div3A_450 = arith.divsi %broadcast_in_dim3A_442, %div3A_449 : vector<1024x1xi32>
    %sign3A_451 = arith.constant 0 : i32
    %sign3A_452 = vector.broadcast %sign3A_451 : i32 to vector<1024x1xi32>
    %sign3A_453 = arith.cmpi sgt, %broadcast_in_dim3A_442, %sign3A_452 : vector<1024x1xi32>
    %sign3A_454 = arith.extui %sign3A_453 : vector<1024x1xi1> to vector<1024x1xi32>
    %sign3A_455 = arith.constant 0 : i32
    %sign3A_456 = vector.broadcast %sign3A_455 : i32 to vector<1024x1xi32>
    %sign3A_457 = arith.cmpi slt, %broadcast_in_dim3A_442, %sign3A_456 : vector<1024x1xi32>
    %sign3A_458 = arith.extui %sign3A_457 : vector<1024x1xi1> to vector<1024x1xi32>
    %sign3A_459 = arith.subi %sign3A_454, %sign3A_458 : vector<1024x1xi32>
    %sign3A_460 = arith.constant 0 : i32
    %sign3A_461 = arith.cmpi sgt, %jit3A_448, %sign3A_460 : i32
    %sign3A_462 = arith.extui %sign3A_461 : i1 to i32
    %sign3A_463 = arith.constant 0 : i32
    %sign3A_464 = arith.cmpi slt, %jit3A_448, %sign3A_463 : i32
    %sign3A_465 = arith.extui %sign3A_464 : i1 to i32
    %sign3A_466 = arith.subi %sign3A_462, %sign3A_465 : i32
    %ne3A_467 = vector.broadcast %sign3A_466 : i32 to vector<1024x1xi32>
    %ne3A_468 = arith.cmpi ne, %sign3A_459, %ne3A_467 : vector<1024x1xi32>
    %rem3A_469 = vector.broadcast %jit3A_448 : i32 to vector<1024x1xi32>
    %rem3A_470 = arith.remsi %broadcast_in_dim3A_442, %rem3A_469 : vector<1024x1xi32>
    %ne3A_471 = arith.constant 0 : i32
    %ne3A_472 = vector.broadcast %ne3A_471 : i32 to vector<1024x1xi32>
    %ne3A_473 = arith.cmpi ne, %rem3A_470, %ne3A_472 : vector<1024x1xi32>
    %and3A_474 = arith.andi %ne3A_468, %ne3A_473 : vector<1024x1xi1>
    %sub3A_475 = arith.constant 1 : i32
    %sub3A_476 = vector.broadcast %sub3A_475 : i32 to vector<1024x1xi32>
    %sub3A_477 = arith.subi %div3A_450, %sub3A_476 : vector<1024x1xi32>
    %select_n3A_478 = arith.select %and3A_474, %sub3A_477, %div3A_450 : vector<1024x1xi1>, vector<1024x1xi32>
    %mul3A_479 = arith.constant 128 : i32
    %mul3A_480 = vector.broadcast %mul3A_479 : i32 to vector<1024x1xi32>
    %mul3A_481 = arith.muli %select_n3A_478, %mul3A_480 : vector<1024x1xi32>
    %sub3A_482 = arith.subi %broadcast_in_dim3A_442, %mul3A_481 : vector<1024x1xi32>
    %eq3A_483 = vector.broadcast %select_n3A_478 : vector<1024x1xi32> to vector<1024x16xi32>
    %eq3A_484 = arith.cmpi eq, %iota3A_5, %eq3A_483 : vector<1024x16xi32>
    %jit3A_485 = arith.constant 0 : i32
    %broadcast_in_dim3A_486 = vector.broadcast %jit3A_485 : i32 to vector<1024x16xi32>
    %select_n3A_487 = arith.select %eq3A_484, %get3A_4, %broadcast_in_dim3A_486 : vector<1024x16xi1>, vector<1024x16xi32>
    %reduce_sum3A_488 = arith.constant dense<0> : vector<1024xi32>
    %reduce_sum3A_489 = vector.multi_reduction <add>, %select_n3A_487, %reduce_sum3A_488 [1] : vector<1024x16xi32> to vector<1024xi32>
    %broadcast_in_dim3A_490 = vector.shape_cast %reduce_sum3A_489 : vector<1024xi32> to vector<1024x1xi32>
    %mul3A_491 = arith.constant 128 : i32
    %mul3A_492 = vector.broadcast %mul3A_491 : i32 to vector<1024x1xi32>
    %mul3A_493 = arith.muli %broadcast_in_dim3A_490, %mul3A_492 : vector<1024x1xi32>
    %add3A_494 = arith.addi %mul3A_493, %sub3A_482 : vector<1024x1xi32>
    %reduce_max3A_495 = arith.constant dense<0xFF800000> : vector<1024xf32>
    %reduce_max3A_496 = vector.multi_reduction <maximumf>, %select_n3A_447, %reduce_max3A_495 [1] : vector<1024x1280xf32> to vector<1024xf32>
    %broadcast_in_dim3A_497 = vector.shape_cast %reduce_max3A_496 : vector<1024xf32> to vector<1024x1xf32>
    %eq3A_498 = vector.broadcast %broadcast_in_dim3A_497 : vector<1024x1xf32> to vector<1024x1280xf32>
    %eq3A_499 = arith.cmpf oeq, %select_n3A_447, %eq3A_498 : vector<1024x1280xf32>
    %jit3A_500 = arith.constant 1280 : i32
    %broadcast_in_dim3A_501 = vector.broadcast %jit3A_500 : i32 to vector<1024x1280xi32>
    %select_n3A_502 = arith.select %eq3A_499, %iota3A, %broadcast_in_dim3A_501 : vector<1024x1280xi1>, vector<1024x1280xi32>
    %reduce_min3A_503 = arith.constant dense<2147483647> : vector<1024xi32>
    %reduce_min3A_504 = vector.multi_reduction <minsi>, %select_n3A_502, %reduce_min3A_503 [1] : vector<1024x1280xi32> to vector<1024xi32>
    %broadcast_in_dim3A_505 = vector.shape_cast %reduce_min3A_504 : vector<1024xi32> to vector<1024x1xi32>
    %eq3A_506 = vector.broadcast %broadcast_in_dim3A_505 : vector<1024x1xi32> to vector<1024x1280xi32>
    %eq3A_507 = arith.cmpi eq, %iota3A, %eq3A_506 : vector<1024x1280xi32>
    %jit3A_508 = arith.constant -3.40282347E+38 : f32
    %broadcast_in_dim3A_509 = vector.broadcast %jit3A_508 : f32 to vector<1024x1280xf32>
    %select_n3A_510 = arith.select %eq3A_507, %broadcast_in_dim3A_509, %select_n3A_447 : vector<1024x1280xi1>, vector<1024x1280xf32>
    %jit3A_511 = arith.constant 128 : i32
    %div3A_512 = vector.broadcast %jit3A_511 : i32 to vector<1024x1xi32>
    %div3A_513 = arith.divsi %broadcast_in_dim3A_505, %div3A_512 : vector<1024x1xi32>
    %sign3A_514 = arith.constant 0 : i32
    %sign3A_515 = vector.broadcast %sign3A_514 : i32 to vector<1024x1xi32>
    %sign3A_516 = arith.cmpi sgt, %broadcast_in_dim3A_505, %sign3A_515 : vector<1024x1xi32>
    %sign3A_517 = arith.extui %sign3A_516 : vector<1024x1xi1> to vector<1024x1xi32>
    %sign3A_518 = arith.constant 0 : i32
    %sign3A_519 = vector.broadcast %sign3A_518 : i32 to vector<1024x1xi32>
    %sign3A_520 = arith.cmpi slt, %broadcast_in_dim3A_505, %sign3A_519 : vector<1024x1xi32>
    %sign3A_521 = arith.extui %sign3A_520 : vector<1024x1xi1> to vector<1024x1xi32>
    %sign3A_522 = arith.subi %sign3A_517, %sign3A_521 : vector<1024x1xi32>
    %sign3A_523 = arith.constant 0 : i32
    %sign3A_524 = arith.cmpi sgt, %jit3A_511, %sign3A_523 : i32
    %sign3A_525 = arith.extui %sign3A_524 : i1 to i32
    %sign3A_526 = arith.constant 0 : i32
    %sign3A_527 = arith.cmpi slt, %jit3A_511, %sign3A_526 : i32
    %sign3A_528 = arith.extui %sign3A_527 : i1 to i32
    %sign3A_529 = arith.subi %sign3A_525, %sign3A_528 : i32
    %ne3A_530 = vector.broadcast %sign3A_529 : i32 to vector<1024x1xi32>
    %ne3A_531 = arith.cmpi ne, %sign3A_522, %ne3A_530 : vector<1024x1xi32>
    %rem3A_532 = vector.broadcast %jit3A_511 : i32 to vector<1024x1xi32>
    %rem3A_533 = arith.remsi %broadcast_in_dim3A_505, %rem3A_532 : vector<1024x1xi32>
    %ne3A_534 = arith.constant 0 : i32
    %ne3A_535 = vector.broadcast %ne3A_534 : i32 to vector<1024x1xi32>
    %ne3A_536 = arith.cmpi ne, %rem3A_533, %ne3A_535 : vector<1024x1xi32>
    %and3A_537 = arith.andi %ne3A_531, %ne3A_536 : vector<1024x1xi1>
    %sub3A_538 = arith.constant 1 : i32
    %sub3A_539 = vector.broadcast %sub3A_538 : i32 to vector<1024x1xi32>
    %sub3A_540 = arith.subi %div3A_513, %sub3A_539 : vector<1024x1xi32>
    %select_n3A_541 = arith.select %and3A_537, %sub3A_540, %div3A_513 : vector<1024x1xi1>, vector<1024x1xi32>
    %mul3A_542 = arith.constant 128 : i32
    %mul3A_543 = vector.broadcast %mul3A_542 : i32 to vector<1024x1xi32>
    %mul3A_544 = arith.muli %select_n3A_541, %mul3A_543 : vector<1024x1xi32>
    %sub3A_545 = arith.subi %broadcast_in_dim3A_505, %mul3A_544 : vector<1024x1xi32>
    %eq3A_546 = vector.broadcast %select_n3A_541 : vector<1024x1xi32> to vector<1024x16xi32>
    %eq3A_547 = arith.cmpi eq, %iota3A_5, %eq3A_546 : vector<1024x16xi32>
    %jit3A_548 = arith.constant 0 : i32
    %broadcast_in_dim3A_549 = vector.broadcast %jit3A_548 : i32 to vector<1024x16xi32>
    %select_n3A_550 = arith.select %eq3A_547, %get3A_4, %broadcast_in_dim3A_549 : vector<1024x16xi1>, vector<1024x16xi32>
    %reduce_sum3A_551 = arith.constant dense<0> : vector<1024xi32>
    %reduce_sum3A_552 = vector.multi_reduction <add>, %select_n3A_550, %reduce_sum3A_551 [1] : vector<1024x16xi32> to vector<1024xi32>
    %broadcast_in_dim3A_553 = vector.shape_cast %reduce_sum3A_552 : vector<1024xi32> to vector<1024x1xi32>
    %mul3A_554 = arith.constant 128 : i32
    %mul3A_555 = vector.broadcast %mul3A_554 : i32 to vector<1024x1xi32>
    %mul3A_556 = arith.muli %broadcast_in_dim3A_553, %mul3A_555 : vector<1024x1xi32>
    %add3A_557 = arith.addi %mul3A_556, %sub3A_545 : vector<1024x1xi32>
    %reduce_max3A_558 = arith.constant dense<0xFF800000> : vector<1024xf32>
    %reduce_max3A_559 = vector.multi_reduction <maximumf>, %select_n3A_510, %reduce_max3A_558 [1] : vector<1024x1280xf32> to vector<1024xf32>
    %broadcast_in_dim3A_560 = vector.shape_cast %reduce_max3A_559 : vector<1024xf32> to vector<1024x1xf32>
    %eq3A_561 = vector.broadcast %broadcast_in_dim3A_560 : vector<1024x1xf32> to vector<1024x1280xf32>
    %eq3A_562 = arith.cmpf oeq, %select_n3A_510, %eq3A_561 : vector<1024x1280xf32>
    %jit3A_563 = arith.constant 1280 : i32
    %broadcast_in_dim3A_564 = vector.broadcast %jit3A_563 : i32 to vector<1024x1280xi32>
    %select_n3A_565 = arith.select %eq3A_562, %iota3A, %broadcast_in_dim3A_564 : vector<1024x1280xi1>, vector<1024x1280xi32>
    %reduce_min3A_566 = arith.constant dense<2147483647> : vector<1024xi32>
    %reduce_min3A_567 = vector.multi_reduction <minsi>, %select_n3A_565, %reduce_min3A_566 [1] : vector<1024x1280xi32> to vector<1024xi32>
    %broadcast_in_dim3A_568 = vector.shape_cast %reduce_min3A_567 : vector<1024xi32> to vector<1024x1xi32>
    %jit3A_569 = arith.constant 128 : i32
    %div3A_570 = vector.broadcast %jit3A_569 : i32 to vector<1024x1xi32>
    %div3A_571 = arith.divsi %broadcast_in_dim3A_568, %div3A_570 : vector<1024x1xi32>
    %sign3A_572 = arith.constant 0 : i32
    %sign3A_573 = vector.broadcast %sign3A_572 : i32 to vector<1024x1xi32>
    %sign3A_574 = arith.cmpi sgt, %broadcast_in_dim3A_568, %sign3A_573 : vector<1024x1xi32>
    %sign3A_575 = arith.extui %sign3A_574 : vector<1024x1xi1> to vector<1024x1xi32>
    %sign3A_576 = arith.constant 0 : i32
    %sign3A_577 = vector.broadcast %sign3A_576 : i32 to vector<1024x1xi32>
    %sign3A_578 = arith.cmpi slt, %broadcast_in_dim3A_568, %sign3A_577 : vector<1024x1xi32>
    %sign3A_579 = arith.extui %sign3A_578 : vector<1024x1xi1> to vector<1024x1xi32>
    %sign3A_580 = arith.subi %sign3A_575, %sign3A_579 : vector<1024x1xi32>
    %sign3A_581 = arith.constant 0 : i32
    %sign3A_582 = arith.cmpi sgt, %jit3A_569, %sign3A_581 : i32
    %sign3A_583 = arith.extui %sign3A_582 : i1 to i32
    %sign3A_584 = arith.constant 0 : i32
    %sign3A_585 = arith.cmpi slt, %jit3A_569, %sign3A_584 : i32
    %sign3A_586 = arith.extui %sign3A_585 : i1 to i32
    %sign3A_587 = arith.subi %sign3A_583, %sign3A_586 : i32
    %ne3A_588 = vector.broadcast %sign3A_587 : i32 to vector<1024x1xi32>
    %ne3A_589 = arith.cmpi ne, %sign3A_580, %ne3A_588 : vector<1024x1xi32>
    %rem3A_590 = vector.broadcast %jit3A_569 : i32 to vector<1024x1xi32>
    %rem3A_591 = arith.remsi %broadcast_in_dim3A_568, %rem3A_590 : vector<1024x1xi32>
    %ne3A_592 = arith.constant 0 : i32
    %ne3A_593 = vector.broadcast %ne3A_592 : i32 to vector<1024x1xi32>
    %ne3A_594 = arith.cmpi ne, %rem3A_591, %ne3A_593 : vector<1024x1xi32>
    %and3A_595 = arith.andi %ne3A_589, %ne3A_594 : vector<1024x1xi1>
    %sub3A_596 = arith.constant 1 : i32
    %sub3A_597 = vector.broadcast %sub3A_596 : i32 to vector<1024x1xi32>
    %sub3A_598 = arith.subi %div3A_571, %sub3A_597 : vector<1024x1xi32>
    %select_n3A_599 = arith.select %and3A_595, %sub3A_598, %div3A_571 : vector<1024x1xi1>, vector<1024x1xi32>
    %mul3A_600 = arith.constant 128 : i32
    %mul3A_601 = vector.broadcast %mul3A_600 : i32 to vector<1024x1xi32>
    %mul3A_602 = arith.muli %select_n3A_599, %mul3A_601 : vector<1024x1xi32>
    %sub3A_603 = arith.subi %broadcast_in_dim3A_568, %mul3A_602 : vector<1024x1xi32>
    %eq3A_604 = vector.broadcast %select_n3A_599 : vector<1024x1xi32> to vector<1024x16xi32>
    %eq3A_605 = arith.cmpi eq, %iota3A_5, %eq3A_604 : vector<1024x16xi32>
    %jit3A_606 = arith.constant 0 : i32
    %broadcast_in_dim3A_607 = vector.broadcast %jit3A_606 : i32 to vector<1024x16xi32>
    %select_n3A_608 = arith.select %eq3A_605, %get3A_4, %broadcast_in_dim3A_607 : vector<1024x16xi1>, vector<1024x16xi32>
    %reduce_sum3A_609 = arith.constant dense<0> : vector<1024xi32>
    %reduce_sum3A_610 = vector.multi_reduction <add>, %select_n3A_608, %reduce_sum3A_609 [1] : vector<1024x16xi32> to vector<1024xi32>
    %broadcast_in_dim3A_611 = vector.shape_cast %reduce_sum3A_610 : vector<1024xi32> to vector<1024x1xi32>
    %mul3A_612 = arith.constant 128 : i32
    %mul3A_613 = vector.broadcast %mul3A_612 : i32 to vector<1024x1xi32>
    %mul3A_614 = arith.muli %broadcast_in_dim3A_611, %mul3A_613 : vector<1024x1xi32>
    %add3A_615 = arith.addi %mul3A_614, %sub3A_603 : vector<1024x1xi32>
    %broadcast_in_dim3A_616 = arith.constant 0 : i32
    %broadcast_in_dim3A_617 = vector.broadcast %broadcast_in_dim3A_616 : i32 to vector<1024x118xi32>
    %concatenate3A = tpu.concatenate %add3A, %add3A_116, %add3A_179, %add3A_242, %add3A_305, %add3A_368, %add3A_431, %add3A_494, %add3A_557, %add3A_615, %broadcast_in_dim3A_617 in 1 : vector<1024x1xi32>, vector<1024x1xi32>, vector<1024x1xi32>, vector<1024x1xi32>, vector<1024x1xi32>, vector<1024x1xi32>, vector<1024x1xi32>, vector<1024x1xi32>, vector<1024x1xi32>, vector<1024x1xi32>, vector<1024x118xi32> -> vector<1024x128xi32>
    %swap3A = arith.constant 0 : index
    %swap3A_618 = arith.constant 0 : index
    %swap3A_619 = vector.load %arg3[%swap3A, %swap3A_618] : memref<1024x128xi32, #tpu.memory_space<vmem>>, vector<1024x128xi32>
    tpu.vector_store %arg3[%swap3A, %swap3A_618], %concatenate3A {strides = array<i32>} : memref<1024x128xi32, #tpu.memory_space<vmem>>, vector<1024x128xi32>,
    %get3A_620 = arith.constant 0 : index
    %get3A_621 = arith.constant 0 : index
    %get3A_622 = vector.load %arg2[%get3A_620, %get3A_621] : memref<1024x784xf32, #tpu.memory_space<vmem>>, vector<1024x784xf32>
    %ge3A = vector.broadcast %broadcast_in_dim3A_560 : vector<1024x1xf32> to vector<1024x784xf32>
    %ge3A_623 = arith.cmpf oge, %get3A_622, %ge3A : vector<1024x784xf32>
    %convert_element_type3A = arith.extui %ge3A_623 : vector<1024x784xi1> to vector<1024x784xi32>
    %reduce_sum3A_624 = arith.constant dense<0> : vector<1024xi32>
    %reduce_sum3A_625 = vector.multi_reduction <add>, %convert_element_type3A, %reduce_sum3A_624 [1] : vector<1024x784xi32> to vector<1024xi32>
    %gt3A = arith.constant 10 : i32
    %gt3A_626 = vector.broadcast %gt3A : i32 to vector<1024xi32>
    %gt3A_627 = arith.cmpi sgt, %reduce_sum3A_625, %gt3A_626 : vector<1024xi32>
    %convert_element_type3A_628 = arith.extui %gt3A_627 : vector<1024xi1> to vector<1024xi32>
    %reduce_sum3A_629 = vector.shape_cast %convert_element_type3A_628 : vector<1024xi32> to vector<1x1024xi32>
    %reduce_sum3A_630 = arith.constant dense<0> : vector<1xi32>
    %reduce_sum3A_631 = vector.multi_reduction <add>, %reduce_sum3A_629, %reduce_sum3A_630 [1] : vector<1x1024xi32> to vector<1xi32>
    %reduce_sum3A_632 = vector.shape_cast %reduce_sum3A_631 : vector<1xi32> to vector<1x1xi32>
    %reduce_sum3A_633 = vector.extract %reduce_sum3A_632[0, 0] : i32 from vector<1x1xi32>
    %reshape3A = vector.broadcast %reduce_sum3A_633 : i32 to vector<1x1xi32>
    %swap3A_634 = arith.constant 0 : index
    %swap3A_635 = arith.constant 0 : index
    %swap3A_636 = vector.load %arg4[%swap3A_634, %swap3A_635] : memref<1x1xi32, #tpu.memory_space<vmem>>, vector<1x1xi32>
    tpu.vector_store %arg4[%swap3A_634, %swap3A_635], %reshape3A {strides = array<i32>} : memref<1x1xi32, #tpu.memory_space<vmem>>, vector<1x1xi32>,
    return
  }
}

module attributes {stable_mosaic.version = 14 : i64} {
  func.func @_topk_body(%arg0: i32, %arg1: i32, %arg2: memref<1024x128xf32, #tpu.memory_space<vmem>>, %arg3: memref<2000x128xf32, #tpu.memory_space<vmem>>, %arg4: memref<1x1024x16xf32, #tpu.memory_space<vmem>>, %arg5: memref<1x1024x16xi32, #tpu.memory_space<vmem>>, %arg6: memref<1024x128xf32, #tpu.memory_space<vmem>>, %arg7: memref<1024x16xf32, #tpu.memory_space<vmem>>, %arg8: memref<1024x16xi32, #tpu.memory_space<vmem>>) attributes {dimension_semantics = [#tpu.dimension_semantics<parallel>, #tpu.dimension_semantics<arbitrary>], iteration_bounds = array<i64: 2, 25>, scalar_prefetch = 0 : i64, scratch_operands = 3 : i64, tpu.core_type = #tpu.core_type<tc>, window_params = [{pipeline_mode = #tpu.pipeline_mode<synchronous>, transform_indices = @transform_0, window_bounds = array<i64: 1024, 128>}, {transform_indices = @transform_1, window_bounds = array<i64: 2000, 128>}, {transform_indices = @transform_2, window_bounds = array<i64: 1, 1024, 16>}, {transform_indices = @transform_3, window_bounds = array<i64: 1, 1024, 16>}]} {
    %eq3A = arith.constant 0 : i32
    %eq3A_0 = arith.cmpi eq, %arg1, %eq3A : i32
    %convert_element_type3A = arith.extui %eq3A_0 : i1 to i32
    %cond3A = arith.constant 0 : i32
    %cond3A_1 = arith.cmpi ne, %convert_element_type3A, %cond3A : i32
    scf.if %cond3A_1 {
      %get3A_706 = arith.constant 0 : index
      %get3A_707 = arith.constant 0 : index
      %get3A_708 = vector.load %arg2[%get3A_706, %get3A_707] : memref<1024x128xf32, #tpu.memory_space<vmem>>, vector<1024x128xf32>
      %mul3A_709 = arith.mulf %get3A_708, %get3A_708 : vector<1024x128xf32>
      %reduce_sum3A_710 = arith.constant dense<0.000000e+00> : vector<1024xf32>
      %reduce_sum3A_711 = vector.multi_reduction <add>, %mul3A_709, %reduce_sum3A_710 [1] : vector<1024x128xf32> to vector<1024xf32>
      %broadcast_in_dim3A_712 = vector.shape_cast %reduce_sum3A_711 : vector<1024xf32> to vector<1024x1xf32>
      %sqrt3A_713 = math.sqrt %broadcast_in_dim3A_712 : vector<1024x1xf32>
      %add3A_714 = arith.constant 9.99999996E-13 : f32
      %add3A_715 = vector.broadcast %add3A_714 : f32 to vector<1024x1xf32>
      %add3A_716 = arith.addf %sqrt3A_713, %add3A_715 : vector<1024x1xf32>
      %div3A_717 = vector.broadcast %add3A_716 : vector<1024x1xf32> to vector<1024x128xf32>
      %div3A_718 = arith.divf %get3A_708, %div3A_717 : vector<1024x128xf32>
      %swap3A_719 = arith.constant 0 : index
      %swap3A_720 = arith.constant 0 : index
      %swap3A_721 = vector.load %arg6[%swap3A_719, %swap3A_720] : memref<1024x128xf32, #tpu.memory_space<vmem>>, vector<1024x128xf32>
      tpu.vector_store %arg6[%swap3A_719, %swap3A_720], %div3A_718 {strides = array<i32>} : memref<1024x128xf32, #tpu.memory_space<vmem>>, vector<1024x128xf32>,
      %broadcast_in_dim3A_722 = arith.constant -3.40282347E+38 : f32
      %broadcast_in_dim3A_723 = vector.broadcast %broadcast_in_dim3A_722 : f32 to vector<1024x16xf32>
      %swap3A_724 = arith.constant 0 : index
      %swap3A_725 = arith.constant 0 : index
      %swap3A_726 = vector.load %arg7[%swap3A_724, %swap3A_725] : memref<1024x16xf32, #tpu.memory_space<vmem>>, vector<1024x16xf32>
      tpu.vector_store %arg7[%swap3A_724, %swap3A_725], %broadcast_in_dim3A_723 {strides = array<i32>} : memref<1024x16xf32, #tpu.memory_space<vmem>>, vector<1024x16xf32>,
      %broadcast_in_dim3A_727 = arith.constant 0 : i32
      %broadcast_in_dim3A_728 = vector.broadcast %broadcast_in_dim3A_727 : i32 to vector<1024x16xi32>
      %swap3A_729 = arith.constant 0 : index
      %swap3A_730 = arith.constant 0 : index
      %swap3A_731 = vector.load %arg8[%swap3A_729, %swap3A_730] : memref<1024x16xi32, #tpu.memory_space<vmem>>, vector<1024x16xi32>
      tpu.vector_store %arg8[%swap3A_729, %swap3A_730], %broadcast_in_dim3A_728 {strides = array<i32>} : memref<1024x16xi32, #tpu.memory_space<vmem>>, vector<1024x16xi32>,
    } else {
    }
    %get3A = arith.constant 0 : index
    %get3A_2 = arith.constant 0 : index
    %get3A_3 = vector.load %arg3[%get3A, %get3A_2] : memref<2000x128xf32, #tpu.memory_space<vmem>>, vector<2000x128xf32>
    %mul3A = arith.mulf %get3A_3, %get3A_3 : vector<2000x128xf32>
    %reduce_sum3A = arith.constant dense<0.000000e+00> : vector<2000xf32>
    %reduce_sum3A_4 = vector.multi_reduction <add>, %mul3A, %reduce_sum3A [1] : vector<2000x128xf32> to vector<2000xf32>
    %broadcast_in_dim3A = vector.shape_cast %reduce_sum3A_4 : vector<2000xf32> to vector<2000x1xf32>
    %sqrt3A = math.sqrt %broadcast_in_dim3A : vector<2000x1xf32>
    %add3A = arith.constant 9.99999996E-13 : f32
    %add3A_5 = vector.broadcast %add3A : f32 to vector<2000x1xf32>
    %add3A_6 = arith.addf %sqrt3A, %add3A_5 : vector<2000x1xf32>
    %div3A = vector.broadcast %add3A_6 : vector<2000x1xf32> to vector<2000x128xf32>
    %div3A_7 = arith.divf %get3A_3, %div3A : vector<2000x128xf32>
    %get3A_8 = arith.constant 0 : index
    %get3A_9 = arith.constant 0 : index
    %get3A_10 = vector.load %arg6[%get3A_8, %get3A_9] : memref<1024x128xf32, #tpu.memory_space<vmem>>, vector<1024x128xf32>
    %dot_general3A = arith.constant dense<0.000000e+00> : vector<1024x2000xf32>
    %dot_general3A_11 = tpu.matmul %get3A_10, %div3A_7, %dot_general3A {dimension_numbers = #tpu.dot_dimension_numbers<[1], [1], [0], [0], [0, 0, 1, 0], [], []>, transpose_lhs_hint = false} : vector<1024x128xf32>, vector<2000x128xf32>, vector<1024x2000xf32> -> vector<1024x2000xf32>
    %iota3A = tpu.iota {dimensions = array<i32: 1>} : vector<1024x2000xi32>
    %iota3A_12 = tpu.iota {dimensions = array<i32: 1>} : vector<1024x16xi32>
    %mul3A_13 = arith.constant 25 : i32
    %mul3A_14 = arith.muli %arg0, %mul3A_13 : i32
    %add3A_15 = arith.addi %mul3A_14, %arg1 : i32
    %reduce_max3A = arith.constant dense<0xFF800000> : vector<1024xf32>
    %reduce_max3A_16 = vector.multi_reduction <maximumf>, %dot_general3A_11, %reduce_max3A [1] : vector<1024x2000xf32> to vector<1024xf32>
    %broadcast_in_dim3A_17 = vector.shape_cast %reduce_max3A_16 : vector<1024xf32> to vector<1024x1xf32>
    %eq3A_18 = vector.broadcast %broadcast_in_dim3A_17 : vector<1024x1xf32> to vector<1024x2000xf32>
    %eq3A_19 = arith.cmpf oeq, %dot_general3A_11, %eq3A_18 : vector<1024x2000xf32>
    %jit3A = arith.constant 2000 : i32
    %broadcast_in_dim3A_20 = vector.broadcast %jit3A : i32 to vector<1024x2000xi32>
    %select_n3A = arith.select %eq3A_19, %iota3A, %broadcast_in_dim3A_20 : vector<1024x2000xi1>, vector<1024x2000xi32>
    %reduce_min3A = arith.constant dense<2147483647> : vector<1024xi32>
    %reduce_min3A_21 = vector.multi_reduction <minsi>, %select_n3A, %reduce_min3A [1] : vector<1024x2000xi32> to vector<1024xi32>
    %broadcast_in_dim3A_22 = vector.shape_cast %reduce_min3A_21 : vector<1024xi32> to vector<1024x1xi32>
    %eq3A_23 = vector.broadcast %broadcast_in_dim3A_22 : vector<1024x1xi32> to vector<1024x2000xi32>
    %eq3A_24 = arith.cmpi eq, %iota3A, %eq3A_23 : vector<1024x2000xi32>
    %jit3A_25 = arith.constant -3.40282347E+38 : f32
    %broadcast_in_dim3A_26 = vector.broadcast %jit3A_25 : f32 to vector<1024x2000xf32>
    %select_n3A_27 = arith.select %eq3A_24, %broadcast_in_dim3A_26, %dot_general3A_11 : vector<1024x2000xi1>, vector<1024x2000xf32>
    %mul3A_28 = arith.constant 2000 : i32
    %mul3A_29 = arith.muli %add3A_15, %mul3A_28 : i32
    %add3A_30 = vector.broadcast %mul3A_29 : i32 to vector<1024x1xi32>
    %add3A_31 = arith.addi %broadcast_in_dim3A_22, %add3A_30 : vector<1024x1xi32>
    %get3A_32 = arith.constant 0 : index
    %get3A_33 = arith.constant 0 : index
    %get3A_34 = vector.load %arg7[%get3A_32, %get3A_33] : memref<1024x16xf32, #tpu.memory_space<vmem>>, vector<1024x16xf32>
    %get3A_35 = arith.constant 0 : index
    %get3A_36 = arith.constant 0 : index
    %get3A_37 = vector.load %arg8[%get3A_35, %get3A_36] : memref<1024x16xi32, #tpu.memory_space<vmem>>, vector<1024x16xi32>
    %slice3A = vector.extract_strided_slice %get3A_34 {offsets = [0, 9], sizes = [1024, 1], strides = [1, 1]} : vector<1024x16xf32> to vector<1024x1xf32>
    %gt3A = arith.cmpf ogt, %broadcast_in_dim3A_17, %slice3A : vector<1024x1xf32>
    %ge3A = vector.broadcast %broadcast_in_dim3A_17 : vector<1024x1xf32> to vector<1024x16xf32>
    %ge3A_38 = arith.cmpf oge, %get3A_34, %ge3A : vector<1024x16xf32>
    %convert_element_type3A_39 = arith.extui %ge3A_38 : vector<1024x16xi1> to vector<1024x16xi32>
    %reduce_sum3A_40 = arith.constant dense<0> : vector<1024xi32>
    %reduce_sum3A_41 = vector.multi_reduction <add>, %convert_element_type3A_39, %reduce_sum3A_40 [1] : vector<1024x16xi32> to vector<1024xi32>
    %broadcast_in_dim3A_42 = vector.shape_cast %reduce_sum3A_41 : vector<1024xi32> to vector<1024x1xi32>
    %broadcast_in_dim3A_43 = arith.constant -3.40282347E+38 : f32
    %broadcast_in_dim3A_44 = vector.broadcast %broadcast_in_dim3A_43 : f32 to vector<1024x1xf32>
    %slice3A_45 = vector.extract_strided_slice %get3A_34 {offsets = [0, 0], sizes = [1024, 15], strides = [1, 1]} : vector<1024x16xf32> to vector<1024x15xf32>
    %concatenate3A = tpu.concatenate %broadcast_in_dim3A_44, %slice3A_45 in 1 : vector<1024x1xf32>, vector<1024x15xf32> -> vector<1024x16xf32>
    %broadcast_in_dim3A_46 = arith.constant 0 : i32
    %broadcast_in_dim3A_47 = vector.broadcast %broadcast_in_dim3A_46 : i32 to vector<1024x1xi32>
    %slice3A_48 = vector.extract_strided_slice %get3A_37 {offsets = [0, 0], sizes = [1024, 15], strides = [1, 1]} : vector<1024x16xi32> to vector<1024x15xi32>
    %concatenate3A_49 = tpu.concatenate %broadcast_in_dim3A_47, %slice3A_48 in 1 : vector<1024x1xi32>, vector<1024x15xi32> -> vector<1024x16xi32>
    %lt3A = vector.broadcast %broadcast_in_dim3A_42 : vector<1024x1xi32> to vector<1024x16xi32>
    %lt3A_50 = arith.cmpi slt, %iota3A_12, %lt3A : vector<1024x16xi32>
    %eq3A_51 = vector.broadcast %broadcast_in_dim3A_42 : vector<1024x1xi32> to vector<1024x16xi32>
    %eq3A_52 = arith.cmpi eq, %iota3A_12, %eq3A_51 : vector<1024x16xi32>
    %broadcast_in_dim3A_53 = vector.shape_cast %broadcast_in_dim3A_17 : vector<1024x1xf32> to vector<1024x1xf32>
    %broadcast_in_dim3A_54 = vector.broadcast %broadcast_in_dim3A_53 : vector<1024x1xf32> to vector<1024x16xf32>
    %select_n3A_55 = arith.select %eq3A_52, %broadcast_in_dim3A_54, %concatenate3A : vector<1024x16xi1>, vector<1024x16xf32>
    %select_n3A_56 = arith.select %lt3A_50, %get3A_34, %select_n3A_55 : vector<1024x16xi1>, vector<1024x16xf32>
    %lt3A_57 = vector.broadcast %broadcast_in_dim3A_42 : vector<1024x1xi32> to vector<1024x16xi32>
    %lt3A_58 = arith.cmpi slt, %iota3A_12, %lt3A_57 : vector<1024x16xi32>
    %eq3A_59 = vector.broadcast %broadcast_in_dim3A_42 : vector<1024x1xi32> to vector<1024x16xi32>
    %eq3A_60 = arith.cmpi eq, %iota3A_12, %eq3A_59 : vector<1024x16xi32>
    %broadcast_in_dim3A_61 = vector.shape_cast %add3A_31 : vector<1024x1xi32> to vector<1024x1xi32>
    %broadcast_in_dim3A_62 = vector.broadcast %broadcast_in_dim3A_61 : vector<1024x1xi32> to vector<1024x16xi32>
    %select_n3A_63 = arith.select %eq3A_60, %broadcast_in_dim3A_62, %concatenate3A_49 : vector<1024x16xi1>, vector<1024x16xi32>
    %select_n3A_64 = arith.select %lt3A_58, %get3A_37, %select_n3A_63 : vector<1024x16xi1>, vector<1024x16xi32>
    %broadcast_in_dim3A_65 = vector.shape_cast %gt3A : vector<1024x1xi1> to vector<1024x1xi1>
    %broadcast_in_dim3A_66 = vector.broadcast %broadcast_in_dim3A_65 : vector<1024x1xi1> to vector<1024x16xi1>
    %select_n3A_67 = arith.select %broadcast_in_dim3A_66, %select_n3A_56, %get3A_34 : vector<1024x16xi1>, vector<1024x16xf32>
    %swap3A = arith.constant 0 : index
    %swap3A_68 = arith.constant 0 : index
    %swap3A_69 = vector.load %arg7[%swap3A, %swap3A_68] : memref<1024x16xf32, #tpu.memory_space<vmem>>, vector<1024x16xf32>
    tpu.vector_store %arg7[%swap3A, %swap3A_68], %select_n3A_67 {strides = array<i32>} : memref<1024x16xf32, #tpu.memory_space<vmem>>, vector<1024x16xf32>,
    %broadcast_in_dim3A_70 = vector.shape_cast %gt3A : vector<1024x1xi1> to vector<1024x1xi1>
    %broadcast_in_dim3A_71 = vector.broadcast %broadcast_in_dim3A_70 : vector<1024x1xi1> to vector<1024x16xi1>
    %select_n3A_72 = arith.select %broadcast_in_dim3A_71, %select_n3A_64, %get3A_37 : vector<1024x16xi1>, vector<1024x16xi32>
    %swap3A_73 = arith.constant 0 : index
    %swap3A_74 = arith.constant 0 : index
    %swap3A_75 = vector.load %arg8[%swap3A_73, %swap3A_74] : memref<1024x16xi32, #tpu.memory_space<vmem>>, vector<1024x16xi32>
    tpu.vector_store %arg8[%swap3A_73, %swap3A_74], %select_n3A_72 {strides = array<i32>} : memref<1024x16xi32, #tpu.memory_space<vmem>>, vector<1024x16xi32>,
    %reduce_max3A_76 = arith.constant dense<0xFF800000> : vector<1024xf32>
    %reduce_max3A_77 = vector.multi_reduction <maximumf>, %select_n3A_27, %reduce_max3A_76 [1] : vector<1024x2000xf32> to vector<1024xf32>
    %broadcast_in_dim3A_78 = vector.shape_cast %reduce_max3A_77 : vector<1024xf32> to vector<1024x1xf32>
    %eq3A_79 = vector.broadcast %broadcast_in_dim3A_78 : vector<1024x1xf32> to vector<1024x2000xf32>
    %eq3A_80 = arith.cmpf oeq, %select_n3A_27, %eq3A_79 : vector<1024x2000xf32>
    %jit3A_81 = arith.constant 2000 : i32
    %broadcast_in_dim3A_82 = vector.broadcast %jit3A_81 : i32 to vector<1024x2000xi32>
    %select_n3A_83 = arith.select %eq3A_80, %iota3A, %broadcast_in_dim3A_82 : vector<1024x2000xi1>, vector<1024x2000xi32>
    %reduce_min3A_84 = arith.constant dense<2147483647> : vector<1024xi32>
    %reduce_min3A_85 = vector.multi_reduction <minsi>, %select_n3A_83, %reduce_min3A_84 [1] : vector<1024x2000xi32> to vector<1024xi32>
    %broadcast_in_dim3A_86 = vector.shape_cast %reduce_min3A_85 : vector<1024xi32> to vector<1024x1xi32>
    %eq3A_87 = vector.broadcast %broadcast_in_dim3A_86 : vector<1024x1xi32> to vector<1024x2000xi32>
    %eq3A_88 = arith.cmpi eq, %iota3A, %eq3A_87 : vector<1024x2000xi32>
    %jit3A_89 = arith.constant -3.40282347E+38 : f32
    %broadcast_in_dim3A_90 = vector.broadcast %jit3A_89 : f32 to vector<1024x2000xf32>
    %select_n3A_91 = arith.select %eq3A_88, %broadcast_in_dim3A_90, %select_n3A_27 : vector<1024x2000xi1>, vector<1024x2000xf32>
    %mul3A_92 = arith.constant 2000 : i32
    %mul3A_93 = arith.muli %add3A_15, %mul3A_92 : i32
    %add3A_94 = vector.broadcast %mul3A_93 : i32 to vector<1024x1xi32>
    %add3A_95 = arith.addi %broadcast_in_dim3A_86, %add3A_94 : vector<1024x1xi32>
    %get3A_96 = arith.constant 0 : index
    %get3A_97 = arith.constant 0 : index
    %get3A_98 = vector.load %arg7[%get3A_96, %get3A_97] : memref<1024x16xf32, #tpu.memory_space<vmem>>, vector<1024x16xf32>
    %get3A_99 = arith.constant 0 : index
    %get3A_100 = arith.constant 0 : index
    %get3A_101 = vector.load %arg8[%get3A_99, %get3A_100] : memref<1024x16xi32, #tpu.memory_space<vmem>>, vector<1024x16xi32>
    %slice3A_102 = vector.extract_strided_slice %get3A_98 {offsets = [0, 9], sizes = [1024, 1], strides = [1, 1]} : vector<1024x16xf32> to vector<1024x1xf32>
    %gt3A_103 = arith.cmpf ogt, %broadcast_in_dim3A_78, %slice3A_102 : vector<1024x1xf32>
    %ge3A_104 = vector.broadcast %broadcast_in_dim3A_78 : vector<1024x1xf32> to vector<1024x16xf32>
    %ge3A_105 = arith.cmpf oge, %get3A_98, %ge3A_104 : vector<1024x16xf32>
    %convert_element_type3A_106 = arith.extui %ge3A_105 : vector<1024x16xi1> to vector<1024x16xi32>
    %reduce_sum3A_107 = arith.constant dense<0> : vector<1024xi32>
    %reduce_sum3A_108 = vector.multi_reduction <add>, %convert_element_type3A_106, %reduce_sum3A_107 [1] : vector<1024x16xi32> to vector<1024xi32>
    %broadcast_in_dim3A_109 = vector.shape_cast %reduce_sum3A_108 : vector<1024xi32> to vector<1024x1xi32>
    %broadcast_in_dim3A_110 = arith.constant -3.40282347E+38 : f32
    %broadcast_in_dim3A_111 = vector.broadcast %broadcast_in_dim3A_110 : f32 to vector<1024x1xf32>
    %slice3A_112 = vector.extract_strided_slice %get3A_98 {offsets = [0, 0], sizes = [1024, 15], strides = [1, 1]} : vector<1024x16xf32> to vector<1024x15xf32>
    %concatenate3A_113 = tpu.concatenate %broadcast_in_dim3A_111, %slice3A_112 in 1 : vector<1024x1xf32>, vector<1024x15xf32> -> vector<1024x16xf32>
    %broadcast_in_dim3A_114 = arith.constant 0 : i32
    %broadcast_in_dim3A_115 = vector.broadcast %broadcast_in_dim3A_114 : i32 to vector<1024x1xi32>
    %slice3A_116 = vector.extract_strided_slice %get3A_101 {offsets = [0, 0], sizes = [1024, 15], strides = [1, 1]} : vector<1024x16xi32> to vector<1024x15xi32>
    %concatenate3A_117 = tpu.concatenate %broadcast_in_dim3A_115, %slice3A_116 in 1 : vector<1024x1xi32>, vector<1024x15xi32> -> vector<1024x16xi32>
    %lt3A_118 = vector.broadcast %broadcast_in_dim3A_109 : vector<1024x1xi32> to vector<1024x16xi32>
    %lt3A_119 = arith.cmpi slt, %iota3A_12, %lt3A_118 : vector<1024x16xi32>
    %eq3A_120 = vector.broadcast %broadcast_in_dim3A_109 : vector<1024x1xi32> to vector<1024x16xi32>
    %eq3A_121 = arith.cmpi eq, %iota3A_12, %eq3A_120 : vector<1024x16xi32>
    %broadcast_in_dim3A_122 = vector.shape_cast %broadcast_in_dim3A_78 : vector<1024x1xf32> to vector<1024x1xf32>
    %broadcast_in_dim3A_123 = vector.broadcast %broadcast_in_dim3A_122 : vector<1024x1xf32> to vector<1024x16xf32>
    %select_n3A_124 = arith.select %eq3A_121, %broadcast_in_dim3A_123, %concatenate3A_113 : vector<1024x16xi1>, vector<1024x16xf32>
    %select_n3A_125 = arith.select %lt3A_119, %get3A_98, %select_n3A_124 : vector<1024x16xi1>, vector<1024x16xf32>
    %lt3A_126 = vector.broadcast %broadcast_in_dim3A_109 : vector<1024x1xi32> to vector<1024x16xi32>
    %lt3A_127 = arith.cmpi slt, %iota3A_12, %lt3A_126 : vector<1024x16xi32>
    %eq3A_128 = vector.broadcast %broadcast_in_dim3A_109 : vector<1024x1xi32> to vector<1024x16xi32>
    %eq3A_129 = arith.cmpi eq, %iota3A_12, %eq3A_128 : vector<1024x16xi32>
    %broadcast_in_dim3A_130 = vector.shape_cast %add3A_95 : vector<1024x1xi32> to vector<1024x1xi32>
    %broadcast_in_dim3A_131 = vector.broadcast %broadcast_in_dim3A_130 : vector<1024x1xi32> to vector<1024x16xi32>
    %select_n3A_132 = arith.select %eq3A_129, %broadcast_in_dim3A_131, %concatenate3A_117 : vector<1024x16xi1>, vector<1024x16xi32>
    %select_n3A_133 = arith.select %lt3A_127, %get3A_101, %select_n3A_132 : vector<1024x16xi1>, vector<1024x16xi32>
    %broadcast_in_dim3A_134 = vector.shape_cast %gt3A_103 : vector<1024x1xi1> to vector<1024x1xi1>
    %broadcast_in_dim3A_135 = vector.broadcast %broadcast_in_dim3A_134 : vector<1024x1xi1> to vector<1024x16xi1>
    %select_n3A_136 = arith.select %broadcast_in_dim3A_135, %select_n3A_125, %get3A_98 : vector<1024x16xi1>, vector<1024x16xf32>
    %swap3A_137 = arith.constant 0 : index
    %swap3A_138 = arith.constant 0 : index
    %swap3A_139 = vector.load %arg7[%swap3A_137, %swap3A_138] : memref<1024x16xf32, #tpu.memory_space<vmem>>, vector<1024x16xf32>
    tpu.vector_store %arg7[%swap3A_137, %swap3A_138], %select_n3A_136 {strides = array<i32>} : memref<1024x16xf32, #tpu.memory_space<vmem>>, vector<1024x16xf32>,
    %broadcast_in_dim3A_140 = vector.shape_cast %gt3A_103 : vector<1024x1xi1> to vector<1024x1xi1>
    %broadcast_in_dim3A_141 = vector.broadcast %broadcast_in_dim3A_140 : vector<1024x1xi1> to vector<1024x16xi1>
    %select_n3A_142 = arith.select %broadcast_in_dim3A_141, %select_n3A_133, %get3A_101 : vector<1024x16xi1>, vector<1024x16xi32>
    %swap3A_143 = arith.constant 0 : index
    %swap3A_144 = arith.constant 0 : index
    %swap3A_145 = vector.load %arg8[%swap3A_143, %swap3A_144] : memref<1024x16xi32, #tpu.memory_space<vmem>>, vector<1024x16xi32>
    tpu.vector_store %arg8[%swap3A_143, %swap3A_144], %select_n3A_142 {strides = array<i32>} : memref<1024x16xi32, #tpu.memory_space<vmem>>, vector<1024x16xi32>,
    %reduce_max3A_146 = arith.constant dense<0xFF800000> : vector<1024xf32>
    %reduce_max3A_147 = vector.multi_reduction <maximumf>, %select_n3A_91, %reduce_max3A_146 [1] : vector<1024x2000xf32> to vector<1024xf32>
    %broadcast_in_dim3A_148 = vector.shape_cast %reduce_max3A_147 : vector<1024xf32> to vector<1024x1xf32>
    %eq3A_149 = vector.broadcast %broadcast_in_dim3A_148 : vector<1024x1xf32> to vector<1024x2000xf32>
    %eq3A_150 = arith.cmpf oeq, %select_n3A_91, %eq3A_149 : vector<1024x2000xf32>
    %jit3A_151 = arith.constant 2000 : i32
    %broadcast_in_dim3A_152 = vector.broadcast %jit3A_151 : i32 to vector<1024x2000xi32>
    %select_n3A_153 = arith.select %eq3A_150, %iota3A, %broadcast_in_dim3A_152 : vector<1024x2000xi1>, vector<1024x2000xi32>
    %reduce_min3A_154 = arith.constant dense<2147483647> : vector<1024xi32>
    %reduce_min3A_155 = vector.multi_reduction <minsi>, %select_n3A_153, %reduce_min3A_154 [1] : vector<1024x2000xi32> to vector<1024xi32>
    %broadcast_in_dim3A_156 = vector.shape_cast %reduce_min3A_155 : vector<1024xi32> to vector<1024x1xi32>
    %eq3A_157 = vector.broadcast %broadcast_in_dim3A_156 : vector<1024x1xi32> to vector<1024x2000xi32>
    %eq3A_158 = arith.cmpi eq, %iota3A, %eq3A_157 : vector<1024x2000xi32>
    %jit3A_159 = arith.constant -3.40282347E+38 : f32
    %broadcast_in_dim3A_160 = vector.broadcast %jit3A_159 : f32 to vector<1024x2000xf32>
    %select_n3A_161 = arith.select %eq3A_158, %broadcast_in_dim3A_160, %select_n3A_91 : vector<1024x2000xi1>, vector<1024x2000xf32>
    %mul3A_162 = arith.constant 2000 : i32
    %mul3A_163 = arith.muli %add3A_15, %mul3A_162 : i32
    %add3A_164 = vector.broadcast %mul3A_163 : i32 to vector<1024x1xi32>
    %add3A_165 = arith.addi %broadcast_in_dim3A_156, %add3A_164 : vector<1024x1xi32>
    %get3A_166 = arith.constant 0 : index
    %get3A_167 = arith.constant 0 : index
    %get3A_168 = vector.load %arg7[%get3A_166, %get3A_167] : memref<1024x16xf32, #tpu.memory_space<vmem>>, vector<1024x16xf32>
    %get3A_169 = arith.constant 0 : index
    %get3A_170 = arith.constant 0 : index
    %get3A_171 = vector.load %arg8[%get3A_169, %get3A_170] : memref<1024x16xi32, #tpu.memory_space<vmem>>, vector<1024x16xi32>
    %slice3A_172 = vector.extract_strided_slice %get3A_168 {offsets = [0, 9], sizes = [1024, 1], strides = [1, 1]} : vector<1024x16xf32> to vector<1024x1xf32>
    %gt3A_173 = arith.cmpf ogt, %broadcast_in_dim3A_148, %slice3A_172 : vector<1024x1xf32>
    %ge3A_174 = vector.broadcast %broadcast_in_dim3A_148 : vector<1024x1xf32> to vector<1024x16xf32>
    %ge3A_175 = arith.cmpf oge, %get3A_168, %ge3A_174 : vector<1024x16xf32>
    %convert_element_type3A_176 = arith.extui %ge3A_175 : vector<1024x16xi1> to vector<1024x16xi32>
    %reduce_sum3A_177 = arith.constant dense<0> : vector<1024xi32>
    %reduce_sum3A_178 = vector.multi_reduction <add>, %convert_element_type3A_176, %reduce_sum3A_177 [1] : vector<1024x16xi32> to vector<1024xi32>
    %broadcast_in_dim3A_179 = vector.shape_cast %reduce_sum3A_178 : vector<1024xi32> to vector<1024x1xi32>
    %broadcast_in_dim3A_180 = arith.constant -3.40282347E+38 : f32
    %broadcast_in_dim3A_181 = vector.broadcast %broadcast_in_dim3A_180 : f32 to vector<1024x1xf32>
    %slice3A_182 = vector.extract_strided_slice %get3A_168 {offsets = [0, 0], sizes = [1024, 15], strides = [1, 1]} : vector<1024x16xf32> to vector<1024x15xf32>
    %concatenate3A_183 = tpu.concatenate %broadcast_in_dim3A_181, %slice3A_182 in 1 : vector<1024x1xf32>, vector<1024x15xf32> -> vector<1024x16xf32>
    %broadcast_in_dim3A_184 = arith.constant 0 : i32
    %broadcast_in_dim3A_185 = vector.broadcast %broadcast_in_dim3A_184 : i32 to vector<1024x1xi32>
    %slice3A_186 = vector.extract_strided_slice %get3A_171 {offsets = [0, 0], sizes = [1024, 15], strides = [1, 1]} : vector<1024x16xi32> to vector<1024x15xi32>
    %concatenate3A_187 = tpu.concatenate %broadcast_in_dim3A_185, %slice3A_186 in 1 : vector<1024x1xi32>, vector<1024x15xi32> -> vector<1024x16xi32>
    %lt3A_188 = vector.broadcast %broadcast_in_dim3A_179 : vector<1024x1xi32> to vector<1024x16xi32>
    %lt3A_189 = arith.cmpi slt, %iota3A_12, %lt3A_188 : vector<1024x16xi32>
    %eq3A_190 = vector.broadcast %broadcast_in_dim3A_179 : vector<1024x1xi32> to vector<1024x16xi32>
    %eq3A_191 = arith.cmpi eq, %iota3A_12, %eq3A_190 : vector<1024x16xi32>
    %broadcast_in_dim3A_192 = vector.shape_cast %broadcast_in_dim3A_148 : vector<1024x1xf32> to vector<1024x1xf32>
    %broadcast_in_dim3A_193 = vector.broadcast %broadcast_in_dim3A_192 : vector<1024x1xf32> to vector<1024x16xf32>
    %select_n3A_194 = arith.select %eq3A_191, %broadcast_in_dim3A_193, %concatenate3A_183 : vector<1024x16xi1>, vector<1024x16xf32>
    %select_n3A_195 = arith.select %lt3A_189, %get3A_168, %select_n3A_194 : vector<1024x16xi1>, vector<1024x16xf32>
    %lt3A_196 = vector.broadcast %broadcast_in_dim3A_179 : vector<1024x1xi32> to vector<1024x16xi32>
    %lt3A_197 = arith.cmpi slt, %iota3A_12, %lt3A_196 : vector<1024x16xi32>
    %eq3A_198 = vector.broadcast %broadcast_in_dim3A_179 : vector<1024x1xi32> to vector<1024x16xi32>
    %eq3A_199 = arith.cmpi eq, %iota3A_12, %eq3A_198 : vector<1024x16xi32>
    %broadcast_in_dim3A_200 = vector.shape_cast %add3A_165 : vector<1024x1xi32> to vector<1024x1xi32>
    %broadcast_in_dim3A_201 = vector.broadcast %broadcast_in_dim3A_200 : vector<1024x1xi32> to vector<1024x16xi32>
    %select_n3A_202 = arith.select %eq3A_199, %broadcast_in_dim3A_201, %concatenate3A_187 : vector<1024x16xi1>, vector<1024x16xi32>
    %select_n3A_203 = arith.select %lt3A_197, %get3A_171, %select_n3A_202 : vector<1024x16xi1>, vector<1024x16xi32>
    %broadcast_in_dim3A_204 = vector.shape_cast %gt3A_173 : vector<1024x1xi1> to vector<1024x1xi1>
    %broadcast_in_dim3A_205 = vector.broadcast %broadcast_in_dim3A_204 : vector<1024x1xi1> to vector<1024x16xi1>
    %select_n3A_206 = arith.select %broadcast_in_dim3A_205, %select_n3A_195, %get3A_168 : vector<1024x16xi1>, vector<1024x16xf32>
    %swap3A_207 = arith.constant 0 : index
    %swap3A_208 = arith.constant 0 : index
    %swap3A_209 = vector.load %arg7[%swap3A_207, %swap3A_208] : memref<1024x16xf32, #tpu.memory_space<vmem>>, vector<1024x16xf32>
    tpu.vector_store %arg7[%swap3A_207, %swap3A_208], %select_n3A_206 {strides = array<i32>} : memref<1024x16xf32, #tpu.memory_space<vmem>>, vector<1024x16xf32>,
    %broadcast_in_dim3A_210 = vector.shape_cast %gt3A_173 : vector<1024x1xi1> to vector<1024x1xi1>
    %broadcast_in_dim3A_211 = vector.broadcast %broadcast_in_dim3A_210 : vector<1024x1xi1> to vector<1024x16xi1>
    %select_n3A_212 = arith.select %broadcast_in_dim3A_211, %select_n3A_203, %get3A_171 : vector<1024x16xi1>, vector<1024x16xi32>
    %swap3A_213 = arith.constant 0 : index
    %swap3A_214 = arith.constant 0 : index
    %swap3A_215 = vector.load %arg8[%swap3A_213, %swap3A_214] : memref<1024x16xi32, #tpu.memory_space<vmem>>, vector<1024x16xi32>
    tpu.vector_store %arg8[%swap3A_213, %swap3A_214], %select_n3A_212 {strides = array<i32>} : memref<1024x16xi32, #tpu.memory_space<vmem>>, vector<1024x16xi32>,
    %reduce_max3A_216 = arith.constant dense<0xFF800000> : vector<1024xf32>
    %reduce_max3A_217 = vector.multi_reduction <maximumf>, %select_n3A_161, %reduce_max3A_216 [1] : vector<1024x2000xf32> to vector<1024xf32>
    %broadcast_in_dim3A_218 = vector.shape_cast %reduce_max3A_217 : vector<1024xf32> to vector<1024x1xf32>
    %eq3A_219 = vector.broadcast %broadcast_in_dim3A_218 : vector<1024x1xf32> to vector<1024x2000xf32>
    %eq3A_220 = arith.cmpf oeq, %select_n3A_161, %eq3A_219 : vector<1024x2000xf32>
    %jit3A_221 = arith.constant 2000 : i32
    %broadcast_in_dim3A_222 = vector.broadcast %jit3A_221 : i32 to vector<1024x2000xi32>
    %select_n3A_223 = arith.select %eq3A_220, %iota3A, %broadcast_in_dim3A_222 : vector<1024x2000xi1>, vector<1024x2000xi32>
    %reduce_min3A_224 = arith.constant dense<2147483647> : vector<1024xi32>
    %reduce_min3A_225 = vector.multi_reduction <minsi>, %select_n3A_223, %reduce_min3A_224 [1] : vector<1024x2000xi32> to vector<1024xi32>
    %broadcast_in_dim3A_226 = vector.shape_cast %reduce_min3A_225 : vector<1024xi32> to vector<1024x1xi32>
    %eq3A_227 = vector.broadcast %broadcast_in_dim3A_226 : vector<1024x1xi32> to vector<1024x2000xi32>
    %eq3A_228 = arith.cmpi eq, %iota3A, %eq3A_227 : vector<1024x2000xi32>
    %jit3A_229 = arith.constant -3.40282347E+38 : f32
    %broadcast_in_dim3A_230 = vector.broadcast %jit3A_229 : f32 to vector<1024x2000xf32>
    %select_n3A_231 = arith.select %eq3A_228, %broadcast_in_dim3A_230, %select_n3A_161 : vector<1024x2000xi1>, vector<1024x2000xf32>
    %mul3A_232 = arith.constant 2000 : i32
    %mul3A_233 = arith.muli %add3A_15, %mul3A_232 : i32
    %add3A_234 = vector.broadcast %mul3A_233 : i32 to vector<1024x1xi32>
    %add3A_235 = arith.addi %broadcast_in_dim3A_226, %add3A_234 : vector<1024x1xi32>
    %get3A_236 = arith.constant 0 : index
    %get3A_237 = arith.constant 0 : index
    %get3A_238 = vector.load %arg7[%get3A_236, %get3A_237] : memref<1024x16xf32, #tpu.memory_space<vmem>>, vector<1024x16xf32>
    %get3A_239 = arith.constant 0 : index
    %get3A_240 = arith.constant 0 : index
    %get3A_241 = vector.load %arg8[%get3A_239, %get3A_240] : memref<1024x16xi32, #tpu.memory_space<vmem>>, vector<1024x16xi32>
    %slice3A_242 = vector.extract_strided_slice %get3A_238 {offsets = [0, 9], sizes = [1024, 1], strides = [1, 1]} : vector<1024x16xf32> to vector<1024x1xf32>
    %gt3A_243 = arith.cmpf ogt, %broadcast_in_dim3A_218, %slice3A_242 : vector<1024x1xf32>
    %ge3A_244 = vector.broadcast %broadcast_in_dim3A_218 : vector<1024x1xf32> to vector<1024x16xf32>
    %ge3A_245 = arith.cmpf oge, %get3A_238, %ge3A_244 : vector<1024x16xf32>
    %convert_element_type3A_246 = arith.extui %ge3A_245 : vector<1024x16xi1> to vector<1024x16xi32>
    %reduce_sum3A_247 = arith.constant dense<0> : vector<1024xi32>
    %reduce_sum3A_248 = vector.multi_reduction <add>, %convert_element_type3A_246, %reduce_sum3A_247 [1] : vector<1024x16xi32> to vector<1024xi32>
    %broadcast_in_dim3A_249 = vector.shape_cast %reduce_sum3A_248 : vector<1024xi32> to vector<1024x1xi32>
    %broadcast_in_dim3A_250 = arith.constant -3.40282347E+38 : f32
    %broadcast_in_dim3A_251 = vector.broadcast %broadcast_in_dim3A_250 : f32 to vector<1024x1xf32>
    %slice3A_252 = vector.extract_strided_slice %get3A_238 {offsets = [0, 0], sizes = [1024, 15], strides = [1, 1]} : vector<1024x16xf32> to vector<1024x15xf32>
    %concatenate3A_253 = tpu.concatenate %broadcast_in_dim3A_251, %slice3A_252 in 1 : vector<1024x1xf32>, vector<1024x15xf32> -> vector<1024x16xf32>
    %broadcast_in_dim3A_254 = arith.constant 0 : i32
    %broadcast_in_dim3A_255 = vector.broadcast %broadcast_in_dim3A_254 : i32 to vector<1024x1xi32>
    %slice3A_256 = vector.extract_strided_slice %get3A_241 {offsets = [0, 0], sizes = [1024, 15], strides = [1, 1]} : vector<1024x16xi32> to vector<1024x15xi32>
    %concatenate3A_257 = tpu.concatenate %broadcast_in_dim3A_255, %slice3A_256 in 1 : vector<1024x1xi32>, vector<1024x15xi32> -> vector<1024x16xi32>
    %lt3A_258 = vector.broadcast %broadcast_in_dim3A_249 : vector<1024x1xi32> to vector<1024x16xi32>
    %lt3A_259 = arith.cmpi slt, %iota3A_12, %lt3A_258 : vector<1024x16xi32>
    %eq3A_260 = vector.broadcast %broadcast_in_dim3A_249 : vector<1024x1xi32> to vector<1024x16xi32>
    %eq3A_261 = arith.cmpi eq, %iota3A_12, %eq3A_260 : vector<1024x16xi32>
    %broadcast_in_dim3A_262 = vector.shape_cast %broadcast_in_dim3A_218 : vector<1024x1xf32> to vector<1024x1xf32>
    %broadcast_in_dim3A_263 = vector.broadcast %broadcast_in_dim3A_262 : vector<1024x1xf32> to vector<1024x16xf32>
    %select_n3A_264 = arith.select %eq3A_261, %broadcast_in_dim3A_263, %concatenate3A_253 : vector<1024x16xi1>, vector<1024x16xf32>
    %select_n3A_265 = arith.select %lt3A_259, %get3A_238, %select_n3A_264 : vector<1024x16xi1>, vector<1024x16xf32>
    %lt3A_266 = vector.broadcast %broadcast_in_dim3A_249 : vector<1024x1xi32> to vector<1024x16xi32>
    %lt3A_267 = arith.cmpi slt, %iota3A_12, %lt3A_266 : vector<1024x16xi32>
    %eq3A_268 = vector.broadcast %broadcast_in_dim3A_249 : vector<1024x1xi32> to vector<1024x16xi32>
    %eq3A_269 = arith.cmpi eq, %iota3A_12, %eq3A_268 : vector<1024x16xi32>
    %broadcast_in_dim3A_270 = vector.shape_cast %add3A_235 : vector<1024x1xi32> to vector<1024x1xi32>
    %broadcast_in_dim3A_271 = vector.broadcast %broadcast_in_dim3A_270 : vector<1024x1xi32> to vector<1024x16xi32>
    %select_n3A_272 = arith.select %eq3A_269, %broadcast_in_dim3A_271, %concatenate3A_257 : vector<1024x16xi1>, vector<1024x16xi32>
    %select_n3A_273 = arith.select %lt3A_267, %get3A_241, %select_n3A_272 : vector<1024x16xi1>, vector<1024x16xi32>
    %broadcast_in_dim3A_274 = vector.shape_cast %gt3A_243 : vector<1024x1xi1> to vector<1024x1xi1>
    %broadcast_in_dim3A_275 = vector.broadcast %broadcast_in_dim3A_274 : vector<1024x1xi1> to vector<1024x16xi1>
    %select_n3A_276 = arith.select %broadcast_in_dim3A_275, %select_n3A_265, %get3A_238 : vector<1024x16xi1>, vector<1024x16xf32>
    %swap3A_277 = arith.constant 0 : index
    %swap3A_278 = arith.constant 0 : index
    %swap3A_279 = vector.load %arg7[%swap3A_277, %swap3A_278] : memref<1024x16xf32, #tpu.memory_space<vmem>>, vector<1024x16xf32>
    tpu.vector_store %arg7[%swap3A_277, %swap3A_278], %select_n3A_276 {strides = array<i32>} : memref<1024x16xf32, #tpu.memory_space<vmem>>, vector<1024x16xf32>,
    %broadcast_in_dim3A_280 = vector.shape_cast %gt3A_243 : vector<1024x1xi1> to vector<1024x1xi1>
    %broadcast_in_dim3A_281 = vector.broadcast %broadcast_in_dim3A_280 : vector<1024x1xi1> to vector<1024x16xi1>
    %select_n3A_282 = arith.select %broadcast_in_dim3A_281, %select_n3A_273, %get3A_241 : vector<1024x16xi1>, vector<1024x16xi32>
    %swap3A_283 = arith.constant 0 : index
    %swap3A_284 = arith.constant 0 : index
    %swap3A_285 = vector.load %arg8[%swap3A_283, %swap3A_284] : memref<1024x16xi32, #tpu.memory_space<vmem>>, vector<1024x16xi32>
    tpu.vector_store %arg8[%swap3A_283, %swap3A_284], %select_n3A_282 {strides = array<i32>} : memref<1024x16xi32, #tpu.memory_space<vmem>>, vector<1024x16xi32>,
    %reduce_max3A_286 = arith.constant dense<0xFF800000> : vector<1024xf32>
    %reduce_max3A_287 = vector.multi_reduction <maximumf>, %select_n3A_231, %reduce_max3A_286 [1] : vector<1024x2000xf32> to vector<1024xf32>
    %broadcast_in_dim3A_288 = vector.shape_cast %reduce_max3A_287 : vector<1024xf32> to vector<1024x1xf32>
    %eq3A_289 = vector.broadcast %broadcast_in_dim3A_288 : vector<1024x1xf32> to vector<1024x2000xf32>
    %eq3A_290 = arith.cmpf oeq, %select_n3A_231, %eq3A_289 : vector<1024x2000xf32>
    %jit3A_291 = arith.constant 2000 : i32
    %broadcast_in_dim3A_292 = vector.broadcast %jit3A_291 : i32 to vector<1024x2000xi32>
    %select_n3A_293 = arith.select %eq3A_290, %iota3A, %broadcast_in_dim3A_292 : vector<1024x2000xi1>, vector<1024x2000xi32>
    %reduce_min3A_294 = arith.constant dense<2147483647> : vector<1024xi32>
    %reduce_min3A_295 = vector.multi_reduction <minsi>, %select_n3A_293, %reduce_min3A_294 [1] : vector<1024x2000xi32> to vector<1024xi32>
    %broadcast_in_dim3A_296 = vector.shape_cast %reduce_min3A_295 : vector<1024xi32> to vector<1024x1xi32>
    %eq3A_297 = vector.broadcast %broadcast_in_dim3A_296 : vector<1024x1xi32> to vector<1024x2000xi32>
    %eq3A_298 = arith.cmpi eq, %iota3A, %eq3A_297 : vector<1024x2000xi32>
    %jit3A_299 = arith.constant -3.40282347E+38 : f32
    %broadcast_in_dim3A_300 = vector.broadcast %jit3A_299 : f32 to vector<1024x2000xf32>
    %select_n3A_301 = arith.select %eq3A_298, %broadcast_in_dim3A_300, %select_n3A_231 : vector<1024x2000xi1>, vector<1024x2000xf32>
    %mul3A_302 = arith.constant 2000 : i32
    %mul3A_303 = arith.muli %add3A_15, %mul3A_302 : i32
    %add3A_304 = vector.broadcast %mul3A_303 : i32 to vector<1024x1xi32>
    %add3A_305 = arith.addi %broadcast_in_dim3A_296, %add3A_304 : vector<1024x1xi32>
    %get3A_306 = arith.constant 0 : index
    %get3A_307 = arith.constant 0 : index
    %get3A_308 = vector.load %arg7[%get3A_306, %get3A_307] : memref<1024x16xf32, #tpu.memory_space<vmem>>, vector<1024x16xf32>
    %get3A_309 = arith.constant 0 : index
    %get3A_310 = arith.constant 0 : index
    %get3A_311 = vector.load %arg8[%get3A_309, %get3A_310] : memref<1024x16xi32, #tpu.memory_space<vmem>>, vector<1024x16xi32>
    %slice3A_312 = vector.extract_strided_slice %get3A_308 {offsets = [0, 9], sizes = [1024, 1], strides = [1, 1]} : vector<1024x16xf32> to vector<1024x1xf32>
    %gt3A_313 = arith.cmpf ogt, %broadcast_in_dim3A_288, %slice3A_312 : vector<1024x1xf32>
    %ge3A_314 = vector.broadcast %broadcast_in_dim3A_288 : vector<1024x1xf32> to vector<1024x16xf32>
    %ge3A_315 = arith.cmpf oge, %get3A_308, %ge3A_314 : vector<1024x16xf32>
    %convert_element_type3A_316 = arith.extui %ge3A_315 : vector<1024x16xi1> to vector<1024x16xi32>
    %reduce_sum3A_317 = arith.constant dense<0> : vector<1024xi32>
    %reduce_sum3A_318 = vector.multi_reduction <add>, %convert_element_type3A_316, %reduce_sum3A_317 [1] : vector<1024x16xi32> to vector<1024xi32>
    %broadcast_in_dim3A_319 = vector.shape_cast %reduce_sum3A_318 : vector<1024xi32> to vector<1024x1xi32>
    %broadcast_in_dim3A_320 = arith.constant -3.40282347E+38 : f32
    %broadcast_in_dim3A_321 = vector.broadcast %broadcast_in_dim3A_320 : f32 to vector<1024x1xf32>
    %slice3A_322 = vector.extract_strided_slice %get3A_308 {offsets = [0, 0], sizes = [1024, 15], strides = [1, 1]} : vector<1024x16xf32> to vector<1024x15xf32>
    %concatenate3A_323 = tpu.concatenate %broadcast_in_dim3A_321, %slice3A_322 in 1 : vector<1024x1xf32>, vector<1024x15xf32> -> vector<1024x16xf32>
    %broadcast_in_dim3A_324 = arith.constant 0 : i32
    %broadcast_in_dim3A_325 = vector.broadcast %broadcast_in_dim3A_324 : i32 to vector<1024x1xi32>
    %slice3A_326 = vector.extract_strided_slice %get3A_311 {offsets = [0, 0], sizes = [1024, 15], strides = [1, 1]} : vector<1024x16xi32> to vector<1024x15xi32>
    %concatenate3A_327 = tpu.concatenate %broadcast_in_dim3A_325, %slice3A_326 in 1 : vector<1024x1xi32>, vector<1024x15xi32> -> vector<1024x16xi32>
    %lt3A_328 = vector.broadcast %broadcast_in_dim3A_319 : vector<1024x1xi32> to vector<1024x16xi32>
    %lt3A_329 = arith.cmpi slt, %iota3A_12, %lt3A_328 : vector<1024x16xi32>
    %eq3A_330 = vector.broadcast %broadcast_in_dim3A_319 : vector<1024x1xi32> to vector<1024x16xi32>
    %eq3A_331 = arith.cmpi eq, %iota3A_12, %eq3A_330 : vector<1024x16xi32>
    %broadcast_in_dim3A_332 = vector.shape_cast %broadcast_in_dim3A_288 : vector<1024x1xf32> to vector<1024x1xf32>
    %broadcast_in_dim3A_333 = vector.broadcast %broadcast_in_dim3A_332 : vector<1024x1xf32> to vector<1024x16xf32>
    %select_n3A_334 = arith.select %eq3A_331, %broadcast_in_dim3A_333, %concatenate3A_323 : vector<1024x16xi1>, vector<1024x16xf32>
    %select_n3A_335 = arith.select %lt3A_329, %get3A_308, %select_n3A_334 : vector<1024x16xi1>, vector<1024x16xf32>
    %lt3A_336 = vector.broadcast %broadcast_in_dim3A_319 : vector<1024x1xi32> to vector<1024x16xi32>
    %lt3A_337 = arith.cmpi slt, %iota3A_12, %lt3A_336 : vector<1024x16xi32>
    %eq3A_338 = vector.broadcast %broadcast_in_dim3A_319 : vector<1024x1xi32> to vector<1024x16xi32>
    %eq3A_339 = arith.cmpi eq, %iota3A_12, %eq3A_338 : vector<1024x16xi32>
    %broadcast_in_dim3A_340 = vector.shape_cast %add3A_305 : vector<1024x1xi32> to vector<1024x1xi32>
    %broadcast_in_dim3A_341 = vector.broadcast %broadcast_in_dim3A_340 : vector<1024x1xi32> to vector<1024x16xi32>
    %select_n3A_342 = arith.select %eq3A_339, %broadcast_in_dim3A_341, %concatenate3A_327 : vector<1024x16xi1>, vector<1024x16xi32>
    %select_n3A_343 = arith.select %lt3A_337, %get3A_311, %select_n3A_342 : vector<1024x16xi1>, vector<1024x16xi32>
    %broadcast_in_dim3A_344 = vector.shape_cast %gt3A_313 : vector<1024x1xi1> to vector<1024x1xi1>
    %broadcast_in_dim3A_345 = vector.broadcast %broadcast_in_dim3A_344 : vector<1024x1xi1> to vector<1024x16xi1>
    %select_n3A_346 = arith.select %broadcast_in_dim3A_345, %select_n3A_335, %get3A_308 : vector<1024x16xi1>, vector<1024x16xf32>
    %swap3A_347 = arith.constant 0 : index
    %swap3A_348 = arith.constant 0 : index
    %swap3A_349 = vector.load %arg7[%swap3A_347, %swap3A_348] : memref<1024x16xf32, #tpu.memory_space<vmem>>, vector<1024x16xf32>
    tpu.vector_store %arg7[%swap3A_347, %swap3A_348], %select_n3A_346 {strides = array<i32>} : memref<1024x16xf32, #tpu.memory_space<vmem>>, vector<1024x16xf32>,
    %broadcast_in_dim3A_350 = vector.shape_cast %gt3A_313 : vector<1024x1xi1> to vector<1024x1xi1>
    %broadcast_in_dim3A_351 = vector.broadcast %broadcast_in_dim3A_350 : vector<1024x1xi1> to vector<1024x16xi1>
    %select_n3A_352 = arith.select %broadcast_in_dim3A_351, %select_n3A_343, %get3A_311 : vector<1024x16xi1>, vector<1024x16xi32>
    %swap3A_353 = arith.constant 0 : index
    %swap3A_354 = arith.constant 0 : index
    %swap3A_355 = vector.load %arg8[%swap3A_353, %swap3A_354] : memref<1024x16xi32, #tpu.memory_space<vmem>>, vector<1024x16xi32>
    tpu.vector_store %arg8[%swap3A_353, %swap3A_354], %select_n3A_352 {strides = array<i32>} : memref<1024x16xi32, #tpu.memory_space<vmem>>, vector<1024x16xi32>,
    %reduce_max3A_356 = arith.constant dense<0xFF800000> : vector<1024xf32>
    %reduce_max3A_357 = vector.multi_reduction <maximumf>, %select_n3A_301, %reduce_max3A_356 [1] : vector<1024x2000xf32> to vector<1024xf32>
    %broadcast_in_dim3A_358 = vector.shape_cast %reduce_max3A_357 : vector<1024xf32> to vector<1024x1xf32>
    %eq3A_359 = vector.broadcast %broadcast_in_dim3A_358 : vector<1024x1xf32> to vector<1024x2000xf32>
    %eq3A_360 = arith.cmpf oeq, %select_n3A_301, %eq3A_359 : vector<1024x2000xf32>
    %jit3A_361 = arith.constant 2000 : i32
    %broadcast_in_dim3A_362 = vector.broadcast %jit3A_361 : i32 to vector<1024x2000xi32>
    %select_n3A_363 = arith.select %eq3A_360, %iota3A, %broadcast_in_dim3A_362 : vector<1024x2000xi1>, vector<1024x2000xi32>
    %reduce_min3A_364 = arith.constant dense<2147483647> : vector<1024xi32>
    %reduce_min3A_365 = vector.multi_reduction <minsi>, %select_n3A_363, %reduce_min3A_364 [1] : vector<1024x2000xi32> to vector<1024xi32>
    %broadcast_in_dim3A_366 = vector.shape_cast %reduce_min3A_365 : vector<1024xi32> to vector<1024x1xi32>
    %eq3A_367 = vector.broadcast %broadcast_in_dim3A_366 : vector<1024x1xi32> to vector<1024x2000xi32>
    %eq3A_368 = arith.cmpi eq, %iota3A, %eq3A_367 : vector<1024x2000xi32>
    %jit3A_369 = arith.constant -3.40282347E+38 : f32
    %broadcast_in_dim3A_370 = vector.broadcast %jit3A_369 : f32 to vector<1024x2000xf32>
    %select_n3A_371 = arith.select %eq3A_368, %broadcast_in_dim3A_370, %select_n3A_301 : vector<1024x2000xi1>, vector<1024x2000xf32>
    %mul3A_372 = arith.constant 2000 : i32
    %mul3A_373 = arith.muli %add3A_15, %mul3A_372 : i32
    %add3A_374 = vector.broadcast %mul3A_373 : i32 to vector<1024x1xi32>
    %add3A_375 = arith.addi %broadcast_in_dim3A_366, %add3A_374 : vector<1024x1xi32>
    %get3A_376 = arith.constant 0 : index
    %get3A_377 = arith.constant 0 : index
    %get3A_378 = vector.load %arg7[%get3A_376, %get3A_377] : memref<1024x16xf32, #tpu.memory_space<vmem>>, vector<1024x16xf32>
    %get3A_379 = arith.constant 0 : index
    %get3A_380 = arith.constant 0 : index
    %get3A_381 = vector.load %arg8[%get3A_379, %get3A_380] : memref<1024x16xi32, #tpu.memory_space<vmem>>, vector<1024x16xi32>
    %slice3A_382 = vector.extract_strided_slice %get3A_378 {offsets = [0, 9], sizes = [1024, 1], strides = [1, 1]} : vector<1024x16xf32> to vector<1024x1xf32>
    %gt3A_383 = arith.cmpf ogt, %broadcast_in_dim3A_358, %slice3A_382 : vector<1024x1xf32>
    %ge3A_384 = vector.broadcast %broadcast_in_dim3A_358 : vector<1024x1xf32> to vector<1024x16xf32>
    %ge3A_385 = arith.cmpf oge, %get3A_378, %ge3A_384 : vector<1024x16xf32>
    %convert_element_type3A_386 = arith.extui %ge3A_385 : vector<1024x16xi1> to vector<1024x16xi32>
    %reduce_sum3A_387 = arith.constant dense<0> : vector<1024xi32>
    %reduce_sum3A_388 = vector.multi_reduction <add>, %convert_element_type3A_386, %reduce_sum3A_387 [1] : vector<1024x16xi32> to vector<1024xi32>
    %broadcast_in_dim3A_389 = vector.shape_cast %reduce_sum3A_388 : vector<1024xi32> to vector<1024x1xi32>
    %broadcast_in_dim3A_390 = arith.constant -3.40282347E+38 : f32
    %broadcast_in_dim3A_391 = vector.broadcast %broadcast_in_dim3A_390 : f32 to vector<1024x1xf32>
    %slice3A_392 = vector.extract_strided_slice %get3A_378 {offsets = [0, 0], sizes = [1024, 15], strides = [1, 1]} : vector<1024x16xf32> to vector<1024x15xf32>
    %concatenate3A_393 = tpu.concatenate %broadcast_in_dim3A_391, %slice3A_392 in 1 : vector<1024x1xf32>, vector<1024x15xf32> -> vector<1024x16xf32>
    %broadcast_in_dim3A_394 = arith.constant 0 : i32
    %broadcast_in_dim3A_395 = vector.broadcast %broadcast_in_dim3A_394 : i32 to vector<1024x1xi32>
    %slice3A_396 = vector.extract_strided_slice %get3A_381 {offsets = [0, 0], sizes = [1024, 15], strides = [1, 1]} : vector<1024x16xi32> to vector<1024x15xi32>
    %concatenate3A_397 = tpu.concatenate %broadcast_in_dim3A_395, %slice3A_396 in 1 : vector<1024x1xi32>, vector<1024x15xi32> -> vector<1024x16xi32>
    %lt3A_398 = vector.broadcast %broadcast_in_dim3A_389 : vector<1024x1xi32> to vector<1024x16xi32>
    %lt3A_399 = arith.cmpi slt, %iota3A_12, %lt3A_398 : vector<1024x16xi32>
    %eq3A_400 = vector.broadcast %broadcast_in_dim3A_389 : vector<1024x1xi32> to vector<1024x16xi32>
    %eq3A_401 = arith.cmpi eq, %iota3A_12, %eq3A_400 : vector<1024x16xi32>
    %broadcast_in_dim3A_402 = vector.shape_cast %broadcast_in_dim3A_358 : vector<1024x1xf32> to vector<1024x1xf32>
    %broadcast_in_dim3A_403 = vector.broadcast %broadcast_in_dim3A_402 : vector<1024x1xf32> to vector<1024x16xf32>
    %select_n3A_404 = arith.select %eq3A_401, %broadcast_in_dim3A_403, %concatenate3A_393 : vector<1024x16xi1>, vector<1024x16xf32>
    %select_n3A_405 = arith.select %lt3A_399, %get3A_378, %select_n3A_404 : vector<1024x16xi1>, vector<1024x16xf32>
    %lt3A_406 = vector.broadcast %broadcast_in_dim3A_389 : vector<1024x1xi32> to vector<1024x16xi32>
    %lt3A_407 = arith.cmpi slt, %iota3A_12, %lt3A_406 : vector<1024x16xi32>
    %eq3A_408 = vector.broadcast %broadcast_in_dim3A_389 : vector<1024x1xi32> to vector<1024x16xi32>
    %eq3A_409 = arith.cmpi eq, %iota3A_12, %eq3A_408 : vector<1024x16xi32>
    %broadcast_in_dim3A_410 = vector.shape_cast %add3A_375 : vector<1024x1xi32> to vector<1024x1xi32>
    %broadcast_in_dim3A_411 = vector.broadcast %broadcast_in_dim3A_410 : vector<1024x1xi32> to vector<1024x16xi32>
    %select_n3A_412 = arith.select %eq3A_409, %broadcast_in_dim3A_411, %concatenate3A_397 : vector<1024x16xi1>, vector<1024x16xi32>
    %select_n3A_413 = arith.select %lt3A_407, %get3A_381, %select_n3A_412 : vector<1024x16xi1>, vector<1024x16xi32>
    %broadcast_in_dim3A_414 = vector.shape_cast %gt3A_383 : vector<1024x1xi1> to vector<1024x1xi1>
    %broadcast_in_dim3A_415 = vector.broadcast %broadcast_in_dim3A_414 : vector<1024x1xi1> to vector<1024x16xi1>
    %select_n3A_416 = arith.select %broadcast_in_dim3A_415, %select_n3A_405, %get3A_378 : vector<1024x16xi1>, vector<1024x16xf32>
    %swap3A_417 = arith.constant 0 : index
    %swap3A_418 = arith.constant 0 : index
    %swap3A_419 = vector.load %arg7[%swap3A_417, %swap3A_418] : memref<1024x16xf32, #tpu.memory_space<vmem>>, vector<1024x16xf32>
    tpu.vector_store %arg7[%swap3A_417, %swap3A_418], %select_n3A_416 {strides = array<i32>} : memref<1024x16xf32, #tpu.memory_space<vmem>>, vector<1024x16xf32>,
    %broadcast_in_dim3A_420 = vector.shape_cast %gt3A_383 : vector<1024x1xi1> to vector<1024x1xi1>
    %broadcast_in_dim3A_421 = vector.broadcast %broadcast_in_dim3A_420 : vector<1024x1xi1> to vector<1024x16xi1>
    %select_n3A_422 = arith.select %broadcast_in_dim3A_421, %select_n3A_413, %get3A_381 : vector<1024x16xi1>, vector<1024x16xi32>
    %swap3A_423 = arith.constant 0 : index
    %swap3A_424 = arith.constant 0 : index
    %swap3A_425 = vector.load %arg8[%swap3A_423, %swap3A_424] : memref<1024x16xi32, #tpu.memory_space<vmem>>, vector<1024x16xi32>
    tpu.vector_store %arg8[%swap3A_423, %swap3A_424], %select_n3A_422 {strides = array<i32>} : memref<1024x16xi32, #tpu.memory_space<vmem>>, vector<1024x16xi32>,
    %reduce_max3A_426 = arith.constant dense<0xFF800000> : vector<1024xf32>
    %reduce_max3A_427 = vector.multi_reduction <maximumf>, %select_n3A_371, %reduce_max3A_426 [1] : vector<1024x2000xf32> to vector<1024xf32>
    %broadcast_in_dim3A_428 = vector.shape_cast %reduce_max3A_427 : vector<1024xf32> to vector<1024x1xf32>
    %eq3A_429 = vector.broadcast %broadcast_in_dim3A_428 : vector<1024x1xf32> to vector<1024x2000xf32>
    %eq3A_430 = arith.cmpf oeq, %select_n3A_371, %eq3A_429 : vector<1024x2000xf32>
    %jit3A_431 = arith.constant 2000 : i32
    %broadcast_in_dim3A_432 = vector.broadcast %jit3A_431 : i32 to vector<1024x2000xi32>
    %select_n3A_433 = arith.select %eq3A_430, %iota3A, %broadcast_in_dim3A_432 : vector<1024x2000xi1>, vector<1024x2000xi32>
    %reduce_min3A_434 = arith.constant dense<2147483647> : vector<1024xi32>
    %reduce_min3A_435 = vector.multi_reduction <minsi>, %select_n3A_433, %reduce_min3A_434 [1] : vector<1024x2000xi32> to vector<1024xi32>
    %broadcast_in_dim3A_436 = vector.shape_cast %reduce_min3A_435 : vector<1024xi32> to vector<1024x1xi32>
    %eq3A_437 = vector.broadcast %broadcast_in_dim3A_436 : vector<1024x1xi32> to vector<1024x2000xi32>
    %eq3A_438 = arith.cmpi eq, %iota3A, %eq3A_437 : vector<1024x2000xi32>
    %jit3A_439 = arith.constant -3.40282347E+38 : f32
    %broadcast_in_dim3A_440 = vector.broadcast %jit3A_439 : f32 to vector<1024x2000xf32>
    %select_n3A_441 = arith.select %eq3A_438, %broadcast_in_dim3A_440, %select_n3A_371 : vector<1024x2000xi1>, vector<1024x2000xf32>
    %mul3A_442 = arith.constant 2000 : i32
    %mul3A_443 = arith.muli %add3A_15, %mul3A_442 : i32
    %add3A_444 = vector.broadcast %mul3A_443 : i32 to vector<1024x1xi32>
    %add3A_445 = arith.addi %broadcast_in_dim3A_436, %add3A_444 : vector<1024x1xi32>
    %get3A_446 = arith.constant 0 : index
    %get3A_447 = arith.constant 0 : index
    %get3A_448 = vector.load %arg7[%get3A_446, %get3A_447] : memref<1024x16xf32, #tpu.memory_space<vmem>>, vector<1024x16xf32>
    %get3A_449 = arith.constant 0 : index
    %get3A_450 = arith.constant 0 : index
    %get3A_451 = vector.load %arg8[%get3A_449, %get3A_450] : memref<1024x16xi32, #tpu.memory_space<vmem>>, vector<1024x16xi32>
    %slice3A_452 = vector.extract_strided_slice %get3A_448 {offsets = [0, 9], sizes = [1024, 1], strides = [1, 1]} : vector<1024x16xf32> to vector<1024x1xf32>
    %gt3A_453 = arith.cmpf ogt, %broadcast_in_dim3A_428, %slice3A_452 : vector<1024x1xf32>
    %ge3A_454 = vector.broadcast %broadcast_in_dim3A_428 : vector<1024x1xf32> to vector<1024x16xf32>
    %ge3A_455 = arith.cmpf oge, %get3A_448, %ge3A_454 : vector<1024x16xf32>
    %convert_element_type3A_456 = arith.extui %ge3A_455 : vector<1024x16xi1> to vector<1024x16xi32>
    %reduce_sum3A_457 = arith.constant dense<0> : vector<1024xi32>
    %reduce_sum3A_458 = vector.multi_reduction <add>, %convert_element_type3A_456, %reduce_sum3A_457 [1] : vector<1024x16xi32> to vector<1024xi32>
    %broadcast_in_dim3A_459 = vector.shape_cast %reduce_sum3A_458 : vector<1024xi32> to vector<1024x1xi32>
    %broadcast_in_dim3A_460 = arith.constant -3.40282347E+38 : f32
    %broadcast_in_dim3A_461 = vector.broadcast %broadcast_in_dim3A_460 : f32 to vector<1024x1xf32>
    %slice3A_462 = vector.extract_strided_slice %get3A_448 {offsets = [0, 0], sizes = [1024, 15], strides = [1, 1]} : vector<1024x16xf32> to vector<1024x15xf32>
    %concatenate3A_463 = tpu.concatenate %broadcast_in_dim3A_461, %slice3A_462 in 1 : vector<1024x1xf32>, vector<1024x15xf32> -> vector<1024x16xf32>
    %broadcast_in_dim3A_464 = arith.constant 0 : i32
    %broadcast_in_dim3A_465 = vector.broadcast %broadcast_in_dim3A_464 : i32 to vector<1024x1xi32>
    %slice3A_466 = vector.extract_strided_slice %get3A_451 {offsets = [0, 0], sizes = [1024, 15], strides = [1, 1]} : vector<1024x16xi32> to vector<1024x15xi32>
    %concatenate3A_467 = tpu.concatenate %broadcast_in_dim3A_465, %slice3A_466 in 1 : vector<1024x1xi32>, vector<1024x15xi32> -> vector<1024x16xi32>
    %lt3A_468 = vector.broadcast %broadcast_in_dim3A_459 : vector<1024x1xi32> to vector<1024x16xi32>
    %lt3A_469 = arith.cmpi slt, %iota3A_12, %lt3A_468 : vector<1024x16xi32>
    %eq3A_470 = vector.broadcast %broadcast_in_dim3A_459 : vector<1024x1xi32> to vector<1024x16xi32>
    %eq3A_471 = arith.cmpi eq, %iota3A_12, %eq3A_470 : vector<1024x16xi32>
    %broadcast_in_dim3A_472 = vector.shape_cast %broadcast_in_dim3A_428 : vector<1024x1xf32> to vector<1024x1xf32>
    %broadcast_in_dim3A_473 = vector.broadcast %broadcast_in_dim3A_472 : vector<1024x1xf32> to vector<1024x16xf32>
    %select_n3A_474 = arith.select %eq3A_471, %broadcast_in_dim3A_473, %concatenate3A_463 : vector<1024x16xi1>, vector<1024x16xf32>
    %select_n3A_475 = arith.select %lt3A_469, %get3A_448, %select_n3A_474 : vector<1024x16xi1>, vector<1024x16xf32>
    %lt3A_476 = vector.broadcast %broadcast_in_dim3A_459 : vector<1024x1xi32> to vector<1024x16xi32>
    %lt3A_477 = arith.cmpi slt, %iota3A_12, %lt3A_476 : vector<1024x16xi32>
    %eq3A_478 = vector.broadcast %broadcast_in_dim3A_459 : vector<1024x1xi32> to vector<1024x16xi32>
    %eq3A_479 = arith.cmpi eq, %iota3A_12, %eq3A_478 : vector<1024x16xi32>
    %broadcast_in_dim3A_480 = vector.shape_cast %add3A_445 : vector<1024x1xi32> to vector<1024x1xi32>
    %broadcast_in_dim3A_481 = vector.broadcast %broadcast_in_dim3A_480 : vector<1024x1xi32> to vector<1024x16xi32>
    %select_n3A_482 = arith.select %eq3A_479, %broadcast_in_dim3A_481, %concatenate3A_467 : vector<1024x16xi1>, vector<1024x16xi32>
    %select_n3A_483 = arith.select %lt3A_477, %get3A_451, %select_n3A_482 : vector<1024x16xi1>, vector<1024x16xi32>
    %broadcast_in_dim3A_484 = vector.shape_cast %gt3A_453 : vector<1024x1xi1> to vector<1024x1xi1>
    %broadcast_in_dim3A_485 = vector.broadcast %broadcast_in_dim3A_484 : vector<1024x1xi1> to vector<1024x16xi1>
    %select_n3A_486 = arith.select %broadcast_in_dim3A_485, %select_n3A_475, %get3A_448 : vector<1024x16xi1>, vector<1024x16xf32>
    %swap3A_487 = arith.constant 0 : index
    %swap3A_488 = arith.constant 0 : index
    %swap3A_489 = vector.load %arg7[%swap3A_487, %swap3A_488] : memref<1024x16xf32, #tpu.memory_space<vmem>>, vector<1024x16xf32>
    tpu.vector_store %arg7[%swap3A_487, %swap3A_488], %select_n3A_486 {strides = array<i32>} : memref<1024x16xf32, #tpu.memory_space<vmem>>, vector<1024x16xf32>,
    %broadcast_in_dim3A_490 = vector.shape_cast %gt3A_453 : vector<1024x1xi1> to vector<1024x1xi1>
    %broadcast_in_dim3A_491 = vector.broadcast %broadcast_in_dim3A_490 : vector<1024x1xi1> to vector<1024x16xi1>
    %select_n3A_492 = arith.select %broadcast_in_dim3A_491, %select_n3A_483, %get3A_451 : vector<1024x16xi1>, vector<1024x16xi32>
    %swap3A_493 = arith.constant 0 : index
    %swap3A_494 = arith.constant 0 : index
    %swap3A_495 = vector.load %arg8[%swap3A_493, %swap3A_494] : memref<1024x16xi32, #tpu.memory_space<vmem>>, vector<1024x16xi32>
    tpu.vector_store %arg8[%swap3A_493, %swap3A_494], %select_n3A_492 {strides = array<i32>} : memref<1024x16xi32, #tpu.memory_space<vmem>>, vector<1024x16xi32>,
    %reduce_max3A_496 = arith.constant dense<0xFF800000> : vector<1024xf32>
    %reduce_max3A_497 = vector.multi_reduction <maximumf>, %select_n3A_441, %reduce_max3A_496 [1] : vector<1024x2000xf32> to vector<1024xf32>
    %broadcast_in_dim3A_498 = vector.shape_cast %reduce_max3A_497 : vector<1024xf32> to vector<1024x1xf32>
    %eq3A_499 = vector.broadcast %broadcast_in_dim3A_498 : vector<1024x1xf32> to vector<1024x2000xf32>
    %eq3A_500 = arith.cmpf oeq, %select_n3A_441, %eq3A_499 : vector<1024x2000xf32>
    %jit3A_501 = arith.constant 2000 : i32
    %broadcast_in_dim3A_502 = vector.broadcast %jit3A_501 : i32 to vector<1024x2000xi32>
    %select_n3A_503 = arith.select %eq3A_500, %iota3A, %broadcast_in_dim3A_502 : vector<1024x2000xi1>, vector<1024x2000xi32>
    %reduce_min3A_504 = arith.constant dense<2147483647> : vector<1024xi32>
    %reduce_min3A_505 = vector.multi_reduction <minsi>, %select_n3A_503, %reduce_min3A_504 [1] : vector<1024x2000xi32> to vector<1024xi32>
    %broadcast_in_dim3A_506 = vector.shape_cast %reduce_min3A_505 : vector<1024xi32> to vector<1024x1xi32>
    %eq3A_507 = vector.broadcast %broadcast_in_dim3A_506 : vector<1024x1xi32> to vector<1024x2000xi32>
    %eq3A_508 = arith.cmpi eq, %iota3A, %eq3A_507 : vector<1024x2000xi32>
    %jit3A_509 = arith.constant -3.40282347E+38 : f32
    %broadcast_in_dim3A_510 = vector.broadcast %jit3A_509 : f32 to vector<1024x2000xf32>
    %select_n3A_511 = arith.select %eq3A_508, %broadcast_in_dim3A_510, %select_n3A_441 : vector<1024x2000xi1>, vector<1024x2000xf32>
    %mul3A_512 = arith.constant 2000 : i32
    %mul3A_513 = arith.muli %add3A_15, %mul3A_512 : i32
    %add3A_514 = vector.broadcast %mul3A_513 : i32 to vector<1024x1xi32>
    %add3A_515 = arith.addi %broadcast_in_dim3A_506, %add3A_514 : vector<1024x1xi32>
    %get3A_516 = arith.constant 0 : index
    %get3A_517 = arith.constant 0 : index
    %get3A_518 = vector.load %arg7[%get3A_516, %get3A_517] : memref<1024x16xf32, #tpu.memory_space<vmem>>, vector<1024x16xf32>
    %get3A_519 = arith.constant 0 : index
    %get3A_520 = arith.constant 0 : index
    %get3A_521 = vector.load %arg8[%get3A_519, %get3A_520] : memref<1024x16xi32, #tpu.memory_space<vmem>>, vector<1024x16xi32>
    %slice3A_522 = vector.extract_strided_slice %get3A_518 {offsets = [0, 9], sizes = [1024, 1], strides = [1, 1]} : vector<1024x16xf32> to vector<1024x1xf32>
    %gt3A_523 = arith.cmpf ogt, %broadcast_in_dim3A_498, %slice3A_522 : vector<1024x1xf32>
    %ge3A_524 = vector.broadcast %broadcast_in_dim3A_498 : vector<1024x1xf32> to vector<1024x16xf32>
    %ge3A_525 = arith.cmpf oge, %get3A_518, %ge3A_524 : vector<1024x16xf32>
    %convert_element_type3A_526 = arith.extui %ge3A_525 : vector<1024x16xi1> to vector<1024x16xi32>
    %reduce_sum3A_527 = arith.constant dense<0> : vector<1024xi32>
    %reduce_sum3A_528 = vector.multi_reduction <add>, %convert_element_type3A_526, %reduce_sum3A_527 [1] : vector<1024x16xi32> to vector<1024xi32>
    %broadcast_in_dim3A_529 = vector.shape_cast %reduce_sum3A_528 : vector<1024xi32> to vector<1024x1xi32>
    %broadcast_in_dim3A_530 = arith.constant -3.40282347E+38 : f32
    %broadcast_in_dim3A_531 = vector.broadcast %broadcast_in_dim3A_530 : f32 to vector<1024x1xf32>
    %slice3A_532 = vector.extract_strided_slice %get3A_518 {offsets = [0, 0], sizes = [1024, 15], strides = [1, 1]} : vector<1024x16xf32> to vector<1024x15xf32>
    %concatenate3A_533 = tpu.concatenate %broadcast_in_dim3A_531, %slice3A_532 in 1 : vector<1024x1xf32>, vector<1024x15xf32> -> vector<1024x16xf32>
    %broadcast_in_dim3A_534 = arith.constant 0 : i32
    %broadcast_in_dim3A_535 = vector.broadcast %broadcast_in_dim3A_534 : i32 to vector<1024x1xi32>
    %slice3A_536 = vector.extract_strided_slice %get3A_521 {offsets = [0, 0], sizes = [1024, 15], strides = [1, 1]} : vector<1024x16xi32> to vector<1024x15xi32>
    %concatenate3A_537 = tpu.concatenate %broadcast_in_dim3A_535, %slice3A_536 in 1 : vector<1024x1xi32>, vector<1024x15xi32> -> vector<1024x16xi32>
    %lt3A_538 = vector.broadcast %broadcast_in_dim3A_529 : vector<1024x1xi32> to vector<1024x16xi32>
    %lt3A_539 = arith.cmpi slt, %iota3A_12, %lt3A_538 : vector<1024x16xi32>
    %eq3A_540 = vector.broadcast %broadcast_in_dim3A_529 : vector<1024x1xi32> to vector<1024x16xi32>
    %eq3A_541 = arith.cmpi eq, %iota3A_12, %eq3A_540 : vector<1024x16xi32>
    %broadcast_in_dim3A_542 = vector.shape_cast %broadcast_in_dim3A_498 : vector<1024x1xf32> to vector<1024x1xf32>
    %broadcast_in_dim3A_543 = vector.broadcast %broadcast_in_dim3A_542 : vector<1024x1xf32> to vector<1024x16xf32>
    %select_n3A_544 = arith.select %eq3A_541, %broadcast_in_dim3A_543, %concatenate3A_533 : vector<1024x16xi1>, vector<1024x16xf32>
    %select_n3A_545 = arith.select %lt3A_539, %get3A_518, %select_n3A_544 : vector<1024x16xi1>, vector<1024x16xf32>
    %lt3A_546 = vector.broadcast %broadcast_in_dim3A_529 : vector<1024x1xi32> to vector<1024x16xi32>
    %lt3A_547 = arith.cmpi slt, %iota3A_12, %lt3A_546 : vector<1024x16xi32>
    %eq3A_548 = vector.broadcast %broadcast_in_dim3A_529 : vector<1024x1xi32> to vector<1024x16xi32>
    %eq3A_549 = arith.cmpi eq, %iota3A_12, %eq3A_548 : vector<1024x16xi32>
    %broadcast_in_dim3A_550 = vector.shape_cast %add3A_515 : vector<1024x1xi32> to vector<1024x1xi32>
    %broadcast_in_dim3A_551 = vector.broadcast %broadcast_in_dim3A_550 : vector<1024x1xi32> to vector<1024x16xi32>
    %select_n3A_552 = arith.select %eq3A_549, %broadcast_in_dim3A_551, %concatenate3A_537 : vector<1024x16xi1>, vector<1024x16xi32>
    %select_n3A_553 = arith.select %lt3A_547, %get3A_521, %select_n3A_552 : vector<1024x16xi1>, vector<1024x16xi32>
    %broadcast_in_dim3A_554 = vector.shape_cast %gt3A_523 : vector<1024x1xi1> to vector<1024x1xi1>
    %broadcast_in_dim3A_555 = vector.broadcast %broadcast_in_dim3A_554 : vector<1024x1xi1> to vector<1024x16xi1>
    %select_n3A_556 = arith.select %broadcast_in_dim3A_555, %select_n3A_545, %get3A_518 : vector<1024x16xi1>, vector<1024x16xf32>
    %swap3A_557 = arith.constant 0 : index
    %swap3A_558 = arith.constant 0 : index
    %swap3A_559 = vector.load %arg7[%swap3A_557, %swap3A_558] : memref<1024x16xf32, #tpu.memory_space<vmem>>, vector<1024x16xf32>
    tpu.vector_store %arg7[%swap3A_557, %swap3A_558], %select_n3A_556 {strides = array<i32>} : memref<1024x16xf32, #tpu.memory_space<vmem>>, vector<1024x16xf32>,
    %broadcast_in_dim3A_560 = vector.shape_cast %gt3A_523 : vector<1024x1xi1> to vector<1024x1xi1>
    %broadcast_in_dim3A_561 = vector.broadcast %broadcast_in_dim3A_560 : vector<1024x1xi1> to vector<1024x16xi1>
    %select_n3A_562 = arith.select %broadcast_in_dim3A_561, %select_n3A_553, %get3A_521 : vector<1024x16xi1>, vector<1024x16xi32>
    %swap3A_563 = arith.constant 0 : index
    %swap3A_564 = arith.constant 0 : index
    %swap3A_565 = vector.load %arg8[%swap3A_563, %swap3A_564] : memref<1024x16xi32, #tpu.memory_space<vmem>>, vector<1024x16xi32>
    tpu.vector_store %arg8[%swap3A_563, %swap3A_564], %select_n3A_562 {strides = array<i32>} : memref<1024x16xi32, #tpu.memory_space<vmem>>, vector<1024x16xi32>,
    %reduce_max3A_566 = arith.constant dense<0xFF800000> : vector<1024xf32>
    %reduce_max3A_567 = vector.multi_reduction <maximumf>, %select_n3A_511, %reduce_max3A_566 [1] : vector<1024x2000xf32> to vector<1024xf32>
    %broadcast_in_dim3A_568 = vector.shape_cast %reduce_max3A_567 : vector<1024xf32> to vector<1024x1xf32>
    %eq3A_569 = vector.broadcast %broadcast_in_dim3A_568 : vector<1024x1xf32> to vector<1024x2000xf32>
    %eq3A_570 = arith.cmpf oeq, %select_n3A_511, %eq3A_569 : vector<1024x2000xf32>
    %jit3A_571 = arith.constant 2000 : i32
    %broadcast_in_dim3A_572 = vector.broadcast %jit3A_571 : i32 to vector<1024x2000xi32>
    %select_n3A_573 = arith.select %eq3A_570, %iota3A, %broadcast_in_dim3A_572 : vector<1024x2000xi1>, vector<1024x2000xi32>
    %reduce_min3A_574 = arith.constant dense<2147483647> : vector<1024xi32>
    %reduce_min3A_575 = vector.multi_reduction <minsi>, %select_n3A_573, %reduce_min3A_574 [1] : vector<1024x2000xi32> to vector<1024xi32>
    %broadcast_in_dim3A_576 = vector.shape_cast %reduce_min3A_575 : vector<1024xi32> to vector<1024x1xi32>
    %eq3A_577 = vector.broadcast %broadcast_in_dim3A_576 : vector<1024x1xi32> to vector<1024x2000xi32>
    %eq3A_578 = arith.cmpi eq, %iota3A, %eq3A_577 : vector<1024x2000xi32>
    %jit3A_579 = arith.constant -3.40282347E+38 : f32
    %broadcast_in_dim3A_580 = vector.broadcast %jit3A_579 : f32 to vector<1024x2000xf32>
    %select_n3A_581 = arith.select %eq3A_578, %broadcast_in_dim3A_580, %select_n3A_511 : vector<1024x2000xi1>, vector<1024x2000xf32>
    %mul3A_582 = arith.constant 2000 : i32
    %mul3A_583 = arith.muli %add3A_15, %mul3A_582 : i32
    %add3A_584 = vector.broadcast %mul3A_583 : i32 to vector<1024x1xi32>
    %add3A_585 = arith.addi %broadcast_in_dim3A_576, %add3A_584 : vector<1024x1xi32>
    %get3A_586 = arith.constant 0 : index
    %get3A_587 = arith.constant 0 : index
    %get3A_588 = vector.load %arg7[%get3A_586, %get3A_587] : memref<1024x16xf32, #tpu.memory_space<vmem>>, vector<1024x16xf32>
    %get3A_589 = arith.constant 0 : index
    %get3A_590 = arith.constant 0 : index
    %get3A_591 = vector.load %arg8[%get3A_589, %get3A_590] : memref<1024x16xi32, #tpu.memory_space<vmem>>, vector<1024x16xi32>
    %slice3A_592 = vector.extract_strided_slice %get3A_588 {offsets = [0, 9], sizes = [1024, 1], strides = [1, 1]} : vector<1024x16xf32> to vector<1024x1xf32>
    %gt3A_593 = arith.cmpf ogt, %broadcast_in_dim3A_568, %slice3A_592 : vector<1024x1xf32>
    %ge3A_594 = vector.broadcast %broadcast_in_dim3A_568 : vector<1024x1xf32> to vector<1024x16xf32>
    %ge3A_595 = arith.cmpf oge, %get3A_588, %ge3A_594 : vector<1024x16xf32>
    %convert_element_type3A_596 = arith.extui %ge3A_595 : vector<1024x16xi1> to vector<1024x16xi32>
    %reduce_sum3A_597 = arith.constant dense<0> : vector<1024xi32>
    %reduce_sum3A_598 = vector.multi_reduction <add>, %convert_element_type3A_596, %reduce_sum3A_597 [1] : vector<1024x16xi32> to vector<1024xi32>
    %broadcast_in_dim3A_599 = vector.shape_cast %reduce_sum3A_598 : vector<1024xi32> to vector<1024x1xi32>
    %broadcast_in_dim3A_600 = arith.constant -3.40282347E+38 : f32
    %broadcast_in_dim3A_601 = vector.broadcast %broadcast_in_dim3A_600 : f32 to vector<1024x1xf32>
    %slice3A_602 = vector.extract_strided_slice %get3A_588 {offsets = [0, 0], sizes = [1024, 15], strides = [1, 1]} : vector<1024x16xf32> to vector<1024x15xf32>
    %concatenate3A_603 = tpu.concatenate %broadcast_in_dim3A_601, %slice3A_602 in 1 : vector<1024x1xf32>, vector<1024x15xf32> -> vector<1024x16xf32>
    %broadcast_in_dim3A_604 = arith.constant 0 : i32
    %broadcast_in_dim3A_605 = vector.broadcast %broadcast_in_dim3A_604 : i32 to vector<1024x1xi32>
    %slice3A_606 = vector.extract_strided_slice %get3A_591 {offsets = [0, 0], sizes = [1024, 15], strides = [1, 1]} : vector<1024x16xi32> to vector<1024x15xi32>
    %concatenate3A_607 = tpu.concatenate %broadcast_in_dim3A_605, %slice3A_606 in 1 : vector<1024x1xi32>, vector<1024x15xi32> -> vector<1024x16xi32>
    %lt3A_608 = vector.broadcast %broadcast_in_dim3A_599 : vector<1024x1xi32> to vector<1024x16xi32>
    %lt3A_609 = arith.cmpi slt, %iota3A_12, %lt3A_608 : vector<1024x16xi32>
    %eq3A_610 = vector.broadcast %broadcast_in_dim3A_599 : vector<1024x1xi32> to vector<1024x16xi32>
    %eq3A_611 = arith.cmpi eq, %iota3A_12, %eq3A_610 : vector<1024x16xi32>
    %broadcast_in_dim3A_612 = vector.shape_cast %broadcast_in_dim3A_568 : vector<1024x1xf32> to vector<1024x1xf32>
    %broadcast_in_dim3A_613 = vector.broadcast %broadcast_in_dim3A_612 : vector<1024x1xf32> to vector<1024x16xf32>
    %select_n3A_614 = arith.select %eq3A_611, %broadcast_in_dim3A_613, %concatenate3A_603 : vector<1024x16xi1>, vector<1024x16xf32>
    %select_n3A_615 = arith.select %lt3A_609, %get3A_588, %select_n3A_614 : vector<1024x16xi1>, vector<1024x16xf32>
    %lt3A_616 = vector.broadcast %broadcast_in_dim3A_599 : vector<1024x1xi32> to vector<1024x16xi32>
    %lt3A_617 = arith.cmpi slt, %iota3A_12, %lt3A_616 : vector<1024x16xi32>
    %eq3A_618 = vector.broadcast %broadcast_in_dim3A_599 : vector<1024x1xi32> to vector<1024x16xi32>
    %eq3A_619 = arith.cmpi eq, %iota3A_12, %eq3A_618 : vector<1024x16xi32>
    %broadcast_in_dim3A_620 = vector.shape_cast %add3A_585 : vector<1024x1xi32> to vector<1024x1xi32>
    %broadcast_in_dim3A_621 = vector.broadcast %broadcast_in_dim3A_620 : vector<1024x1xi32> to vector<1024x16xi32>
    %select_n3A_622 = arith.select %eq3A_619, %broadcast_in_dim3A_621, %concatenate3A_607 : vector<1024x16xi1>, vector<1024x16xi32>
    %select_n3A_623 = arith.select %lt3A_617, %get3A_591, %select_n3A_622 : vector<1024x16xi1>, vector<1024x16xi32>
    %broadcast_in_dim3A_624 = vector.shape_cast %gt3A_593 : vector<1024x1xi1> to vector<1024x1xi1>
    %broadcast_in_dim3A_625 = vector.broadcast %broadcast_in_dim3A_624 : vector<1024x1xi1> to vector<1024x16xi1>
    %select_n3A_626 = arith.select %broadcast_in_dim3A_625, %select_n3A_615, %get3A_588 : vector<1024x16xi1>, vector<1024x16xf32>
    %swap3A_627 = arith.constant 0 : index
    %swap3A_628 = arith.constant 0 : index
    %swap3A_629 = vector.load %arg7[%swap3A_627, %swap3A_628] : memref<1024x16xf32, #tpu.memory_space<vmem>>, vector<1024x16xf32>
    tpu.vector_store %arg7[%swap3A_627, %swap3A_628], %select_n3A_626 {strides = array<i32>} : memref<1024x16xf32, #tpu.memory_space<vmem>>, vector<1024x16xf32>,
    %broadcast_in_dim3A_630 = vector.shape_cast %gt3A_593 : vector<1024x1xi1> to vector<1024x1xi1>
    %broadcast_in_dim3A_631 = vector.broadcast %broadcast_in_dim3A_630 : vector<1024x1xi1> to vector<1024x16xi1>
    %select_n3A_632 = arith.select %broadcast_in_dim3A_631, %select_n3A_623, %get3A_591 : vector<1024x16xi1>, vector<1024x16xi32>
    %swap3A_633 = arith.constant 0 : index
    %swap3A_634 = arith.constant 0 : index
    %swap3A_635 = vector.load %arg8[%swap3A_633, %swap3A_634] : memref<1024x16xi32, #tpu.memory_space<vmem>>, vector<1024x16xi32>
    tpu.vector_store %arg8[%swap3A_633, %swap3A_634], %select_n3A_632 {strides = array<i32>} : memref<1024x16xi32, #tpu.memory_space<vmem>>, vector<1024x16xi32>,
    %reduce_max3A_636 = arith.constant dense<0xFF800000> : vector<1024xf32>
    %reduce_max3A_637 = vector.multi_reduction <maximumf>, %select_n3A_581, %reduce_max3A_636 [1] : vector<1024x2000xf32> to vector<1024xf32>
    %broadcast_in_dim3A_638 = vector.shape_cast %reduce_max3A_637 : vector<1024xf32> to vector<1024x1xf32>
    %eq3A_639 = vector.broadcast %broadcast_in_dim3A_638 : vector<1024x1xf32> to vector<1024x2000xf32>
    %eq3A_640 = arith.cmpf oeq, %select_n3A_581, %eq3A_639 : vector<1024x2000xf32>
    %jit3A_641 = arith.constant 2000 : i32
    %broadcast_in_dim3A_642 = vector.broadcast %jit3A_641 : i32 to vector<1024x2000xi32>
    %select_n3A_643 = arith.select %eq3A_640, %iota3A, %broadcast_in_dim3A_642 : vector<1024x2000xi1>, vector<1024x2000xi32>
    %reduce_min3A_644 = arith.constant dense<2147483647> : vector<1024xi32>
    %reduce_min3A_645 = vector.multi_reduction <minsi>, %select_n3A_643, %reduce_min3A_644 [1] : vector<1024x2000xi32> to vector<1024xi32>
    %broadcast_in_dim3A_646 = vector.shape_cast %reduce_min3A_645 : vector<1024xi32> to vector<1024x1xi32>
    %mul3A_647 = arith.constant 2000 : i32
    %mul3A_648 = arith.muli %add3A_15, %mul3A_647 : i32
    %add3A_649 = vector.broadcast %mul3A_648 : i32 to vector<1024x1xi32>
    %add3A_650 = arith.addi %broadcast_in_dim3A_646, %add3A_649 : vector<1024x1xi32>
    %get3A_651 = arith.constant 0 : index
    %get3A_652 = arith.constant 0 : index
    %get3A_653 = vector.load %arg7[%get3A_651, %get3A_652] : memref<1024x16xf32, #tpu.memory_space<vmem>>, vector<1024x16xf32>
    %get3A_654 = arith.constant 0 : index
    %get3A_655 = arith.constant 0 : index
    %get3A_656 = vector.load %arg8[%get3A_654, %get3A_655] : memref<1024x16xi32, #tpu.memory_space<vmem>>, vector<1024x16xi32>
    %slice3A_657 = vector.extract_strided_slice %get3A_653 {offsets = [0, 9], sizes = [1024, 1], strides = [1, 1]} : vector<1024x16xf32> to vector<1024x1xf32>
    %gt3A_658 = arith.cmpf ogt, %broadcast_in_dim3A_638, %slice3A_657 : vector<1024x1xf32>
    %ge3A_659 = vector.broadcast %broadcast_in_dim3A_638 : vector<1024x1xf32> to vector<1024x16xf32>
    %ge3A_660 = arith.cmpf oge, %get3A_653, %ge3A_659 : vector<1024x16xf32>
    %convert_element_type3A_661 = arith.extui %ge3A_660 : vector<1024x16xi1> to vector<1024x16xi32>
    %reduce_sum3A_662 = arith.constant dense<0> : vector<1024xi32>
    %reduce_sum3A_663 = vector.multi_reduction <add>, %convert_element_type3A_661, %reduce_sum3A_662 [1] : vector<1024x16xi32> to vector<1024xi32>
    %broadcast_in_dim3A_664 = vector.shape_cast %reduce_sum3A_663 : vector<1024xi32> to vector<1024x1xi32>
    %broadcast_in_dim3A_665 = arith.constant -3.40282347E+38 : f32
    %broadcast_in_dim3A_666 = vector.broadcast %broadcast_in_dim3A_665 : f32 to vector<1024x1xf32>
    %slice3A_667 = vector.extract_strided_slice %get3A_653 {offsets = [0, 0], sizes = [1024, 15], strides = [1, 1]} : vector<1024x16xf32> to vector<1024x15xf32>
    %concatenate3A_668 = tpu.concatenate %broadcast_in_dim3A_666, %slice3A_667 in 1 : vector<1024x1xf32>, vector<1024x15xf32> -> vector<1024x16xf32>
    %broadcast_in_dim3A_669 = arith.constant 0 : i32
    %broadcast_in_dim3A_670 = vector.broadcast %broadcast_in_dim3A_669 : i32 to vector<1024x1xi32>
    %slice3A_671 = vector.extract_strided_slice %get3A_656 {offsets = [0, 0], sizes = [1024, 15], strides = [1, 1]} : vector<1024x16xi32> to vector<1024x15xi32>
    %concatenate3A_672 = tpu.concatenate %broadcast_in_dim3A_670, %slice3A_671 in 1 : vector<1024x1xi32>, vector<1024x15xi32> -> vector<1024x16xi32>
    %lt3A_673 = vector.broadcast %broadcast_in_dim3A_664 : vector<1024x1xi32> to vector<1024x16xi32>
    %lt3A_674 = arith.cmpi slt, %iota3A_12, %lt3A_673 : vector<1024x16xi32>
    %eq3A_675 = vector.broadcast %broadcast_in_dim3A_664 : vector<1024x1xi32> to vector<1024x16xi32>
    %eq3A_676 = arith.cmpi eq, %iota3A_12, %eq3A_675 : vector<1024x16xi32>
    %broadcast_in_dim3A_677 = vector.shape_cast %broadcast_in_dim3A_638 : vector<1024x1xf32> to vector<1024x1xf32>
    %broadcast_in_dim3A_678 = vector.broadcast %broadcast_in_dim3A_677 : vector<1024x1xf32> to vector<1024x16xf32>
    %select_n3A_679 = arith.select %eq3A_676, %broadcast_in_dim3A_678, %concatenate3A_668 : vector<1024x16xi1>, vector<1024x16xf32>
    %select_n3A_680 = arith.select %lt3A_674, %get3A_653, %select_n3A_679 : vector<1024x16xi1>, vector<1024x16xf32>
    %lt3A_681 = vector.broadcast %broadcast_in_dim3A_664 : vector<1024x1xi32> to vector<1024x16xi32>
    %lt3A_682 = arith.cmpi slt, %iota3A_12, %lt3A_681 : vector<1024x16xi32>
    %eq3A_683 = vector.broadcast %broadcast_in_dim3A_664 : vector<1024x1xi32> to vector<1024x16xi32>
    %eq3A_684 = arith.cmpi eq, %iota3A_12, %eq3A_683 : vector<1024x16xi32>
    %broadcast_in_dim3A_685 = vector.shape_cast %add3A_650 : vector<1024x1xi32> to vector<1024x1xi32>
    %broadcast_in_dim3A_686 = vector.broadcast %broadcast_in_dim3A_685 : vector<1024x1xi32> to vector<1024x16xi32>
    %select_n3A_687 = arith.select %eq3A_684, %broadcast_in_dim3A_686, %concatenate3A_672 : vector<1024x16xi1>, vector<1024x16xi32>
    %select_n3A_688 = arith.select %lt3A_682, %get3A_656, %select_n3A_687 : vector<1024x16xi1>, vector<1024x16xi32>
    %broadcast_in_dim3A_689 = vector.shape_cast %gt3A_658 : vector<1024x1xi1> to vector<1024x1xi1>
    %broadcast_in_dim3A_690 = vector.broadcast %broadcast_in_dim3A_689 : vector<1024x1xi1> to vector<1024x16xi1>
    %select_n3A_691 = arith.select %broadcast_in_dim3A_690, %select_n3A_680, %get3A_653 : vector<1024x16xi1>, vector<1024x16xf32>
    %swap3A_692 = arith.constant 0 : index
    %swap3A_693 = arith.constant 0 : index
    %swap3A_694 = vector.load %arg7[%swap3A_692, %swap3A_693] : memref<1024x16xf32, #tpu.memory_space<vmem>>, vector<1024x16xf32>
    tpu.vector_store %arg7[%swap3A_692, %swap3A_693], %select_n3A_691 {strides = array<i32>} : memref<1024x16xf32, #tpu.memory_space<vmem>>, vector<1024x16xf32>,
    %broadcast_in_dim3A_695 = vector.shape_cast %gt3A_658 : vector<1024x1xi1> to vector<1024x1xi1>
    %broadcast_in_dim3A_696 = vector.broadcast %broadcast_in_dim3A_695 : vector<1024x1xi1> to vector<1024x16xi1>
    %select_n3A_697 = arith.select %broadcast_in_dim3A_696, %select_n3A_688, %get3A_656 : vector<1024x16xi1>, vector<1024x16xi32>
    %swap3A_698 = arith.constant 0 : index
    %swap3A_699 = arith.constant 0 : index
    %swap3A_700 = vector.load %arg8[%swap3A_698, %swap3A_699] : memref<1024x16xi32, #tpu.memory_space<vmem>>, vector<1024x16xi32>
    tpu.vector_store %arg8[%swap3A_698, %swap3A_699], %select_n3A_697 {strides = array<i32>} : memref<1024x16xi32, #tpu.memory_space<vmem>>, vector<1024x16xi32>,
    %eq3A_701 = arith.constant 24 : i32
    %eq3A_702 = arith.cmpi eq, %arg1, %eq3A_701 : i32
    %convert_element_type3A_703 = arith.extui %eq3A_702 : i1 to i32
    %cond3A_704 = arith.constant 0 : i32
    %cond3A_705 = arith.cmpi ne, %convert_element_type3A_703, %cond3A_704 : i32
    scf.if %cond3A_705 {
      %get3A_706 = arith.constant 0 : index
      %get3A_707 = arith.constant 0 : index
      %get3A_708 = vector.load %arg7[%get3A_706, %get3A_707] : memref<1024x16xf32, #tpu.memory_space<vmem>>, vector<1024x16xf32>
      %reshape3A = vector.shape_cast %get3A_708 : vector<1024x16xf32> to vector<1x1024x16xf32>
      %swap3A_709 = arith.constant 0 : index
      %swap3A_710 = arith.constant 0 : index
      %swap3A_711 = arith.constant 0 : index
      %swap3A_712 = vector.load %arg4[%swap3A_709, %swap3A_710, %swap3A_711] : memref<1x1024x16xf32, #tpu.memory_space<vmem>>, vector<1x1024x16xf32>
      tpu.vector_store %arg4[%swap3A_709, %swap3A_710, %swap3A_711], %reshape3A {strides = array<i32>} : memref<1x1024x16xf32, #tpu.memory_space<vmem>>, vector<1x1024x16xf32>,
      %get3A_713 = arith.constant 0 : index
      %get3A_714 = arith.constant 0 : index
      %get3A_715 = vector.load %arg8[%get3A_713, %get3A_714] : memref<1024x16xi32, #tpu.memory_space<vmem>>, vector<1024x16xi32>
      %reshape3A_716 = vector.shape_cast %get3A_715 : vector<1024x16xi32> to vector<1x1024x16xi32>
      %swap3A_717 = arith.constant 0 : index
      %swap3A_718 = arith.constant 0 : index
      %swap3A_719 = arith.constant 0 : index
      %swap3A_720 = vector.load %arg5[%swap3A_717, %swap3A_718, %swap3A_719] : memref<1x1024x16xi32, #tpu.memory_space<vmem>>, vector<1x1024x16xi32>
      tpu.vector_store %arg5[%swap3A_717, %swap3A_718, %swap3A_719], %reshape3A_716 {strides = array<i32>} : memref<1x1024x16xi32, #tpu.memory_space<vmem>>, vector<1x1024x16xi32>,
    } else {
    }
    return
  }
  func.func @transform_0(%arg0: i32, %arg1: i32) -> (i32, i32) {
    %c0_i32 = arith.constant 0 : i32
    %c0_i32_0 = arith.constant 0 : i32
    %c0_i32_1 = arith.constant 0 : i32
    return %c0_i32, %c0_i32_0 : i32, i32
  }
  func.func @transform_1(%arg0: i32, %arg1: i32) -> (i32, i32) {
    %mul3A = arith.constant 25 : i32
    %mul3A_0 = arith.muli %arg0, %mul3A : i32
    %add3A = arith.addi %mul3A_0, %arg1 : i32
    %c0_i32 = arith.constant 0 : i32
    %c0_i32_1 = arith.constant 0 : i32
    return %add3A, %c0_i32 : i32, i32
  }
  func.func @transform_2(%arg0: i32, %arg1: i32) -> (i32, i32, i32) {
    %c0_i32 = arith.constant 0 : i32
    %c0_i32_0 = arith.constant 0 : i32
    %c0_i32_1 = arith.constant 0 : i32
    return %arg0, %c0_i32, %c0_i32_0 : i32, i32, i32
  }
  func.func @transform_3(%arg0: i32, %arg1: i32) -> (i32, i32, i32) {
    %c0_i32 = arith.constant 0 : i32
    %c0_i32_0 = arith.constant 0 : i32
    %c0_i32_1 = arith.constant 0 : i32
    return %arg0, %c0_i32, %c0_i32_0 : i32, i32, i32
  }
}

module attributes {stable_mosaic.version = 14 : i64} {
  func.func @_merge_body(%arg0: memref<2x1024x16xf32, #tpu.memory_space<vmem>>, %arg1: memref<2x1024x16xi32, #tpu.memory_space<vmem>>, %arg2: memref<1024x128xi32, #tpu.memory_space<vmem>>) attributes {dimension_semantics = [], scalar_prefetch = 0 : i64, scratch_operands = 0 : i64, tpu.core_type = #tpu.core_type<tc>} {
    %get3A = arith.constant 0 : index
    %get3A_0 = arith.constant 0 : index
    %get3A_1 = arith.constant 0 : index
    %get3A_2 = vector.load %arg0[%get3A, %get3A_0, %get3A_1] : memref<2x1024x16xf32, #tpu.memory_space<vmem>>, vector<1x1024x16xf32>
    %get3A_3 = vector.shape_cast %get3A_2 : vector<1x1024x16xf32> to vector<1024x16xf32>
    %get3A_4 = arith.constant 1 : index
    %get3A_5 = arith.constant 0 : index
    %get3A_6 = arith.constant 0 : index
    %get3A_7 = vector.load %arg0[%get3A_4, %get3A_5, %get3A_6] : memref<2x1024x16xf32, #tpu.memory_space<vmem>>, vector<1x1024x16xf32>
    %get3A_8 = vector.shape_cast %get3A_7 : vector<1x1024x16xf32> to vector<1024x16xf32>
    %concatenate3A = tpu.concatenate %get3A_3, %get3A_8 in 1 : vector<1024x16xf32>, vector<1024x16xf32> -> vector<1024x32xf32>
    %get3A_9 = arith.constant 0 : index
    %get3A_10 = arith.constant 0 : index
    %get3A_11 = arith.constant 0 : index
    %get3A_12 = vector.load %arg1[%get3A_9, %get3A_10, %get3A_11] : memref<2x1024x16xi32, #tpu.memory_space<vmem>>, vector<1x1024x16xi32>
    %get3A_13 = vector.shape_cast %get3A_12 : vector<1x1024x16xi32> to vector<1024x16xi32>
    %get3A_14 = arith.constant 1 : index
    %get3A_15 = arith.constant 0 : index
    %get3A_16 = arith.constant 0 : index
    %get3A_17 = vector.load %arg1[%get3A_14, %get3A_15, %get3A_16] : memref<2x1024x16xi32, #tpu.memory_space<vmem>>, vector<1x1024x16xi32>
    %get3A_18 = vector.shape_cast %get3A_17 : vector<1x1024x16xi32> to vector<1024x16xi32>
    %concatenate3A_19 = tpu.concatenate %get3A_13, %get3A_18 in 1 : vector<1024x16xi32>, vector<1024x16xi32> -> vector<1024x32xi32>
    %iota3A = tpu.iota {dimensions = array<i32: 1>} : vector<1024x32xi32>
    %reduce_max3A = arith.constant dense<0xFF800000> : vector<1024xf32>
    %reduce_max3A_20 = vector.multi_reduction <maximumf>, %concatenate3A, %reduce_max3A [1] : vector<1024x32xf32> to vector<1024xf32>
    %broadcast_in_dim3A = vector.shape_cast %reduce_max3A_20 : vector<1024xf32> to vector<1024x1xf32>
    %eq3A = vector.broadcast %broadcast_in_dim3A : vector<1024x1xf32> to vector<1024x32xf32>
    %eq3A_21 = arith.cmpf oeq, %concatenate3A, %eq3A : vector<1024x32xf32>
    %jit3A = arith.constant 32 : i32
    %broadcast_in_dim3A_22 = vector.broadcast %jit3A : i32 to vector<1024x32xi32>
    %select_n3A = arith.select %eq3A_21, %iota3A, %broadcast_in_dim3A_22 : vector<1024x32xi1>, vector<1024x32xi32>
    %reduce_min3A = arith.constant dense<2147483647> : vector<1024xi32>
    %reduce_min3A_23 = vector.multi_reduction <minsi>, %select_n3A, %reduce_min3A [1] : vector<1024x32xi32> to vector<1024xi32>
    %broadcast_in_dim3A_24 = vector.shape_cast %reduce_min3A_23 : vector<1024xi32> to vector<1024x1xi32>
    %eq3A_25 = vector.broadcast %broadcast_in_dim3A_24 : vector<1024x1xi32> to vector<1024x32xi32>
    %eq3A_26 = arith.cmpi eq, %iota3A, %eq3A_25 : vector<1024x32xi32>
    %jit3A_27 = arith.constant 0 : i32
    %broadcast_in_dim3A_28 = vector.broadcast %jit3A_27 : i32 to vector<1024x32xi32>
    %select_n3A_29 = arith.select %eq3A_26, %concatenate3A_19, %broadcast_in_dim3A_28 : vector<1024x32xi1>, vector<1024x32xi32>
    %reduce_sum3A = arith.constant dense<0> : vector<1024xi32>
    %reduce_sum3A_30 = vector.multi_reduction <add>, %select_n3A_29, %reduce_sum3A [1] : vector<1024x32xi32> to vector<1024xi32>
    %broadcast_in_dim3A_31 = vector.shape_cast %reduce_sum3A_30 : vector<1024xi32> to vector<1024x1xi32>
    %jit3A_32 = arith.constant -3.40282347E+38 : f32
    %broadcast_in_dim3A_33 = vector.broadcast %jit3A_32 : f32 to vector<1024x32xf32>
    %select_n3A_34 = arith.select %eq3A_26, %broadcast_in_dim3A_33, %concatenate3A : vector<1024x32xi1>, vector<1024x32xf32>
    %reduce_max3A_35 = arith.constant dense<0xFF800000> : vector<1024xf32>
    %reduce_max3A_36 = vector.multi_reduction <maximumf>, %select_n3A_34, %reduce_max3A_35 [1] : vector<1024x32xf32> to vector<1024xf32>
    %broadcast_in_dim3A_37 = vector.shape_cast %reduce_max3A_36 : vector<1024xf32> to vector<1024x1xf32>
    %eq3A_38 = vector.broadcast %broadcast_in_dim3A_37 : vector<1024x1xf32> to vector<1024x32xf32>
    %eq3A_39 = arith.cmpf oeq, %select_n3A_34, %eq3A_38 : vector<1024x32xf32>
    %jit3A_40 = arith.constant 32 : i32
    %broadcast_in_dim3A_41 = vector.broadcast %jit3A_40 : i32 to vector<1024x32xi32>
    %select_n3A_42 = arith.select %eq3A_39, %iota3A, %broadcast_in_dim3A_41 : vector<1024x32xi1>, vector<1024x32xi32>
    %reduce_min3A_43 = arith.constant dense<2147483647> : vector<1024xi32>
    %reduce_min3A_44 = vector.multi_reduction <minsi>, %select_n3A_42, %reduce_min3A_43 [1] : vector<1024x32xi32> to vector<1024xi32>
    %broadcast_in_dim3A_45 = vector.shape_cast %reduce_min3A_44 : vector<1024xi32> to vector<1024x1xi32>
    %eq3A_46 = vector.broadcast %broadcast_in_dim3A_45 : vector<1024x1xi32> to vector<1024x32xi32>
    %eq3A_47 = arith.cmpi eq, %iota3A, %eq3A_46 : vector<1024x32xi32>
    %jit3A_48 = arith.constant 0 : i32
    %broadcast_in_dim3A_49 = vector.broadcast %jit3A_48 : i32 to vector<1024x32xi32>
    %select_n3A_50 = arith.select %eq3A_47, %concatenate3A_19, %broadcast_in_dim3A_49 : vector<1024x32xi1>, vector<1024x32xi32>
    %reduce_sum3A_51 = arith.constant dense<0> : vector<1024xi32>
    %reduce_sum3A_52 = vector.multi_reduction <add>, %select_n3A_50, %reduce_sum3A_51 [1] : vector<1024x32xi32> to vector<1024xi32>
    %broadcast_in_dim3A_53 = vector.shape_cast %reduce_sum3A_52 : vector<1024xi32> to vector<1024x1xi32>
    %jit3A_54 = arith.constant -3.40282347E+38 : f32
    %broadcast_in_dim3A_55 = vector.broadcast %jit3A_54 : f32 to vector<1024x32xf32>
    %select_n3A_56 = arith.select %eq3A_47, %broadcast_in_dim3A_55, %select_n3A_34 : vector<1024x32xi1>, vector<1024x32xf32>
    %reduce_max3A_57 = arith.constant dense<0xFF800000> : vector<1024xf32>
    %reduce_max3A_58 = vector.multi_reduction <maximumf>, %select_n3A_56, %reduce_max3A_57 [1] : vector<1024x32xf32> to vector<1024xf32>
    %broadcast_in_dim3A_59 = vector.shape_cast %reduce_max3A_58 : vector<1024xf32> to vector<1024x1xf32>
    %eq3A_60 = vector.broadcast %broadcast_in_dim3A_59 : vector<1024x1xf32> to vector<1024x32xf32>
    %eq3A_61 = arith.cmpf oeq, %select_n3A_56, %eq3A_60 : vector<1024x32xf32>
    %jit3A_62 = arith.constant 32 : i32
    %broadcast_in_dim3A_63 = vector.broadcast %jit3A_62 : i32 to vector<1024x32xi32>
    %select_n3A_64 = arith.select %eq3A_61, %iota3A, %broadcast_in_dim3A_63 : vector<1024x32xi1>, vector<1024x32xi32>
    %reduce_min3A_65 = arith.constant dense<2147483647> : vector<1024xi32>
    %reduce_min3A_66 = vector.multi_reduction <minsi>, %select_n3A_64, %reduce_min3A_65 [1] : vector<1024x32xi32> to vector<1024xi32>
    %broadcast_in_dim3A_67 = vector.shape_cast %reduce_min3A_66 : vector<1024xi32> to vector<1024x1xi32>
    %eq3A_68 = vector.broadcast %broadcast_in_dim3A_67 : vector<1024x1xi32> to vector<1024x32xi32>
    %eq3A_69 = arith.cmpi eq, %iota3A, %eq3A_68 : vector<1024x32xi32>
    %jit3A_70 = arith.constant 0 : i32
    %broadcast_in_dim3A_71 = vector.broadcast %jit3A_70 : i32 to vector<1024x32xi32>
    %select_n3A_72 = arith.select %eq3A_69, %concatenate3A_19, %broadcast_in_dim3A_71 : vector<1024x32xi1>, vector<1024x32xi32>
    %reduce_sum3A_73 = arith.constant dense<0> : vector<1024xi32>
    %reduce_sum3A_74 = vector.multi_reduction <add>, %select_n3A_72, %reduce_sum3A_73 [1] : vector<1024x32xi32> to vector<1024xi32>
    %broadcast_in_dim3A_75 = vector.shape_cast %reduce_sum3A_74 : vector<1024xi32> to vector<1024x1xi32>
    %jit3A_76 = arith.constant -3.40282347E+38 : f32
    %broadcast_in_dim3A_77 = vector.broadcast %jit3A_76 : f32 to vector<1024x32xf32>
    %select_n3A_78 = arith.select %eq3A_69, %broadcast_in_dim3A_77, %select_n3A_56 : vector<1024x32xi1>, vector<1024x32xf32>
    %reduce_max3A_79 = arith.constant dense<0xFF800000> : vector<1024xf32>
    %reduce_max3A_80 = vector.multi_reduction <maximumf>, %select_n3A_78, %reduce_max3A_79 [1] : vector<1024x32xf32> to vector<1024xf32>
    %broadcast_in_dim3A_81 = vector.shape_cast %reduce_max3A_80 : vector<1024xf32> to vector<1024x1xf32>
    %eq3A_82 = vector.broadcast %broadcast_in_dim3A_81 : vector<1024x1xf32> to vector<1024x32xf32>
    %eq3A_83 = arith.cmpf oeq, %select_n3A_78, %eq3A_82 : vector<1024x32xf32>
    %jit3A_84 = arith.constant 32 : i32
    %broadcast_in_dim3A_85 = vector.broadcast %jit3A_84 : i32 to vector<1024x32xi32>
    %select_n3A_86 = arith.select %eq3A_83, %iota3A, %broadcast_in_dim3A_85 : vector<1024x32xi1>, vector<1024x32xi32>
    %reduce_min3A_87 = arith.constant dense<2147483647> : vector<1024xi32>
    %reduce_min3A_88 = vector.multi_reduction <minsi>, %select_n3A_86, %reduce_min3A_87 [1] : vector<1024x32xi32> to vector<1024xi32>
    %broadcast_in_dim3A_89 = vector.shape_cast %reduce_min3A_88 : vector<1024xi32> to vector<1024x1xi32>
    %eq3A_90 = vector.broadcast %broadcast_in_dim3A_89 : vector<1024x1xi32> to vector<1024x32xi32>
    %eq3A_91 = arith.cmpi eq, %iota3A, %eq3A_90 : vector<1024x32xi32>
    %jit3A_92 = arith.constant 0 : i32
    %broadcast_in_dim3A_93 = vector.broadcast %jit3A_92 : i32 to vector<1024x32xi32>
    %select_n3A_94 = arith.select %eq3A_91, %concatenate3A_19, %broadcast_in_dim3A_93 : vector<1024x32xi1>, vector<1024x32xi32>
    %reduce_sum3A_95 = arith.constant dense<0> : vector<1024xi32>
    %reduce_sum3A_96 = vector.multi_reduction <add>, %select_n3A_94, %reduce_sum3A_95 [1] : vector<1024x32xi32> to vector<1024xi32>
    %broadcast_in_dim3A_97 = vector.shape_cast %reduce_sum3A_96 : vector<1024xi32> to vector<1024x1xi32>
    %jit3A_98 = arith.constant -3.40282347E+38 : f32
    %broadcast_in_dim3A_99 = vector.broadcast %jit3A_98 : f32 to vector<1024x32xf32>
    %select_n3A_100 = arith.select %eq3A_91, %broadcast_in_dim3A_99, %select_n3A_78 : vector<1024x32xi1>, vector<1024x32xf32>
    %reduce_max3A_101 = arith.constant dense<0xFF800000> : vector<1024xf32>
    %reduce_max3A_102 = vector.multi_reduction <maximumf>, %select_n3A_100, %reduce_max3A_101 [1] : vector<1024x32xf32> to vector<1024xf32>
    %broadcast_in_dim3A_103 = vector.shape_cast %reduce_max3A_102 : vector<1024xf32> to vector<1024x1xf32>
    %eq3A_104 = vector.broadcast %broadcast_in_dim3A_103 : vector<1024x1xf32> to vector<1024x32xf32>
    %eq3A_105 = arith.cmpf oeq, %select_n3A_100, %eq3A_104 : vector<1024x32xf32>
    %jit3A_106 = arith.constant 32 : i32
    %broadcast_in_dim3A_107 = vector.broadcast %jit3A_106 : i32 to vector<1024x32xi32>
    %select_n3A_108 = arith.select %eq3A_105, %iota3A, %broadcast_in_dim3A_107 : vector<1024x32xi1>, vector<1024x32xi32>
    %reduce_min3A_109 = arith.constant dense<2147483647> : vector<1024xi32>
    %reduce_min3A_110 = vector.multi_reduction <minsi>, %select_n3A_108, %reduce_min3A_109 [1] : vector<1024x32xi32> to vector<1024xi32>
    %broadcast_in_dim3A_111 = vector.shape_cast %reduce_min3A_110 : vector<1024xi32> to vector<1024x1xi32>
    %eq3A_112 = vector.broadcast %broadcast_in_dim3A_111 : vector<1024x1xi32> to vector<1024x32xi32>
    %eq3A_113 = arith.cmpi eq, %iota3A, %eq3A_112 : vector<1024x32xi32>
    %jit3A_114 = arith.constant 0 : i32
    %broadcast_in_dim3A_115 = vector.broadcast %jit3A_114 : i32 to vector<1024x32xi32>
    %select_n3A_116 = arith.select %eq3A_113, %concatenate3A_19, %broadcast_in_dim3A_115 : vector<1024x32xi1>, vector<1024x32xi32>
    %reduce_sum3A_117 = arith.constant dense<0> : vector<1024xi32>
    %reduce_sum3A_118 = vector.multi_reduction <add>, %select_n3A_116, %reduce_sum3A_117 [1] : vector<1024x32xi32> to vector<1024xi32>
    %broadcast_in_dim3A_119 = vector.shape_cast %reduce_sum3A_118 : vector<1024xi32> to vector<1024x1xi32>
    %jit3A_120 = arith.constant -3.40282347E+38 : f32
    %broadcast_in_dim3A_121 = vector.broadcast %jit3A_120 : f32 to vector<1024x32xf32>
    %select_n3A_122 = arith.select %eq3A_113, %broadcast_in_dim3A_121, %select_n3A_100 : vector<1024x32xi1>, vector<1024x32xf32>
    %reduce_max3A_123 = arith.constant dense<0xFF800000> : vector<1024xf32>
    %reduce_max3A_124 = vector.multi_reduction <maximumf>, %select_n3A_122, %reduce_max3A_123 [1] : vector<1024x32xf32> to vector<1024xf32>
    %broadcast_in_dim3A_125 = vector.shape_cast %reduce_max3A_124 : vector<1024xf32> to vector<1024x1xf32>
    %eq3A_126 = vector.broadcast %broadcast_in_dim3A_125 : vector<1024x1xf32> to vector<1024x32xf32>
    %eq3A_127 = arith.cmpf oeq, %select_n3A_122, %eq3A_126 : vector<1024x32xf32>
    %jit3A_128 = arith.constant 32 : i32
    %broadcast_in_dim3A_129 = vector.broadcast %jit3A_128 : i32 to vector<1024x32xi32>
    %select_n3A_130 = arith.select %eq3A_127, %iota3A, %broadcast_in_dim3A_129 : vector<1024x32xi1>, vector<1024x32xi32>
    %reduce_min3A_131 = arith.constant dense<2147483647> : vector<1024xi32>
    %reduce_min3A_132 = vector.multi_reduction <minsi>, %select_n3A_130, %reduce_min3A_131 [1] : vector<1024x32xi32> to vector<1024xi32>
    %broadcast_in_dim3A_133 = vector.shape_cast %reduce_min3A_132 : vector<1024xi32> to vector<1024x1xi32>
    %eq3A_134 = vector.broadcast %broadcast_in_dim3A_133 : vector<1024x1xi32> to vector<1024x32xi32>
    %eq3A_135 = arith.cmpi eq, %iota3A, %eq3A_134 : vector<1024x32xi32>
    %jit3A_136 = arith.constant 0 : i32
    %broadcast_in_dim3A_137 = vector.broadcast %jit3A_136 : i32 to vector<1024x32xi32>
    %select_n3A_138 = arith.select %eq3A_135, %concatenate3A_19, %broadcast_in_dim3A_137 : vector<1024x32xi1>, vector<1024x32xi32>
    %reduce_sum3A_139 = arith.constant dense<0> : vector<1024xi32>
    %reduce_sum3A_140 = vector.multi_reduction <add>, %select_n3A_138, %reduce_sum3A_139 [1] : vector<1024x32xi32> to vector<1024xi32>
    %broadcast_in_dim3A_141 = vector.shape_cast %reduce_sum3A_140 : vector<1024xi32> to vector<1024x1xi32>
    %jit3A_142 = arith.constant -3.40282347E+38 : f32
    %broadcast_in_dim3A_143 = vector.broadcast %jit3A_142 : f32 to vector<1024x32xf32>
    %select_n3A_144 = arith.select %eq3A_135, %broadcast_in_dim3A_143, %select_n3A_122 : vector<1024x32xi1>, vector<1024x32xf32>
    %reduce_max3A_145 = arith.constant dense<0xFF800000> : vector<1024xf32>
    %reduce_max3A_146 = vector.multi_reduction <maximumf>, %select_n3A_144, %reduce_max3A_145 [1] : vector<1024x32xf32> to vector<1024xf32>
    %broadcast_in_dim3A_147 = vector.shape_cast %reduce_max3A_146 : vector<1024xf32> to vector<1024x1xf32>
    %eq3A_148 = vector.broadcast %broadcast_in_dim3A_147 : vector<1024x1xf32> to vector<1024x32xf32>
    %eq3A_149 = arith.cmpf oeq, %select_n3A_144, %eq3A_148 : vector<1024x32xf32>
    %jit3A_150 = arith.constant 32 : i32
    %broadcast_in_dim3A_151 = vector.broadcast %jit3A_150 : i32 to vector<1024x32xi32>
    %select_n3A_152 = arith.select %eq3A_149, %iota3A, %broadcast_in_dim3A_151 : vector<1024x32xi1>, vector<1024x32xi32>
    %reduce_min3A_153 = arith.constant dense<2147483647> : vector<1024xi32>
    %reduce_min3A_154 = vector.multi_reduction <minsi>, %select_n3A_152, %reduce_min3A_153 [1] : vector<1024x32xi32> to vector<1024xi32>
    %broadcast_in_dim3A_155 = vector.shape_cast %reduce_min3A_154 : vector<1024xi32> to vector<1024x1xi32>
    %eq3A_156 = vector.broadcast %broadcast_in_dim3A_155 : vector<1024x1xi32> to vector<1024x32xi32>
    %eq3A_157 = arith.cmpi eq, %iota3A, %eq3A_156 : vector<1024x32xi32>
    %jit3A_158 = arith.constant 0 : i32
    %broadcast_in_dim3A_159 = vector.broadcast %jit3A_158 : i32 to vector<1024x32xi32>
    %select_n3A_160 = arith.select %eq3A_157, %concatenate3A_19, %broadcast_in_dim3A_159 : vector<1024x32xi1>, vector<1024x32xi32>
    %reduce_sum3A_161 = arith.constant dense<0> : vector<1024xi32>
    %reduce_sum3A_162 = vector.multi_reduction <add>, %select_n3A_160, %reduce_sum3A_161 [1] : vector<1024x32xi32> to vector<1024xi32>
    %broadcast_in_dim3A_163 = vector.shape_cast %reduce_sum3A_162 : vector<1024xi32> to vector<1024x1xi32>
    %jit3A_164 = arith.constant -3.40282347E+38 : f32
    %broadcast_in_dim3A_165 = vector.broadcast %jit3A_164 : f32 to vector<1024x32xf32>
    %select_n3A_166 = arith.select %eq3A_157, %broadcast_in_dim3A_165, %select_n3A_144 : vector<1024x32xi1>, vector<1024x32xf32>
    %reduce_max3A_167 = arith.constant dense<0xFF800000> : vector<1024xf32>
    %reduce_max3A_168 = vector.multi_reduction <maximumf>, %select_n3A_166, %reduce_max3A_167 [1] : vector<1024x32xf32> to vector<1024xf32>
    %broadcast_in_dim3A_169 = vector.shape_cast %reduce_max3A_168 : vector<1024xf32> to vector<1024x1xf32>
    %eq3A_170 = vector.broadcast %broadcast_in_dim3A_169 : vector<1024x1xf32> to vector<1024x32xf32>
    %eq3A_171 = arith.cmpf oeq, %select_n3A_166, %eq3A_170 : vector<1024x32xf32>
    %jit3A_172 = arith.constant 32 : i32
    %broadcast_in_dim3A_173 = vector.broadcast %jit3A_172 : i32 to vector<1024x32xi32>
    %select_n3A_174 = arith.select %eq3A_171, %iota3A, %broadcast_in_dim3A_173 : vector<1024x32xi1>, vector<1024x32xi32>
    %reduce_min3A_175 = arith.constant dense<2147483647> : vector<1024xi32>
    %reduce_min3A_176 = vector.multi_reduction <minsi>, %select_n3A_174, %reduce_min3A_175 [1] : vector<1024x32xi32> to vector<1024xi32>
    %broadcast_in_dim3A_177 = vector.shape_cast %reduce_min3A_176 : vector<1024xi32> to vector<1024x1xi32>
    %eq3A_178 = vector.broadcast %broadcast_in_dim3A_177 : vector<1024x1xi32> to vector<1024x32xi32>
    %eq3A_179 = arith.cmpi eq, %iota3A, %eq3A_178 : vector<1024x32xi32>
    %jit3A_180 = arith.constant 0 : i32
    %broadcast_in_dim3A_181 = vector.broadcast %jit3A_180 : i32 to vector<1024x32xi32>
    %select_n3A_182 = arith.select %eq3A_179, %concatenate3A_19, %broadcast_in_dim3A_181 : vector<1024x32xi1>, vector<1024x32xi32>
    %reduce_sum3A_183 = arith.constant dense<0> : vector<1024xi32>
    %reduce_sum3A_184 = vector.multi_reduction <add>, %select_n3A_182, %reduce_sum3A_183 [1] : vector<1024x32xi32> to vector<1024xi32>
    %broadcast_in_dim3A_185 = vector.shape_cast %reduce_sum3A_184 : vector<1024xi32> to vector<1024x1xi32>
    %jit3A_186 = arith.constant -3.40282347E+38 : f32
    %broadcast_in_dim3A_187 = vector.broadcast %jit3A_186 : f32 to vector<1024x32xf32>
    %select_n3A_188 = arith.select %eq3A_179, %broadcast_in_dim3A_187, %select_n3A_166 : vector<1024x32xi1>, vector<1024x32xf32>
    %reduce_max3A_189 = arith.constant dense<0xFF800000> : vector<1024xf32>
    %reduce_max3A_190 = vector.multi_reduction <maximumf>, %select_n3A_188, %reduce_max3A_189 [1] : vector<1024x32xf32> to vector<1024xf32>
    %broadcast_in_dim3A_191 = vector.shape_cast %reduce_max3A_190 : vector<1024xf32> to vector<1024x1xf32>
    %eq3A_192 = vector.broadcast %broadcast_in_dim3A_191 : vector<1024x1xf32> to vector<1024x32xf32>
    %eq3A_193 = arith.cmpf oeq, %select_n3A_188, %eq3A_192 : vector<1024x32xf32>
    %jit3A_194 = arith.constant 32 : i32
    %broadcast_in_dim3A_195 = vector.broadcast %jit3A_194 : i32 to vector<1024x32xi32>
    %select_n3A_196 = arith.select %eq3A_193, %iota3A, %broadcast_in_dim3A_195 : vector<1024x32xi1>, vector<1024x32xi32>
    %reduce_min3A_197 = arith.constant dense<2147483647> : vector<1024xi32>
    %reduce_min3A_198 = vector.multi_reduction <minsi>, %select_n3A_196, %reduce_min3A_197 [1] : vector<1024x32xi32> to vector<1024xi32>
    %broadcast_in_dim3A_199 = vector.shape_cast %reduce_min3A_198 : vector<1024xi32> to vector<1024x1xi32>
    %eq3A_200 = vector.broadcast %broadcast_in_dim3A_199 : vector<1024x1xi32> to vector<1024x32xi32>
    %eq3A_201 = arith.cmpi eq, %iota3A, %eq3A_200 : vector<1024x32xi32>
    %jit3A_202 = arith.constant 0 : i32
    %broadcast_in_dim3A_203 = vector.broadcast %jit3A_202 : i32 to vector<1024x32xi32>
    %select_n3A_204 = arith.select %eq3A_201, %concatenate3A_19, %broadcast_in_dim3A_203 : vector<1024x32xi1>, vector<1024x32xi32>
    %reduce_sum3A_205 = arith.constant dense<0> : vector<1024xi32>
    %reduce_sum3A_206 = vector.multi_reduction <add>, %select_n3A_204, %reduce_sum3A_205 [1] : vector<1024x32xi32> to vector<1024xi32>
    %broadcast_in_dim3A_207 = vector.shape_cast %reduce_sum3A_206 : vector<1024xi32> to vector<1024x1xi32>
    %jit3A_208 = arith.constant -3.40282347E+38 : f32
    %broadcast_in_dim3A_209 = vector.broadcast %jit3A_208 : f32 to vector<1024x32xf32>
    %select_n3A_210 = arith.select %eq3A_201, %broadcast_in_dim3A_209, %select_n3A_188 : vector<1024x32xi1>, vector<1024x32xf32>
    %reduce_max3A_211 = arith.constant dense<0xFF800000> : vector<1024xf32>
    %reduce_max3A_212 = vector.multi_reduction <maximumf>, %select_n3A_210, %reduce_max3A_211 [1] : vector<1024x32xf32> to vector<1024xf32>
    %broadcast_in_dim3A_213 = vector.shape_cast %reduce_max3A_212 : vector<1024xf32> to vector<1024x1xf32>
    %eq3A_214 = vector.broadcast %broadcast_in_dim3A_213 : vector<1024x1xf32> to vector<1024x32xf32>
    %eq3A_215 = arith.cmpf oeq, %select_n3A_210, %eq3A_214 : vector<1024x32xf32>
    %jit3A_216 = arith.constant 32 : i32
    %broadcast_in_dim3A_217 = vector.broadcast %jit3A_216 : i32 to vector<1024x32xi32>
    %select_n3A_218 = arith.select %eq3A_215, %iota3A, %broadcast_in_dim3A_217 : vector<1024x32xi1>, vector<1024x32xi32>
    %reduce_min3A_219 = arith.constant dense<2147483647> : vector<1024xi32>
    %reduce_min3A_220 = vector.multi_reduction <minsi>, %select_n3A_218, %reduce_min3A_219 [1] : vector<1024x32xi32> to vector<1024xi32>
    %broadcast_in_dim3A_221 = vector.shape_cast %reduce_min3A_220 : vector<1024xi32> to vector<1024x1xi32>
    %eq3A_222 = vector.broadcast %broadcast_in_dim3A_221 : vector<1024x1xi32> to vector<1024x32xi32>
    %eq3A_223 = arith.cmpi eq, %iota3A, %eq3A_222 : vector<1024x32xi32>
    %jit3A_224 = arith.constant 0 : i32
    %broadcast_in_dim3A_225 = vector.broadcast %jit3A_224 : i32 to vector<1024x32xi32>
    %select_n3A_226 = arith.select %eq3A_223, %concatenate3A_19, %broadcast_in_dim3A_225 : vector<1024x32xi1>, vector<1024x32xi32>
    %reduce_sum3A_227 = arith.constant dense<0> : vector<1024xi32>
    %reduce_sum3A_228 = vector.multi_reduction <add>, %select_n3A_226, %reduce_sum3A_227 [1] : vector<1024x32xi32> to vector<1024xi32>
    %broadcast_in_dim3A_229 = vector.shape_cast %reduce_sum3A_228 : vector<1024xi32> to vector<1024x1xi32>
    %broadcast_in_dim3A_230 = arith.constant 0 : i32
    %broadcast_in_dim3A_231 = vector.broadcast %broadcast_in_dim3A_230 : i32 to vector<1024x118xi32>
    %concatenate3A_232 = tpu.concatenate %broadcast_in_dim3A_31, %broadcast_in_dim3A_53, %broadcast_in_dim3A_75, %broadcast_in_dim3A_97, %broadcast_in_dim3A_119, %broadcast_in_dim3A_141, %broadcast_in_dim3A_163, %broadcast_in_dim3A_185, %broadcast_in_dim3A_207, %broadcast_in_dim3A_229, %broadcast_in_dim3A_231 in 1 : vector<1024x1xi32>, vector<1024x1xi32>, vector<1024x1xi32>, vector<1024x1xi32>, vector<1024x1xi32>, vector<1024x1xi32>, vector<1024x1xi32>, vector<1024x1xi32>, vector<1024x1xi32>, vector<1024x1xi32>, vector<1024x118xi32> -> vector<1024x128xi32>
    %swap3A = arith.constant 0 : index
    %swap3A_233 = arith.constant 0 : index
    %swap3A_234 = vector.load %arg2[%swap3A, %swap3A_233] : memref<1024x128xi32, #tpu.memory_space<vmem>>, vector<1024x128xi32>
    tpu.vector_store %arg2[%swap3A, %swap3A_233], %concatenate3A_232 {strides = array<i32>} : memref<1024x128xi32, #tpu.memory_space<vmem>>, vector<1024x128xi32>,
    return
  }
}

module attributes {stable_mosaic.version = 14 : i64} {
  func.func @_positions_body(%arg0: memref<784x128xf32, #tpu.memory_space<vmem>>, %arg1: memref<784x128xf32, #tpu.memory_space<vmem>>, %arg2: memref<784x128xi32, #tpu.memory_space<vmem>>, %arg3: memref<784x128xi32, #tpu.memory_space<vmem>>, %arg4: memref<784x128xi32, #tpu.memory_space<vmem>>) attributes {dimension_semantics = [], scalar_prefetch = 0 : i64, scratch_operands = 0 : i64, tpu.core_type = #tpu.core_type<tc>} {
    %get3A = arith.constant 0 : index
    %get3A_0 = arith.constant 0 : index
    %get3A_1 = vector.load %arg1[%get3A, %get3A_0] : memref<784x128xf32, #tpu.memory_space<vmem>>, vector<784x128xf32>
    %get3A_2 = arith.constant 0 : index
    %get3A_3 = arith.constant 0 : index
    %get3A_4 = vector.load %arg0[%get3A_2, %get3A_3] : memref<784x128xf32, #tpu.memory_space<vmem>>, vector<784x128xf32>
    %sub3A = arith.constant 1.000000e+00 : f32
    %sub3A_5 = vector.broadcast %sub3A : f32 to vector<784x128xf32>
    %sub3A_6 = arith.subf %sub3A_5, %get3A_1 : vector<784x128xf32>
    %mul3A = arith.mulf %get3A_4, %sub3A_6 : vector<784x128xf32>
    %iota3A = tpu.iota {dimensions = array<i32: 0>} : vector<128x128xi32>
    %iota3A_7 = tpu.iota {dimensions = array<i32: 1>} : vector<128x128xi32>
    %lt3A = arith.cmpi slt, %iota3A, %iota3A_7 : vector<128x128xi32>
    %convert_element_type3A = arith.extui %lt3A : vector<128x128xi1> to vector<128x128xi32>
    %convert_element_type3A_8 = arith.sitofp %convert_element_type3A : vector<128x128xi32> to vector<128x128xf32>
    %iota3A_9 = tpu.iota {dimensions = array<i32: 0>} : vector<784x784xi32>
    %iota3A_10 = tpu.iota {dimensions = array<i32: 1>} : vector<784x784xi32>
    %lt3A_11 = arith.cmpi slt, %iota3A_10, %iota3A_9 : vector<784x784xi32>
    %convert_element_type3A_12 = arith.extui %lt3A_11 : vector<784x784xi1> to vector<784x784xi32>
    %convert_element_type3A_13 = arith.sitofp %convert_element_type3A_12 : vector<784x784xi32> to vector<784x784xf32>
    %dot_general3A = arith.constant dense<0.000000e+00> : vector<784x128xf32>
    %dot_general3A_14 = tpu.matmul %get3A_1, %convert_element_type3A_8, %dot_general3A {dimension_numbers = #tpu.dot_dimension_numbers<[1], [0], [0], [1], [0, 0, 1, 1], [], []>, transpose_lhs_hint = false} : vector<784x128xf32>, vector<128x128xf32>, vector<784x128xf32> -> vector<784x128xf32>
    %reduce_sum3A = arith.constant dense<0.000000e+00> : vector<784xf32>
    %reduce_sum3A_15 = vector.multi_reduction <add>, %get3A_1, %reduce_sum3A [1] : vector<784x128xf32> to vector<784xf32>
    %broadcast_in_dim3A = vector.shape_cast %reduce_sum3A_15 : vector<784xf32> to vector<784x1xf32>
    %dot_general3A_16 = arith.constant dense<0.000000e+00> : vector<784x1xf32>
    %dot_general3A_17 = tpu.matmul %convert_element_type3A_13, %broadcast_in_dim3A, %dot_general3A_16 {dimension_numbers = #tpu.dot_dimension_numbers<[1], [0], [0], [1], [0, 0, 1, 1], [], []>, transpose_lhs_hint = false} : vector<784x784xf32>, vector<784x1xf32>, vector<784x1xf32> -> vector<784x1xf32>
    %add3A = vector.broadcast %dot_general3A_17 : vector<784x1xf32> to vector<784x128xf32>
    %add3A_18 = arith.addf %dot_general3A_14, %add3A : vector<784x128xf32>
    %dot_general3A_19 = arith.constant dense<0.000000e+00> : vector<784x128xf32>
    %dot_general3A_20 = tpu.matmul %mul3A, %convert_element_type3A_8, %dot_general3A_19 {dimension_numbers = #tpu.dot_dimension_numbers<[1], [0], [0], [1], [0, 0, 1, 1], [], []>, transpose_lhs_hint = false} : vector<784x128xf32>, vector<128x128xf32>, vector<784x128xf32> -> vector<784x128xf32>
    %reduce_sum3A_21 = arith.constant dense<0.000000e+00> : vector<784xf32>
    %reduce_sum3A_22 = vector.multi_reduction <add>, %mul3A, %reduce_sum3A_21 [1] : vector<784x128xf32> to vector<784xf32>
    %broadcast_in_dim3A_23 = vector.shape_cast %reduce_sum3A_22 : vector<784xf32> to vector<784x1xf32>
    %dot_general3A_24 = arith.constant dense<0.000000e+00> : vector<784x1xf32>
    %dot_general3A_25 = tpu.matmul %convert_element_type3A_13, %broadcast_in_dim3A_23, %dot_general3A_24 {dimension_numbers = #tpu.dot_dimension_numbers<[1], [0], [0], [1], [0, 0, 1, 1], [], []>, transpose_lhs_hint = false} : vector<784x784xf32>, vector<784x1xf32>, vector<784x1xf32> -> vector<784x1xf32>
    %add3A_26 = vector.broadcast %dot_general3A_25 : vector<784x1xf32> to vector<784x128xf32>
    %add3A_27 = arith.addf %dot_general3A_20, %add3A_26 : vector<784x128xf32>
    %reduce_sum3A_28 = vector.shape_cast %get3A_1 : vector<784x128xf32> to vector<1x784x128xf32>
    %reduce_sum3A_29 = arith.constant dense<0.000000e+00> : vector<1xf32>
    %reduce_sum3A_30 = vector.multi_reduction <add>, %reduce_sum3A_28, %reduce_sum3A_29 [1, 2] : vector<1x784x128xf32> to vector<1xf32>
    %reduce_sum3A_31 = vector.shape_cast %reduce_sum3A_30 : vector<1xf32> to vector<1x1x1xf32>
    %reduce_sum3A_32 = vector.extract %reduce_sum3A_31[0, 0, 0] : f32 from vector<1x1x1xf32>
    %reduce_sum3A_33 = vector.shape_cast %mul3A : vector<784x128xf32> to vector<1x784x128xf32>
    %reduce_sum3A_34 = arith.constant dense<0.000000e+00> : vector<1xf32>
    %reduce_sum3A_35 = vector.multi_reduction <add>, %reduce_sum3A_33, %reduce_sum3A_34 [1, 2] : vector<1x784x128xf32> to vector<1xf32>
    %reduce_sum3A_36 = vector.shape_cast %reduce_sum3A_35 : vector<1xf32> to vector<1x1x1xf32>
    %reduce_sum3A_37 = vector.extract %reduce_sum3A_36[0, 0, 0] : f32 from vector<1x1x1xf32>
    %iota3A_38 = tpu.iota {dimensions = array<i32: 0>} : vector<784x128xi32>
    %mul3A_39 = arith.constant 128 : i32
    %mul3A_40 = vector.broadcast %mul3A_39 : i32 to vector<784x128xi32>
    %mul3A_41 = arith.muli %iota3A_38, %mul3A_40 : vector<784x128xi32>
    %iota3A_42 = tpu.iota {dimensions = array<i32: 1>} : vector<784x128xi32>
    %add3A_43 = arith.addi %mul3A_41, %iota3A_42 : vector<784x128xi32>
    %convert_element_type3A_44 = arith.sitofp %add3A_43 : vector<784x128xi32> to vector<784x128xf32>
    %gt3A = arith.constant 5.000000e-01 : f32
    %gt3A_45 = vector.broadcast %gt3A : f32 to vector<784x128xf32>
    %gt3A_46 = arith.cmpf ogt, %get3A_1, %gt3A_45 : vector<784x128xf32>
    %gt3A_47 = arith.constant 5.000000e-01 : f32
    %gt3A_48 = vector.broadcast %gt3A_47 : f32 to vector<784x128xf32>
    %gt3A_49 = arith.cmpf ogt, %mul3A, %gt3A_48 : vector<784x128xf32>
    %add3A_50 = vector.broadcast %reduce_sum3A_32 : f32 to vector<784x128xf32>
    %add3A_51 = arith.addf %add3A_50, %add3A_27 : vector<784x128xf32>
    %add3A_52 = arith.addf %reduce_sum3A_32, %reduce_sum3A_37 : f32
    %sub3A_53 = arith.subf %convert_element_type3A_44, %add3A_18 : vector<784x128xf32>
    %sub3A_54 = arith.subf %sub3A_53, %add3A_27 : vector<784x128xf32>
    %add3A_55 = vector.broadcast %add3A_52 : f32 to vector<784x128xf32>
    %add3A_56 = arith.addf %add3A_55, %sub3A_54 : vector<784x128xf32>
    %select_n3A = arith.select %gt3A_49, %add3A_51, %add3A_56 : vector<784x128xi1>, vector<784x128xf32>
    %select_n3A_57 = arith.select %gt3A_46, %add3A_18, %select_n3A : vector<784x128xi1>, vector<784x128xf32>
    %lt3A_58 = arith.constant 1.000000e+05 : f32
    %lt3A_59 = vector.broadcast %lt3A_58 : f32 to vector<784x128xf32>
    %lt3A_60 = arith.cmpf olt, %convert_element_type3A_44, %lt3A_59 : vector<784x128xf32>
    %lt3A_61 = arith.constant 8.192000e+03 : f32
    %lt3A_62 = vector.broadcast %lt3A_61 : f32 to vector<784x128xf32>
    %lt3A_63 = arith.cmpf olt, %select_n3A_57, %lt3A_62 : vector<784x128xf32>
    %and3A = arith.andi %lt3A_60, %lt3A_63 : vector<784x128xi1>
    %convert_element_type3A_64 = arith.fptosi %select_n3A_57 : vector<784x128xf32> to vector<784x128xi32>
    %swap3A = arith.constant 0 : index
    %swap3A_65 = arith.constant 0 : index
    %swap3A_66 = vector.load %arg2[%swap3A, %swap3A_65] : memref<784x128xi32, #tpu.memory_space<vmem>>, vector<784x128xi32>
    tpu.vector_store %arg2[%swap3A, %swap3A_65], %convert_element_type3A_64 {strides = array<i32>} : memref<784x128xi32, #tpu.memory_space<vmem>>, vector<784x128xi32>,
    %convert_element_type3A_67 = arith.extui %and3A : vector<784x128xi1> to vector<784x128xi32>
    %swap3A_68 = arith.constant 0 : index
    %swap3A_69 = arith.constant 0 : index
    %swap3A_70 = vector.load %arg3[%swap3A_68, %swap3A_69] : memref<784x128xi32, #tpu.memory_space<vmem>>, vector<784x128xi32>
    tpu.vector_store %arg3[%swap3A_68, %swap3A_69], %convert_element_type3A_67 {strides = array<i32>} : memref<784x128xi32, #tpu.memory_space<vmem>>, vector<784x128xi32>,
    %convert_element_type3A_71 = arith.fptosi %add3A_18 : vector<784x128xf32> to vector<784x128xi32>
    %swap3A_72 = arith.constant 0 : index
    %swap3A_73 = arith.constant 0 : index
    %swap3A_74 = vector.load %arg4[%swap3A_72, %swap3A_73] : memref<784x128xi32, #tpu.memory_space<vmem>>, vector<784x128xi32>
    tpu.vector_store %arg4[%swap3A_72, %swap3A_73], %convert_element_type3A_71 {strides = array<i32>} : memref<784x128xi32, #tpu.memory_space<vmem>>, vector<784x128xi32>,
    return
  }
}

module attributes {stable_mosaic.version = 14 : i64} {
  func.func @_selmerge_body(%arg0: memref<32x65x128xi32, #tpu.memory_space<vmem>>, %arg1: memref<64x128xi32, #tpu.memory_space<vmem>>) attributes {dimension_semantics = [], scalar_prefetch = 0 : i64, scratch_operands = 0 : i64, tpu.core_type = #tpu.core_type<tc>} {
    %get3A = arith.constant 0 : index
    %get3A_0 = arith.constant 0 : index
    %get3A_1 = arith.constant 0 : index
    %get3A_2 = vector.load %arg0[%get3A, %get3A_0, %get3A_1] : memref<32x65x128xi32, #tpu.memory_space<vmem>>, vector<32x65x128xi32>
    %slice3A = vector.extract_strided_slice %get3A_2 {offsets = [0, 0, 0], sizes = [32, 64, 128], strides = [1, 1, 1]} : vector<32x65x128xi32> to vector<32x64x128xi32>
    %reduce_sum3A = arith.constant dense<0> : vector<64x128xi32>
    %reduce_sum3A_3 = vector.multi_reduction <add>, %slice3A, %reduce_sum3A [0] : vector<32x64x128xi32> to vector<64x128xi32>
    %sub3A = arith.constant 1 : i32
    %sub3A_4 = vector.broadcast %sub3A : i32 to vector<64x128xi32>
    %sub3A_5 = arith.subi %reduce_sum3A_3, %sub3A_4 : vector<64x128xi32>
    %swap3A = arith.constant 0 : index
    %swap3A_6 = arith.constant 0 : index
    %swap3A_7 = vector.load %arg1[%swap3A, %swap3A_6] : memref<64x128xi32, #tpu.memory_space<vmem>>, vector<64x128xi32>
    tpu.vector_store %arg1[%swap3A, %swap3A_6], %sub3A_5 {strides = array<i32>} : memref<64x128xi32, #tpu.memory_space<vmem>>, vector<64x128xi32>,
    return
  }
}

</mosaic_0001>

<sc_bundles>
// kernel: kernel.11.cloned.1.call-start
scs
__scs_entry_jumppad:
0x0: {  	(pc) =	sbr.rel $0x88, $3  }
0x1: {  	(tag) =	ssettag $0x0;
	lr =	simm.s32 $0x1  }
0x2: {  	[smem:$0x3F9E] =	sst lr;
	_ =	strace $0xD0000000  }
0x3: {  	_ = 	snop  }
0x4: {  	_ = 	snop  }
0x5: {  	_ = 	snop  }
0x6: {  	_ = 	snop  }
0x7: {  	_ = 	snop  }
__scs_overlays_trampoline_lowered:
0x8: {  	[smem:$0x3FAD] =	sst s0  }
0x9: {  	[smem:$0x3FAE] =	sst s1  }
0xa: {  	[smem:$0x3FAF] =	sst s2  }
0xb: {  	[smem:$0x3FB0] =	sst s3  }
0xc: {  	[smem:$0x3FB1] =	sst s4  }
0xd: {  	[smem:$0x3FB2] =	sst s5  }
0xe: {  	[smem:$0x3FB3] =	sst s6  }
0xf: {  	[smem:$0x3FB4] =	sst s7  }
0x10: {  	[smem:$0x3FB5] =	sst s8  }
0x11: {  	[smem:$0x3FB6] =	sst s9;
	s0 =	simm.s32 @!p0 $0x0  }
0x12: {  	s1 =	sld [smem:$0x3F9C];
	s0 =	simm.s32 @p0 $0x1  }
0x13: {  	[smem:$0x3FB7] =	sst s0;
	s0 =	simm.s32 @!p1 $0x0  }
0x14: {  	s2 =	sld [smem:$0x3F9B];
	s0 =	simm.s32 @p1 $0x1  }
0x15: {  	[smem:$0x3FB8] =	sst s0;
	s0 =	simm.s32 @!p2 $0x0  }
0x16: {  	s3 =	sld [smem:$0x3FDB];
	s0 =	simm.s32 @p2 $0x1  }
0x17: {  	s4 =	simm.s32 $0x1BF5;
	[smem:$0x3FBA] =	sst s0  }
0x18: {  	s0 =	sld [smem:$0x3F9D];
	_ =	swait.ge [sflag:s4], $0x0  }
0x19: {  	s7 =	sld [smem:$0x3F9E]  }
0x1a: {  	s8 =	sadd.s32 $0xFFFFE003, lr  }
0x1b: {  	s9 =	sadd.s32 $0xFFFFFEF7, lr;
	s5 =	simm.s32 $0xFFFFFFFF;
	p2 =	slt.u32 s8, $0xFFFFF086  }
0x1c: {  	p1 =	slt.u32 s9, $0xF7A;
	s5 =	simm.s32 @!p2 $0x0  }
0x1d: {  	s5 =	simm.s32 @p1 $0x1;
	p0 =	seq.s32 s7, s2  }
0x1e: {  	s7 =	smul.u32 @!p0 $0xF7A, s2;
	p2 =	seq.s32 @!p0 s5, $0x0  }
0x1f: {  	s9 =	smul.u32 $0xF7A, s1;
	s8 =	simm.s32 @!p0 $0x1BF5;
	p2 =	por !p2, p0  }
0x20: {  	[sflag:s8] =	ssyncset.s32 @!p0 $0xFFFFF086;
	s6 =	sadd.s32 @!p0 s3, s7;
	s7 =	simm.s32 @!p0 $0x108  }
0x21: {  	s3 =	sadd.s32 s3, s9;
	s6 =	sadd.s32 @!p0 $0x88, s6;
	s7 =	simm.s32 @p2 $0x1082  }
0x22: {  	[simem:s7], [sflag:s8] =	dma.local @!p0 [hbm:s6], $0xF7A  }
0x23: {  	s9 =	sor.u32 $0xD0000000, s2;
	s6 =	simm.s32 $0x108;
	_ =	swait.ge @!p0 [sflag:s8], $0x0  }
0x24: {  	s3 =	sadd.s32 $0x88, s3;
	s6 =	simm.s32 @!p1 $0x1082;
	[sflag:s4] =	ssyncset.s32 $0xFFFFF086  }
0x25: {  	[simem:s6], [sflag:s4] =	dma.local [hbm:s3], $0xF7A  }
0x26: {  	[smem:$0x3F9E] =	sst s1;
	(tag) =	ssettag s2;
	_ =	strace s9  }
0x27: {  	s1 =	sld [smem:$0x3FAE]  }
0x28: {  	s2 =	sld [smem:$0x3FAF]  }
0x29: {  	s4 =	sld [smem:$0x3FB1]  }
0x2a: {  	p0 =	seq.s32 s5, $0x0;
	s5 =	sld [smem:$0x3FB2]  }
0x2b: {  	s6 =	sld [smem:$0x3FB3]  }
0x2c: {  	s7 =	sld [smem:$0x3FB4]  }
0x2d: {  	s3 =	simm.s32 $0x108;
	s8 =	sld [smem:$0x3FB5]  }
0x2e: {  	s3 =	simm.s32 @!p0 $0x1082;
	s9 =	sld [smem:$0x3FB6]  }
0x2f: {  	lr =	sadd.s32 s0, s3;
	s0 =	sld [smem:$0x3FAD]  }
0x30: {  	s3 =	sld [smem:$0x3FB0]  }
0x31: {  	[smem:$0x3FB9] =	sst s10  }
0x32: {  	s10 =	sld [smem:$0x3FB7];
	_ =	sdelay $0x3  }
0x33: {  	p0 =	seq.s32 s10, $0x1;
	s10 =	sld [smem:$0x3FB9];
	_ =	sdelay $0x3  }
0x34: {  	[smem:$0x3FB9] =	sst s10  }
0x35: {  	s10 =	sld [smem:$0x3FB8];
	_ =	sdelay $0x3  }
0x36: {  	p1 =	seq.s32 s10, $0x1;
	s10 =	sld [smem:$0x3FB9];
	_ =	sdelay $0x3  }
0x37: {  	[smem:$0x3FB9] =	sst s10  }
0x38: {  	s10 =	sld [smem:$0x3FBA]  }
0x39: {  	_ = 	snop;
	(pc) =	sbr.ind lr, $3  }
0x3a: {  	_ = 	snop  }
0x3b: {  	_ = 	snop  }
0x3c: {  	p2 =	seq.s32 s10, $0x1;
	s10 =	sld [smem:$0x3FB9]  }
0x3d: {  	_ =	shalt  }
0x3e: {  	_ =	shalt  }
0x3f: {  	_ =	shalt  }
0x40: {  	_ =	shalt  }
0x41: {  	_ =	shalt  }
0x42: {  	_ =	shalt  }
0x43: {  	_ =	shalt  }
0x44: {  	_ =	shalt  }
0x45: {  	_ =	shalt  }
0x46: {  	_ =	shalt  }
0x47: {  	_ =	shalt  }
0x48: {  	_ =	shalt  }
0x49: {  	_ =	shalt  }
0x4a: {  	_ =	shalt  }
0x4b: {  	_ =	shalt  }
0x4c: {  	_ =	shalt  }
0x4d: {  	_ =	shalt  }
0x4e: {  	_ =	shalt  }
0x4f: {  	_ =	shalt  }
0x50: {  	_ =	shalt  }
0x51: {  	_ =	shalt  }
0x52: {  	_ =	shalt  }
0x53: {  	_ =	shalt  }
0x54: {  	_ =	shalt  }
0x55: {  	_ =	shalt  }
0x56: {  	_ =	shalt  }
0x57: {  	_ =	shalt  }
0x58: {  	_ =	shalt  }
0x59: {  	_ =	shalt  }
0x5a: {  	_ =	shalt  }
0x5b: {  	_ =	shalt  }
0x5c: {  	_ =	shalt  }
0x5d: {  	_ =	shalt  }
0x5e: {  	_ =	shalt  }
0x5f: {  	_ =	shalt  }
0x60: {  	_ =	shalt  }
0x61: {  	_ =	shalt  }
0x62: {  	_ =	shalt  }
0x63: {  	_ =	shalt  }
0x64: {  	_ =	shalt  }
0x65: {  	_ =	shalt  }
0x66: {  	_ =	shalt  }
0x67: {  	_ =	shalt  }
0x68: {  	_ =	shalt  }
0x69: {  	_ =	shalt  }
0x6a: {  	_ =	shalt  }
0x6b: {  	_ =	shalt  }
0x6c: {  	_ =	shalt  }
0x6d: {  	_ =	shalt  }
0x6e: {  	_ =	shalt  }
0x6f: {  	_ =	shalt  }
0x70: {  	_ =	shalt  }
0x71: {  	_ =	shalt  }
0x72: {  	_ =	shalt  }
0x73: {  	_ =	shalt  }
0x74: {  	_ =	shalt  }
0x75: {  	_ =	shalt  }
0x76: {  	_ =	shalt  }
0x77: {  	_ =	shalt  }
0x78: {  	_ =	shalt  }
0x79: {  	_ =	shalt  }
0x7a: {  	_ =	shalt  }
0x7b: {  	_ =	shalt  }
0x7c: {  	_ =	shalt  }
0x7d: {  	_ =	shalt  }
0x7e: {  	_ =	shalt  }
0x7f: {  	_ =	shalt  }
0x80: {  	_ =	shalt  }
0x81: {  	_ =	shalt  }
0x82: {  	_ =	shalt  }
0x83: {  	_ =	shalt  }
0x84: {  	_ =	shalt  }
0x85: {  	_ =	shalt  }
0x86: {  	_ =	shalt  }
0x87: {  	_ =	shalt  }
.Lfunc_end0:
.L_simem_size_0:
called_computation_lowered:
.L_overlay_start_0:
0x88: {  	s2 =	sld [smem:$0x3FD9]  }
0x89: {  	s3 =	sld [smem:$0x3FFE];
	_ =	sdelay $0x1  }
0x8a: {  	s1 =	srdreg.scid  }
0x8b: {  	s0 =	sand.u32 $0x1, s1  }
0x8c: {  	s16 =	sshll.u32 s0, $0xA;
	s2 =	sadd.s32 s3, s2  }
0x8d: {  	s2 =	sadd.s32 s2, s16  }
0x8e: {  	[smem:$0x3FC5] =	sst s2  }
0x8f: {  	_ = 	snop  }
0x90: {  	(tm) =	ssettm $0x1  }
0x91: {  	s17 =	sld [smem:$0x3FFB];
	_ =	sdelay $0x3  }
0x92: {  	_ =	strace s17  }
0x93: {  	s2 =	sld [smem:$0x3FFC];
	_ =	sdelay $0x3  }
0x94: {  	_ =	strace s2  }
0x95: {  	s2 =	sld [smem:$0x3FFD];
	_ =	sdelay $0x3  }
0x96: {  	_ =	strace s2  }
0x97: {  	_ =	strace $0x8FFFFFFF  }
0x98: {  	s18 =	sld [smem:$0x3FDB];
	_ =	sdelay $0x1  }
0x99: {  	s19 =	simm.s32 $_scs_section_size  }
0x9a: {  	s4 =	simm.s32 $_size__tile_overlayer_lowered;
	s5 =	simm.s32 $_tile_overlayer_lowered  }
0x9b: {  	s22 =	simm.s32 $0x1BFF;
	s21 =	sshll.u32 s5, $0x1;
	s2 =	sadd.s32 s19, s18  }
0x9c: {  	s6 =	simm.s32 $0x0;
	s20 =	sshll.u32 s4, $0x1;
	s4 =	sadd.s32 s21, s2  }
0x9d: {  	[timem:s6], [sflag:s22] =	dma.local [hbm:s4], s20  }
0x9e: {  	_ =	swait.ge [sflag:s22], s20  }
0x9f: {  	s3 =	ssub.s32 $0x0, s20;
	[sflag:s22] =	ssyncset.done $0x0  }
0xa0: {  	[sflag:s22] =	ssyncadd.s32 s3;
	_ =	sdelay $0x1  }
0xa1: {  	s23 =	simm.s32 $0x1B8B  }
0xa2: {  	_ =	swait.ge [sflag:s23], $0x1  }
0xa3: {  	[sflag:s23] =	ssyncset.done $0x0  }
0xa4: {  	s25 =	simm.s32 $0x1B8E;
	s24 =	sld [smem:$0x3FFE];
	[sflag:s23] =	ssyncadd.s32 $0xFFFFFFFF  }
0xa5: {  	s26 =	simm.s32 $execute0_lowered;
	[smem:$0x3FD2] =	sst s25  }
0xa6: {  	s4 =	sshll.u32 s26, $0x1;
	_ =	strace $0x80000046;
	[dreg:$0x1] =	wrdreg $0xFFFFFFFF  }
0xa7: {  	s28 =	simm.s32 $_size_execute0_lowered;
	s2 =	sadd.s32 s2, s4;
	[dreg:$0x0] =	wrdreg $0x0  }
0xa8: {  	s4 =	sshll.u32 s28, $0x1;
	[dreg:$0x2] =	wrdreg s2  }
0xa9: {  	[dreg:$0x3] =	wrdreg s4  }
0xaa: {  	[dreg:$0x4] =	wrdreg $0xC0  }
0xab: {  	_ =	task [dreg:s6], $0x5FFFF  }
0xac: {  	[dreg:$0x1] =	wrdreg $0xFFFFFFFF  }
0xad: {  	[dreg:$0x0] =	wrdreg $0x60  }
0xae: {  	[dreg:$0x2] =	wrdreg s24  }
0xaf: {  	[dreg:$0x3] =	wrdreg $0x9  }
0xb0: {  	_ =	task.clear_ibuf [dreg:s6], $0x4FFFF;
	_ =	strace $0x90000046  }
0xb1: {  	s29 =	simm.s32 $0x9;
	_ =	strace $0x80000048  }
0xb2: {  	_ =	swait.ge [sflag:s29], $0x1  }
0xb3: {  	[sflag:s29] =	ssyncadd.s32 $0xFFFFFFFF  }
0xb4: {  	_ =	strace $0x90000048  }
0xb5: {  	_ =	sfence  }
0xb6: {  	s30 =	sld [smem:$0x0];
	_ =	sdelay $0x2  }
0xb7: {  	s31 =	sshll.u32 s1, $0xD;
	s1 =	sshrl.u32 s1, $0x2  }
0xb8: {  	s3 =	sand.u32 $0x4000, s31;
	s1 =	sadd.s32 s1, s30  }
0xb9: {  	s0 =	sor.u32 s3, s0;
	s1 =	sshll.u32 s1, $0x11  }
0xba: {  	s0 =	sor.u32 s1, s0  }
0xbb: {  	s0 =	sadd.s32 $0x8F2B, s0  }
0xbc: {  	[sflag:s0] =	ssyncadd.remote.s32 $0x1  }
0xbd: {  	_ =	sfence.sel $0xFFFF  }
0xbe: {  	[dreg:$0x0] =	wrdreg $0xFFFFFFFF;
	(pc) =	sbr.abs _section_cstart, $3  }
0xbf: {  	[dreg:$0x1] =	wrdreg $0xFFFFFFFF  }
0xc0: {  	_ =	task.clear_ibuf [dreg:s6], $0x2FFFF;
	_ =	strace $0x9FFFFFFF  }
0xc1: {  	(tm) =	ssettm $0x7FFFFFFF  }
tec
execute0_lowered:
.L_overlay_start_1:
0x0: {  	(tag) =	ssettag $0x1  }
0x1: {  	s1 =	srdreg.scid;
	s0 =	stileid.u32  }
0x2: {  	s6 =	sand.u32 $0x1, s1;
	s30 =	sshll.u32 s0, $0x1  }
0x3: {  	s9 =	rddreg [dreg:$0x0];
	s7 =	sor.u32 s6, s30  }
0x4: {  	s2 =	simm.s32 $0x0;
	s1 =	rddreg [dreg:$0x1];
	s3 =	smul.u32 $0x28, s7  }
0x5: {  	s8 =	simm.s32 $0x1;
	[smem:$0x7FF] =	sst s2;
	s5 =	sadd.s32 $0xD08000, s9  }
0x6: {  	_ =	strace $0x80000047;
	s11 =	ssub.s32 $0x2, s6;
	s3 =	sadd.s32 s3, s9  }
0x7: {  	s6 =	simm.s32 $0x140;
	s4 =	sadd.s32 $0x8000, s3;
	s3 =	simm.s32 $0x2  }
0x8: {  	[tilespmem:s2], [sflag:$0x2] =	stream.linear.gather [hbm4b:s4+s2], $0x140, $0x38;
	[tilespmem:$0xA180] =	vst v63  }
0x9: {  	s10 =	smul.u32 $0x1400, s7;
	s12 =	sshrl.u32 s11, $0x1;
	_ =	swait.ge [sflag:s3], $0x140  }
0xa: {  	s7 =	simm.s32 $0x180;
	s31 =	ssub.s32 s11, s12;
	[sflag:s3] =	ssyncset.done $0x0  }
0xb: {  	s9 =	sadd.s32 s10, s9;
	s10 =	smax.u32 s31, $0x1;
	[sflag:s3] =	ssyncadd.s32 $0xFFFFFEC0  }
0xc: {  	[tilespmem:s7], [sflag:$0x1] =	stream.indirect.gather [hbm4b:s5+s6], $0x80, s2, s6, $0xb8;
	[tilespmem:$0xA180] =	vst v63  }
0xd: {  	p0 =	sne.s32 s10, $0x1;
	_ =	swait.ge [sflag:s8], $0xA000  }
.Ltmp0:
0xe: {  	[sflag:s8] =	ssyncset.done $0x0;
	(pc) =	sbr.rel @!p0 .LBB2_2-.Ltmp0, $4  }
0xf: {  	s9 =	sadd.s32 $0x8600, s9;
	[sflag:s8] =	ssyncadd.s32 $0xFFFF6000  }
0x10: {  	[hbm4b:s9+s2] =	stream.linear.scatter [tilespmem:s7], [sflag:$0x2], $0xA000, $0x38;
	[tilespmem:$0xA180] =	vst v63  }
0x11: {  	_ =	swait.ge [sflag:s3], $0xA000  }
0x12: {  	s10 =	sadd.s32 $0xFFFFFFFF, s10;
	[sflag:s3] =	ssyncset.done $0x0  }
.LBB2_1:
0x13: {  	p0 =	sne.s32 s10, $0x1;
	s10 =	sadd.s32 $0xFFFFFFFF, s10;
	[sflag:s3] =	ssyncadd.s32 $0xFFFF6000  }
0x14: {  	[tilespmem:s2], [sflag:$0x2] =	stream.linear.gather [hbm4b:s4+s2], $0x140, $0x38;
	[tilespmem:$0xA180] =	vst v63  }
0x15: {  	_ =	swait.ge [sflag:s3], $0x140  }
0x16: {  	[sflag:s3] =	ssyncset.done $0x0  }
0x17: {  	[sflag:s3] =	ssyncadd.s32 $0xFFFFFEC0  }
0x18: {  	[tilespmem:s7], [sflag:$0x1] =	stream.indirect.gather [hbm4b:s5+s6], $0x80, s2, s6, $0xb8;
	[tilespmem:$0xA180] =	vst v63  }
0x19: {  	_ =	swait.ge [sflag:s8], $0xA000  }
.Ltmp1:
0x1a: {  	[sflag:s8] =	ssyncset.done $0x0;
	(pc) =	sbr.rel @p0 .LBB2_1-.Ltmp1, $4  }
0x1b: {  	[sflag:s8] =	ssyncadd.s32 $0xFFFF6000  }
0x1c: {  	[hbm4b:s9+s2] =	stream.linear.scatter [tilespmem:s7], [sflag:$0x2], $0xA000, $0x38;
	[tilespmem:$0xA180] =	vst v63  }
0x1d: {  	_ =	swait.ge [sflag:s3], $0xA000  }
0x1e: {  	[sflag:s3] =	ssyncset.done $0x0  }
.LBB2_2:
0x1f: {  	[sflag:s3] =	ssyncadd.s32 $0xFFFF6000  }
0x20: {  	_ =	sfence.sel $0x180000  }
0x21: {  	[bflag:$0x0] =	sbarrier.arrive $0xFFFF  }
0x22: {  	p0 =	sne.s32 s0, $0x0;
	_ =	strace $0x90000047  }
0x23: {  	s0 =	sadd.s32 @!p0 $0x100000, s1;
	[bflag:$0x2] =	sbarrier.arrive $0xFFFF  }
0x24: {  	[sflag:s0] =	ssyncadd.tile.s32 @!p0 $0x1;
	_ =	shalt  }
.Lfunc_end2:
_tile_overlayer_lowered:
.L_overlay_start_2:
0x25: {  	(tag) =	ssettag $0x2  }
0x26: {  	s0 =	rddreg [dreg:$0x0];
	s2 =	stileid.u32  }
0x27: {  	s1 =	rddreg [dreg:$0x1];
	p0 =	sne.s32 s2, $0x0  }
0x28: {  	s3 =	rddreg [dreg:$0x2];
	[bflag:$0x3] =	sbarrier.arrive $0xFFFF;
	s2 =	simm.s32 @!p0 $0x1C02  }
0x29: {  	[timem:s3], [sflag:s2] =	dma.local @!p0 [hbm:s0], s1  }
0x2a: {  	s0 =	simm.s32 @!p0 $0x2  }
0x2b: {  	_ =	swait.ge @!p0 [sflag:s0], s1  }
0x2c: {  	s1 =	ssub.s32 @!p0 $0x0, s1;
	[sflag:s0] =	ssyncset.done @!p0 $0x0  }
0x2d: {  	[sflag:s0] =	ssyncadd.s32 @!p0 s1  }
0x2e: {  	[bflag:$0x3] =	sbarrier.arrive $0xFFFF  }
0x2f: {  	_ =	shalt  }

// kernel: kernel.14.cloned.1.call-start
scs
__scs_entry_jumppad:
0x0: {  	(pc) =	sbr.rel $0x88, $3  }
0x1: {  	(tag) =	ssettag $0x0;
	lr =	simm.s32 $0x1  }
0x2: {  	[smem:$0x3F9E] =	sst lr;
	_ =	strace $0xD0000000  }
0x3: {  	_ = 	snop  }
0x4: {  	_ = 	snop  }
0x5: {  	_ = 	snop  }
0x6: {  	_ = 	snop  }
0x7: {  	_ = 	snop  }
__scs_overlays_trampoline_lowered:
0x8: {  	[smem:$0x3FAD] =	sst s0  }
0x9: {  	[smem:$0x3FAE] =	sst s1  }
0xa: {  	[smem:$0x3FAF] =	sst s2  }
0xb: {  	[smem:$0x3FB0] =	sst s3  }
0xc: {  	[smem:$0x3FB1] =	sst s4  }
0xd: {  	[smem:$0x3FB2] =	sst s5  }
0xe: {  	[smem:$0x3FB3] =	sst s6  }
0xf: {  	[smem:$0x3FB4] =	sst s7  }
0x10: {  	[smem:$0x3FB5] =	sst s8  }
0x11: {  	[smem:$0x3FB6] =	sst s9;
	s0 =	simm.s32 @!p0 $0x0  }
0x12: {  	s1 =	sld [smem:$0x3F9C];
	s0 =	simm.s32 @p0 $0x1  }
0x13: {  	[smem:$0x3FB7] =	sst s0;
	s0 =	simm.s32 @!p1 $0x0  }
0x14: {  	s2 =	sld [smem:$0x3F9B];
	s0 =	simm.s32 @p1 $0x1  }
0x15: {  	[smem:$0x3FB8] =	sst s0;
	s0 =	simm.s32 @!p2 $0x0  }
0x16: {  	s3 =	sld [smem:$0x3FDB];
	s0 =	simm.s32 @p2 $0x1  }
0x17: {  	s4 =	simm.s32 $0x1BF5;
	[smem:$0x3FBA] =	sst s0  }
0x18: {  	s0 =	sld [smem:$0x3F9D];
	_ =	swait.ge [sflag:s4], $0x0  }
0x19: {  	s7 =	sld [smem:$0x3F9E]  }
0x1a: {  	s8 =	sadd.s32 $0xFFFFE003, lr  }
0x1b: {  	s9 =	sadd.s32 $0xFFFFFEF7, lr;
	s5 =	simm.s32 $0xFFFFFFFF;
	p2 =	slt.u32 s8, $0xFFFFF086  }
0x1c: {  	p1 =	slt.u32 s9, $0xF7A;
	s5 =	simm.s32 @!p2 $0x0  }
0x1d: {  	s5 =	simm.s32 @p1 $0x1;
	p0 =	seq.s32 s7, s2  }
0x1e: {  	s7 =	smul.u32 @!p0 $0xF7A, s2;
	p2 =	seq.s32 @!p0 s5, $0x0  }
0x1f: {  	s9 =	smul.u32 $0xF7A, s1;
	s8 =	simm.s32 @!p0 $0x1BF5;
	p2 =	por !p2, p0  }
0x20: {  	[sflag:s8] =	ssyncset.s32 @!p0 $0xFFFFF086;
	s6 =	sadd.s32 @!p0 s3, s7;
	s7 =	simm.s32 @!p0 $0x108  }
0x21: {  	s3 =	sadd.s32 s3, s9;
	s6 =	sadd.s32 @!p0 $0x88, s6;
	s7 =	simm.s32 @p2 $0x1082  }
0x22: {  	[simem:s7], [sflag:s8] =	dma.local @!p0 [hbm:s6], $0xF7A  }
0x23: {  	s9 =	sor.u32 $0xD0000000, s2;
	s6 =	simm.s32 $0x108;
	_ =	swait.ge @!p0 [sflag:s8], $0x0  }
0x24: {  	s3 =	sadd.s32 $0x88, s3;
	s6 =	simm.s32 @!p1 $0x1082;
	[sflag:s4] =	ssyncset.s32 $0xFFFFF086  }
0x25: {  	[simem:s6], [sflag:s4] =	dma.local [hbm:s3], $0xF7A  }
0x26: {  	[smem:$0x3F9E] =	sst s1;
	(tag) =	ssettag s2;
	_ =	strace s9  }
0x27: {  	s1 =	sld [smem:$0x3FAE]  }
0x28: {  	s2 =	sld [smem:$0x3FAF]  }
0x29: {  	s4 =	sld [smem:$0x3FB1]  }
0x2a: {  	p0 =	seq.s32 s5, $0x0;
	s5 =	sld [smem:$0x3FB2]  }
0x2b: {  	s6 =	sld [smem:$0x3FB3]  }
0x2c: {  	s7 =	sld [smem:$0x3FB4]  }
0x2d: {  	s3 =	simm.s32 $0x108;
	s8 =	sld [smem:$0x3FB5]  }
0x2e: {  	s3 =	simm.s32 @!p0 $0x1082;
	s9 =	sld [smem:$0x3FB6]  }
0x2f: {  	lr =	sadd.s32 s0, s3;
	s0 =	sld [smem:$0x3FAD]  }
0x30: {  	s3 =	sld [smem:$0x3FB0]  }
0x31: {  	[smem:$0x3FB9] =	sst s10  }
0x32: {  	s10 =	sld [smem:$0x3FB7];
	_ =	sdelay $0x3  }
0x33: {  	p0 =	seq.s32 s10, $0x1;
	s10 =	sld [smem:$0x3FB9];
	_ =	sdelay $0x3  }
0x34: {  	[smem:$0x3FB9] =	sst s10  }
0x35: {  	s10 =	sld [smem:$0x3FB8];
	_ =	sdelay $0x3  }
0x36: {  	p1 =	seq.s32 s10, $0x1;
	s10 =	sld [smem:$0x3FB9];
	_ =	sdelay $0x3  }
0x37: {  	[smem:$0x3FB9] =	sst s10  }
0x38: {  	s10 =	sld [smem:$0x3FBA]  }
0x39: {  	_ = 	snop;
	(pc) =	sbr.ind lr, $3  }
0x3a: {  	_ = 	snop  }
0x3b: {  	_ = 	snop  }
0x3c: {  	p2 =	seq.s32 s10, $0x1;
	s10 =	sld [smem:$0x3FB9]  }
0x3d: {  	_ =	shalt  }
0x3e: {  	_ =	shalt  }
0x3f: {  	_ =	shalt  }
0x40: {  	_ =	shalt  }
0x41: {  	_ =	shalt  }
0x42: {  	_ =	shalt  }
0x43: {  	_ =	shalt  }
0x44: {  	_ =	shalt  }
0x45: {  	_ =	shalt  }
0x46: {  	_ =	shalt  }
0x47: {  	_ =	shalt  }
0x48: {  	_ =	shalt  }
0x49: {  	_ =	shalt  }
0x4a: {  	_ =	shalt  }
0x4b: {  	_ =	shalt  }
0x4c: {  	_ =	shalt  }
0x4d: {  	_ =	shalt  }
0x4e: {  	_ =	shalt  }
0x4f: {  	_ =	shalt  }
0x50: {  	_ =	shalt  }
0x51: {  	_ =	shalt  }
0x52: {  	_ =	shalt  }
0x53: {  	_ =	shalt  }
0x54: {  	_ =	shalt  }
0x55: {  	_ =	shalt  }
0x56: {  	_ =	shalt  }
0x57: {  	_ =	shalt  }
0x58: {  	_ =	shalt  }
0x59: {  	_ =	shalt  }
0x5a: {  	_ =	shalt  }
0x5b: {  	_ =	shalt  }
0x5c: {  	_ =	shalt  }
0x5d: {  	_ =	shalt  }
0x5e: {  	_ =	shalt  }
0x5f: {  	_ =	shalt  }
0x60: {  	_ =	shalt  }
0x61: {  	_ =	shalt  }
0x62: {  	_ =	shalt  }
0x63: {  	_ =	shalt  }
0x64: {  	_ =	shalt  }
0x65: {  	_ =	shalt  }
0x66: {  	_ =	shalt  }
0x67: {  	_ =	shalt  }
0x68: {  	_ =	shalt  }
0x69: {  	_ =	shalt  }
0x6a: {  	_ =	shalt  }
0x6b: {  	_ =	shalt  }
0x6c: {  	_ =	shalt  }
0x6d: {  	_ =	shalt  }
0x6e: {  	_ =	shalt  }
0x6f: {  	_ =	shalt  }
0x70: {  	_ =	shalt  }
0x71: {  	_ =	shalt  }
0x72: {  	_ =	shalt  }
0x73: {  	_ =	shalt  }
0x74: {  	_ =	shalt  }
0x75: {  	_ =	shalt  }
0x76: {  	_ =	shalt  }
0x77: {  	_ =	shalt  }
0x78: {  	_ =	shalt  }
0x79: {  	_ =	shalt  }
0x7a: {  	_ =	shalt  }
0x7b: {  	_ =	shalt  }
0x7c: {  	_ =	shalt  }
0x7d: {  	_ =	shalt  }
0x7e: {  	_ =	shalt  }
0x7f: {  	_ =	shalt  }
0x80: {  	_ =	shalt  }
0x81: {  	_ =	shalt  }
0x82: {  	_ =	shalt  }
0x83: {  	_ =	shalt  }
0x84: {  	_ =	shalt  }
0x85: {  	_ =	shalt  }
0x86: {  	_ =	shalt  }
0x87: {  	_ =	shalt  }
.Lfunc_end0:
.L_simem_size_0:
called_computation.1_lowered:
.L_overlay_start_0:
0x88: {  	s2 =	sld [smem:$0x3FD9]  }
0x89: {  	s3 =	sld [smem:$0x3FFE];
	_ =	sdelay $0x1  }
0x8a: {  	s1 =	srdreg.scid  }
0x8b: {  	s0 =	sand.u32 $0x1, s1  }
0x8c: {  	s14 =	sshll.u32 s0, $0xA;
	s2 =	sadd.s32 s3, s2  }
0x8d: {  	s2 =	sadd.s32 s2, s14  }
0x8e: {  	[smem:$0x3FC5] =	sst s2  }
0x8f: {  	_ = 	snop  }
0x90: {  	s2 =	sld [smem:$0x3FD0];
	_ =	sdelay $0x2  }
0x91: {  	s4 =	simm.s32 $0xA;
	s5 =	simm.s32 $0x10;
	s15 =	sld [smem:$0x3FC8]  }
0x92: {  	[smem:s5], [sflag:s4] =	dma.local [hbm:s2], $0x1  }
0x93: {  	_ =	swait.eq [sflag:s4], $0x1  }
0x94: {  	[sflag:s4] =	ssyncset.done $0x0  }
0x95: {  	[sflag:s4] =	ssyncadd.s32 $0xFFFFFFFF  }
0x96: {  	s16 =	sld [smem:$0x10];
	(tm) =	ssettm $0x1  }
0x97: {  	s17 =	sld [smem:$0x3FFB];
	_ =	sdelay $0x3  }
0x98: {  	_ =	strace s17  }
0x99: {  	s4 =	sld [smem:$0x3FFC];
	_ =	sdelay $0x3  }
0x9a: {  	_ =	strace s4  }
0x9b: {  	s4 =	sld [smem:$0x3FFD];
	_ =	sdelay $0x3  }
0x9c: {  	_ =	strace s4  }
0x9d: {  	_ =	strace $0x8FFFFFFF  }
0x9e: {  	s18 =	sld [smem:$0x3FDB];
	_ =	sdelay $0x1  }
0x9f: {  	s19 =	simm.s32 $_scs_section_size  }
0xa0: {  	s6 =	simm.s32 $_size__tile_overlayer_lowered;
	s7 =	simm.s32 $_tile_overlayer_lowered  }
0xa1: {  	s22 =	simm.s32 $0x1BFF;
	s21 =	sshll.u32 s7, $0x1;
	s4 =	sadd.s32 s19, s18  }
0xa2: {  	s8 =	simm.s32 $0x0;
	s20 =	sshll.u32 s6, $0x1;
	s6 =	sadd.s32 s21, s4  }
0xa3: {  	[timem:s8], [sflag:s22] =	dma.local [hbm:s6], s20  }
0xa4: {  	_ =	swait.ge [sflag:s22], s20  }
0xa5: {  	s5 =	ssub.s32 $0x0, s20;
	[sflag:s22] =	ssyncset.done $0x0  }
0xa6: {  	[sflag:s22] =	ssyncadd.s32 s5;
	_ =	sdelay $0x1  }
0xa7: {  	s23 =	simm.s32 $0x1B8B  }
0xa8: {  	_ =	swait.ge [sflag:s23], $0x1  }
0xa9: {  	[sflag:s23] =	ssyncset.done $0x0  }
0xaa: {  	s25 =	simm.s32 $0x1B8E;
	s24 =	sld [smem:$0x3FFE];
	[sflag:s23] =	ssyncadd.s32 $0xFFFFFFFF  }
0xab: {  	s26 =	simm.s32 $execute0_lowered;
	[smem:$0x3FD2] =	sst s25  }
0xac: {  	s6 =	sshll.u32 s26, $0x1;
	_ =	strace $0x80000049;
	[dreg:$0x1] =	wrdreg $0xFFFFFFFF  }
0xad: {  	s28 =	simm.s32 $_size_execute0_lowered;
	s4 =	sadd.s32 s4, s6;
	[dreg:$0x0] =	wrdreg $0x0  }
0xae: {  	s6 =	sshll.u32 s28, $0x1;
	[dreg:$0x2] =	wrdreg s4  }
0xaf: {  	[dreg:$0x3] =	wrdreg s6  }
0xb0: {  	[dreg:$0x4] =	wrdreg $0xC0  }
0xb1: {  	_ =	task [dreg:s8], $0x5FFFF  }
0xb2: {  	[dreg:$0x1] =	wrdreg $0xFFFFFFFF  }
0xb3: {  	[dreg:$0x0] =	wrdreg $0x60  }
0xb4: {  	[dreg:$0x2] =	wrdreg s16  }
0xb5: {  	[dreg:$0x3] =	wrdreg s24  }
0xb6: {  	[dreg:$0x4] =	wrdreg s15  }
0xb7: {  	[dreg:$0x5] =	wrdreg $0x9  }
0xb8: {  	_ =	task.clear_ibuf [dreg:s8], $0x6FFFF;
	_ =	strace $0x90000049  }
0xb9: {  	s29 =	simm.s32 $0x9;
	_ =	strace $0x8000004B  }
0xba: {  	_ =	swait.ge [sflag:s29], $0x1  }
0xbb: {  	[sflag:s29] =	ssyncadd.s32 $0xFFFFFFFF  }
0xbc: {  	_ =	strace $0x9000004B  }
0xbd: {  	_ =	sfence  }
0xbe: {  	s30 =	sld [smem:$0x0];
	_ =	sdelay $0x2  }
0xbf: {  	s31 =	sshll.u32 s1, $0xD;
	s1 =	sshrl.u32 s1, $0x2  }
0xc0: {  	s3 =	sand.u32 $0x4000, s31;
	s1 =	sadd.s32 s1, s30  }
0xc1: {  	s0 =	sor.u32 s3, s0;
	s1 =	sshll.u32 s1, $0x11  }
0xc2: {  	s0 =	sor.u32 s1, s0  }
0xc3: {  	s0 =	sadd.s32 $0x8F2B, s0  }
0xc4: {  	[sflag:s0] =	ssyncadd.remote.s32 $0x1  }
0xc5: {  	_ =	sfence.sel $0xFFFF  }
0xc6: {  	[dreg:$0x0] =	wrdreg $0xFFFFFFFF;
	(pc) =	sbr.abs _section_cstart, $3  }
0xc7: {  	[dreg:$0x1] =	wrdreg $0xFFFFFFFF  }
0xc8: {  	_ =	task.clear_ibuf [dreg:s8], $0x2FFFF;
	_ =	strace $0x9FFFFFFF  }
0xc9: {  	(tm) =	ssettm $0x7FFFFFFF  }
tec
execute0_lowered:
.L_overlay_start_1:
0x0: {  	(tag) =	ssettag $0x1  }
0x1: {  	s1 =	rddreg [dreg:$0x0]  }
0x2: {  	s6 =	rddreg [dreg:$0x1]  }
0x3: {  	s2 =	rddreg [dreg:$0x2]  }
0x4: {  	s0 =	rddreg [dreg:$0x3];
	_ =	strace $0x8000004A  }
0x5: {  	s7 =	srdreg.scid;
	s3 =	stileid.u32;
	s10 =	simm.s32 $0x18800  }
0x6: {  	s11 =	simm.s32 $0x0;
	s4 =	sadd.s32 $0x4000, s6;
	s5 =	sadd.s32 $0x4600, s6  }
.Ltmp0:
0x7: {  	s7 =	sand.u32 $0x1, s7;
	p0 =	seq.s32 s3, $0x0;
	(pc) =	sbr.rel .LBB2_1-.Ltmp0, $4  }
0x8: {  	s6 =	sadd.s32 $0x7800, s6;
	s8 =	ssub.s32 $0x2, s7;
	p1 =	seq.s32 s7, $0x1  }
0x9: {  	s31 =	sor.u32 s3, s7;
	s9 =	sshrl.u32 s8, $0x1;
	p0 =	por !p0, !p1  }
0xa: {  	p1 =	sne.s32 s31, $0x0;
	s8 =	ssub.s32 s8, s9;
	p0 =	por !p0, !p0  }
0xb: {  	v0 =	vimm.f32 $1.000000000e+00;
	s9 =	simm.s32 $0x1;
	s7 =	smax.u32 s8, $0x1;
	s8 =	simm.s32 $0x0  }
.LBB2_8:
0xc: {  	v1 =	vld [tilespmem:s13+$0x18800];
	_ =	sdelay $0x7  }
0xd: {  	[tilespmem:v1+s8+$0x0] =	vst.idx.msk $0xffff, v0  }
0xe: {  	[hbm4b:s6+s8] =	stream.linear.scatter [tilespmem:s8], [sflag:$0x1], $0x18800, $0x38;
	[tilespmem:$0x1B000] =	vst v63  }
0xf: {  	_ =	swait.ge [sflag:s9], $0x18800  }
0x10: {  	[sflag:s9] =	ssyncset.done $0x0  }
0x11: {  	[sflag:s9] =	ssyncadd.s32 $0xFFFE7800  }
.LBB2_9:
0x12: {  	s11 =	sadd.s32 $0x1, s11  }
0x13: {  	p2 =	sne.s32 s11, s7  }
.Ltmp1:
0x14: {  	_ = 	snop;
	(pc) =	sbr.rel @!p2 .LBB2_10-.Ltmp1, $1  }
0x15: {  	_ =	sdelay $0x3  }
.LBB2_1:
.Ltmp2:
0x16: {  	(pc) =	sbr.rel @p1 .LBB2_5-.Ltmp2, $1  }
0x17: {  	_ =	sdelay $0x3  }
0x18: {  	s12 =	simm.s32 $0x0  }
0x19: {  	[tilespmem:s12], [sflag:$0x1] =	stream.linear.gather [hbm4b:s1+s12], $0x18800, $0x38;
	[tilespmem:$0x1B000] =	vst v63  }
0x1a: {  	_ =	swait.ge [sflag:s9], $0x18800  }
0x1b: {  	[sflag:s9] =	ssyncset.done $0x0  }
0x1c: {  	[sflag:s9] =	ssyncadd.s32 $0xFFFE7800  }
0x1d: {  	[tilespmem:s10], [sflag:$0x1] =	stream.linear.gather [hbm4b:s4+s12], $0x2800, $0x38;
	[tilespmem:$0x1B000] =	vst v63  }
0x1e: {  	_ =	swait.ge [sflag:s9], $0x2800  }
0x1f: {  	[sflag:s9] =	ssyncset.done $0x0  }
0x20: {  	s13 =	simm.s32 $0x0;
	s12 =	simm.s32 $0x40;
	[sflag:s9] =	ssyncadd.s32 $0xFFFFD800  }
.LBB2_3:
0x21: {  	p2 =	sne.s32 s12, $0x9FC0;
	v1 =	vld [tilespmem:s13+$0x18800];
	_ =	sdelay $0x3  }
.Ltmp3:
0x22: {  	(pc) =	sbr.rel @p2 .LBB2_3-.Ltmp3, $2  }
0x23: {  	_ =	sdelay $0x2  }
0x24: {  	s13 =	sshra.s32 s12, $0x2;
	s12 =	sadd.s32 $0x40, s12;
	[tilespmem:v1+s8+$0x0] =	vst.idx.msk $0xffff, v0  }
0x25: {  	v1 =	vld [tilespmem:s13+$0x18800];
	_ =	sdelay $0x7  }
0x26: {  	[tilespmem:v1+s8+$0x0] =	vst.idx.msk $0xffff, v0  }
0x27: {  	[hbm4b:s5+s8] =	stream.linear.scatter [tilespmem:s8], [sflag:$0x1], $0x18800, $0x38;
	[tilespmem:$0x1B000] =	vst v63  }
0x28: {  	_ =	swait.ge [sflag:s9], $0x18800  }
0x29: {  	[sflag:s9] =	ssyncset.done $0x0  }
0x2a: {  	[sflag:s9] =	ssyncadd.s32 $0xFFFE7800  }
.LBB2_5:
.Ltmp4:
0x2b: {  	(pc) =	sbr.rel @!p0 .LBB2_9-.Ltmp4, $1  }
0x2c: {  	_ =	sdelay $0x3  }
0x2d: {  	s12 =	simm.s32 $0x0  }
0x2e: {  	[tilespmem:s12], [sflag:$0x1] =	stream.linear.gather [hbm4b:s1+s12], $0x18800, $0x38;
	[tilespmem:$0x1B000] =	vst v63  }
0x2f: {  	_ =	swait.ge [sflag:s9], $0x18800  }
0x30: {  	[sflag:s9] =	ssyncset.done $0x0  }
0x31: {  	[sflag:s9] =	ssyncadd.s32 $0xFFFE7800  }
0x32: {  	[tilespmem:s10], [sflag:$0x1] =	stream.linear.gather [hbm4b:s2+s12], $0x400, $0x38;
	[tilespmem:$0x1B000] =	vst v63  }
0x33: {  	_ =	swait.ge [sflag:s9], $0x400  }
0x34: {  	[sflag:s9] =	ssyncset.done $0x0  }
0x35: {  	s13 =	simm.s32 $0x0;
	s12 =	simm.s32 $0x40;
	[sflag:s9] =	ssyncadd.s32 $0xFFFFFC00  }
.LBB2_7:
0x36: {  	p2 =	sne.s32 s12, $0xFC0;
	v1 =	vld [tilespmem:s13+$0x18800];
	_ =	sdelay $0x3  }
.Ltmp5:
0x37: {  	(pc) =	sbr.rel @p2 .LBB2_7-.Ltmp5, $2  }
0x38: {  	_ =	sdelay $0x2  }
0x39: {  	s13 =	sshra.s32 s12, $0x2;
	s12 =	sadd.s32 $0x40, s12;
	[tilespmem:v1+s8+$0x0] =	vst.idx.msk $0xffff, v0  }
.Ltmp6:
0x3a: {  	_ = 	snop;
	(pc) =	sbr.rel .LBB2_8-.Ltmp6, $1  }
0x3b: {  	_ =	sdelay $0x3  }
.LBB2_10:
0x3c: {  	_ =	sfence.sel $0x180000  }
0x3d: {  	[bflag:$0x0] =	sbarrier.arrive $0xFFFF  }
0x3e: {  	p0 =	sne.s32 s3, $0x0;
	_ =	strace $0x9000004A  }
0x3f: {  	s0 =	sadd.s32 @!p0 $0x100000, s0;
	[bflag:$0x2] =	sbarrier.arrive $0xFFFF  }
0x40: {  	[sflag:s0] =	ssyncadd.tile.s32 @!p0 $0x1;
	_ =	shalt  }
.Lfunc_end2:
_tile_overlayer_lowered:
.L_overlay_start_2:
0x41: {  	(tag) =	ssettag $0x2  }
0x42: {  	s0 =	rddreg [dreg:$0x0];
	s2 =	stileid.u32  }
0x43: {  	s1 =	rddreg [dreg:$0x1];
	p0 =	sne.s32 s2, $0x0  }
0x44: {  	s3 =	rddreg [dreg:$0x2];
	[bflag:$0x3] =	sbarrier.arrive $0xFFFF;
	s2 =	simm.s32 @!p0 $0x1C01  }
0x45: {  	[timem:s3], [sflag:s2] =	dma.local @!p0 [hbm:s0], s1  }
0x46: {  	s0 =	simm.s32 @!p0 $0x1  }
0x47: {  	_ =	swait.ge @!p0 [sflag:s0], s1  }
0x48: {  	s1 =	ssub.s32 @!p0 $0x0, s1;
	[sflag:s0] =	ssyncset.done @!p0 $0x0  }
0x49: {  	[sflag:s0] =	ssyncadd.s32 @!p0 s1  }
0x4a: {  	[bflag:$0x3] =	sbarrier.arrive $0xFFFF  }
0x4b: {  	_ =	shalt  }

// kernel: kernel.17.cloned.1.call-start
scs
__scs_entry_jumppad:
0x0: {  	(pc) =	sbr.rel $0x88, $3  }
0x1: {  	(tag) =	ssettag $0x0;
	lr =	simm.s32 $0x1  }
0x2: {  	[smem:$0x3F9E] =	sst lr;
	_ =	strace $0xD0000000  }
0x3: {  	_ = 	snop  }
0x4: {  	_ = 	snop  }
0x5: {  	_ = 	snop  }
0x6: {  	_ = 	snop  }
0x7: {  	_ = 	snop  }
__scs_overlays_trampoline_lowered:
0x8: {  	[smem:$0x3FAD] =	sst s0  }
0x9: {  	[smem:$0x3FAE] =	sst s1  }
0xa: {  	[smem:$0x3FAF] =	sst s2  }
0xb: {  	[smem:$0x3FB0] =	sst s3  }
0xc: {  	[smem:$0x3FB1] =	sst s4  }
0xd: {  	[smem:$0x3FB2] =	sst s5  }
0xe: {  	[smem:$0x3FB3] =	sst s6  }
0xf: {  	[smem:$0x3FB4] =	sst s7  }
0x10: {  	[smem:$0x3FB5] =	sst s8  }
0x11: {  	[smem:$0x3FB6] =	sst s9;
	s0 =	simm.s32 @!p0 $0x0  }
0x12: {  	s1 =	sld [smem:$0x3F9C];
	s0 =	simm.s32 @p0 $0x1  }
0x13: {  	[smem:$0x3FB7] =	sst s0;
	s0 =	simm.s32 @!p1 $0x0  }
0x14: {  	s2 =	sld [smem:$0x3F9B];
	s0 =	simm.s32 @p1 $0x1  }
0x15: {  	[smem:$0x3FB8] =	sst s0;
	s0 =	simm.s32 @!p2 $0x0  }
0x16: {  	s3 =	sld [smem:$0x3FDB];
	s0 =	simm.s32 @p2 $0x1  }
0x17: {  	s4 =	simm.s32 $0x1BF5;
	[smem:$0x3FBA] =	sst s0  }
0x18: {  	s0 =	sld [smem:$0x3F9D];
	_ =	swait.ge [sflag:s4], $0x0  }
0x19: {  	s7 =	sld [smem:$0x3F9E]  }
0x1a: {  	s8 =	sadd.s32 $0xFFFFE003, lr  }
0x1b: {  	s9 =	sadd.s32 $0xFFFFFEF7, lr;
	s5 =	simm.s32 $0xFFFFFFFF;
	p2 =	slt.u32 s8, $0xFFFFF086  }
0x1c: {  	p1 =	slt.u32 s9, $0xF7A;
	s5 =	simm.s32 @!p2 $0x0  }
0x1d: {  	s5 =	simm.s32 @p1 $0x1;
	p0 =	seq.s32 s7, s2  }
0x1e: {  	s7 =	smul.u32 @!p0 $0xF7A, s2;
	p2 =	seq.s32 @!p0 s5, $0x0  }
0x1f: {  	s9 =	smul.u32 $0xF7A, s1;
	s8 =	simm.s32 @!p0 $0x1BF5;
	p2 =	por !p2, p0  }
0x20: {  	[sflag:s8] =	ssyncset.s32 @!p0 $0xFFFFF086;
	s6 =	sadd.s32 @!p0 s3, s7;
	s7 =	simm.s32 @!p0 $0x108  }
0x21: {  	s3 =	sadd.s32 s3, s9;
	s6 =	sadd.s32 @!p0 $0x88, s6;
	s7 =	simm.s32 @p2 $0x1082  }
0x22: {  	[simem:s7], [sflag:s8] =	dma.local @!p0 [hbm:s6], $0xF7A  }
0x23: {  	s9 =	sor.u32 $0xD0000000, s2;
	s6 =	simm.s32 $0x108;
	_ =	swait.ge @!p0 [sflag:s8], $0x0  }
0x24: {  	s3 =	sadd.s32 $0x88, s3;
	s6 =	simm.s32 @!p1 $0x1082;
	[sflag:s4] =	ssyncset.s32 $0xFFFFF086  }
0x25: {  	[simem:s6], [sflag:s4] =	dma.local [hbm:s3], $0xF7A  }
0x26: {  	[smem:$0x3F9E] =	sst s1;
	(tag) =	ssettag s2;
	_ =	strace s9  }
0x27: {  	s1 =	sld [smem:$0x3FAE]  }
0x28: {  	s2 =	sld [smem:$0x3FAF]  }
0x29: {  	s4 =	sld [smem:$0x3FB1]  }
0x2a: {  	p0 =	seq.s32 s5, $0x0;
	s5 =	sld [smem:$0x3FB2]  }
0x2b: {  	s6 =	sld [smem:$0x3FB3]  }
0x2c: {  	s7 =	sld [smem:$0x3FB4]  }
0x2d: {  	s3 =	simm.s32 $0x108;
	s8 =	sld [smem:$0x3FB5]  }
0x2e: {  	s3 =	simm.s32 @!p0 $0x1082;
	s9 =	sld [smem:$0x3FB6]  }
0x2f: {  	lr =	sadd.s32 s0, s3;
	s0 =	sld [smem:$0x3FAD]  }
0x30: {  	s3 =	sld [smem:$0x3FB0]  }
0x31: {  	[smem:$0x3FB9] =	sst s10  }
0x32: {  	s10 =	sld [smem:$0x3FB7];
	_ =	sdelay $0x3  }
0x33: {  	p0 =	seq.s32 s10, $0x1;
	s10 =	sld [smem:$0x3FB9];
	_ =	sdelay $0x3  }
0x34: {  	[smem:$0x3FB9] =	sst s10  }
0x35: {  	s10 =	sld [smem:$0x3FB8];
	_ =	sdelay $0x3  }
0x36: {  	p1 =	seq.s32 s10, $0x1;
	s10 =	sld [smem:$0x3FB9];
	_ =	sdelay $0x3  }
0x37: {  	[smem:$0x3FB9] =	sst s10  }
0x38: {  	s10 =	sld [smem:$0x3FBA]  }
0x39: {  	_ = 	snop;
	(pc) =	sbr.ind lr, $3  }
0x3a: {  	_ = 	snop  }
0x3b: {  	_ = 	snop  }
0x3c: {  	p2 =	seq.s32 s10, $0x1;
	s10 =	sld [smem:$0x3FB9]  }
0x3d: {  	_ =	shalt  }
0x3e: {  	_ =	shalt  }
0x3f: {  	_ =	shalt  }
0x40: {  	_ =	shalt  }
0x41: {  	_ =	shalt  }
0x42: {  	_ =	shalt  }
0x43: {  	_ =	shalt  }
0x44: {  	_ =	shalt  }
0x45: {  	_ =	shalt  }
0x46: {  	_ =	shalt  }
0x47: {  	_ =	shalt  }
0x48: {  	_ =	shalt  }
0x49: {  	_ =	shalt  }
0x4a: {  	_ =	shalt  }
0x4b: {  	_ =	shalt  }
0x4c: {  	_ =	shalt  }
0x4d: {  	_ =	shalt  }
0x4e: {  	_ =	shalt  }
0x4f: {  	_ =	shalt  }
0x50: {  	_ =	shalt  }
0x51: {  	_ =	shalt  }
0x52: {  	_ =	shalt  }
0x53: {  	_ =	shalt  }
0x54: {  	_ =	shalt  }
0x55: {  	_ =	shalt  }
0x56: {  	_ =	shalt  }
0x57: {  	_ =	shalt  }
0x58: {  	_ =	shalt  }
0x59: {  	_ =	shalt  }
0x5a: {  	_ =	shalt  }
0x5b: {  	_ =	shalt  }
0x5c: {  	_ =	shalt  }
0x5d: {  	_ =	shalt  }
0x5e: {  	_ =	shalt  }
0x5f: {  	_ =	shalt  }
0x60: {  	_ =	shalt  }
0x61: {  	_ =	shalt  }
0x62: {  	_ =	shalt  }
0x63: {  	_ =	shalt  }
0x64: {  	_ =	shalt  }
0x65: {  	_ =	shalt  }
0x66: {  	_ =	shalt  }
0x67: {  	_ =	shalt  }
0x68: {  	_ =	shalt  }
0x69: {  	_ =	shalt  }
0x6a: {  	_ =	shalt  }
0x6b: {  	_ =	shalt  }
0x6c: {  	_ =	shalt  }
0x6d: {  	_ =	shalt  }
0x6e: {  	_ =	shalt  }
0x6f: {  	_ =	shalt  }
0x70: {  	_ =	shalt  }
0x71: {  	_ =	shalt  }
0x72: {  	_ =	shalt  }
0x73: {  	_ =	shalt  }
0x74: {  	_ =	shalt  }
0x75: {  	_ =	shalt  }
0x76: {  	_ =	shalt  }
0x77: {  	_ =	shalt  }
0x78: {  	_ =	shalt  }
0x79: {  	_ =	shalt  }
0x7a: {  	_ =	shalt  }
0x7b: {  	_ =	shalt  }
0x7c: {  	_ =	shalt  }
0x7d: {  	_ =	shalt  }
0x7e: {  	_ =	shalt  }
0x7f: {  	_ =	shalt  }
0x80: {  	_ =	shalt  }
0x81: {  	_ =	shalt  }
0x82: {  	_ =	shalt  }
0x83: {  	_ =	shalt  }
0x84: {  	_ =	shalt  }
0x85: {  	_ =	shalt  }
0x86: {  	_ =	shalt  }
0x87: {  	_ =	shalt  }
.Lfunc_end0:
.L_simem_size_0:
called_computation.2_lowered:
.L_overlay_start_0:
0x88: {  	s2 =	sld [smem:$0x3FD9]  }
0x89: {  	s3 =	sld [smem:$0x3FFE];
	_ =	sdelay $0x1  }
0x8a: {  	s1 =	srdreg.scid  }
0x8b: {  	s0 =	sand.u32 $0x1, s1  }
0x8c: {  	s14 =	sshll.u32 s0, $0xA;
	s2 =	sadd.s32 s3, s2  }
0x8d: {  	s2 =	sadd.s32 s2, s14  }
0x8e: {  	[smem:$0x3FC5] =	sst s2  }
0x8f: {  	_ = 	snop  }
0x90: {  	s2 =	sld [smem:$0x3FD0];
	_ =	sdelay $0x2  }
0x91: {  	s4 =	simm.s32 $0xA;
	s5 =	simm.s32 $0x10;
	s15 =	sld [smem:$0x3FC8]  }
0x92: {  	[smem:s5], [sflag:s4] =	dma.local [hbm:s2], $0x1  }
0x93: {  	_ =	swait.eq [sflag:s4], $0x1  }
0x94: {  	[sflag:s4] =	ssyncset.done $0x0  }
0x95: {  	s16 =	sld [smem:$0x10];
	[sflag:s4] =	ssyncadd.s32 $0xFFFFFFFF  }
0x96: {  	s17 =	sld [smem:$0x12];
	(tm) =	ssettm $0x1  }
0x97: {  	s18 =	sld [smem:$0x3FFB];
	_ =	sdelay $0x3  }
0x98: {  	_ =	strace s18  }
0x99: {  	s5 =	sld [smem:$0x3FFC];
	_ =	sdelay $0x3  }
0x9a: {  	_ =	strace s5  }
0x9b: {  	s5 =	sld [smem:$0x3FFD];
	_ =	sdelay $0x3  }
0x9c: {  	_ =	strace s5  }
0x9d: {  	_ =	strace $0x8FFFFFFF  }
0x9e: {  	s19 =	sld [smem:$0x3FDB];
	_ =	sdelay $0x1  }
0x9f: {  	s6 =	simm.s32 $_scs_section_size  }
0xa0: {  	s7 =	simm.s32 $_size__tile_overlayer_lowered;
	s8 =	simm.s32 $_tile_overlayer_lowered  }
0xa1: {  	s22 =	simm.s32 $0x1BFF;
	s21 =	sshll.u32 s8, $0x1;
	s5 =	sadd.s32 s6, s19  }
0xa2: {  	s9 =	simm.s32 $0x0;
	s20 =	sshll.u32 s7, $0x1;
	s7 =	sadd.s32 s21, s5  }
0xa3: {  	[timem:s9], [sflag:s22] =	dma.local [hbm:s7], s20  }
0xa4: {  	_ =	swait.ge [sflag:s22], s20  }
0xa5: {  	s6 =	ssub.s32 $0x0, s20;
	[sflag:s22] =	ssyncset.done $0x0  }
0xa6: {  	[sflag:s22] =	ssyncadd.s32 s6;
	_ =	sdelay $0x1  }
0xa7: {  	s23 =	simm.s32 $0x1B8B  }
0xa8: {  	_ =	swait.ge [sflag:s23], $0x1  }
0xa9: {  	[sflag:s23] =	ssyncset.done $0x0  }
0xaa: {  	s25 =	simm.s32 $0x1B8E;
	s24 =	sld [smem:$0x3FFE];
	[sflag:s23] =	ssyncadd.s32 $0xFFFFFFFF  }
0xab: {  	s26 =	simm.s32 $execute0_lowered;
	[smem:$0x3FD2] =	sst s25  }
0xac: {  	s7 =	sshll.u32 s26, $0x1;
	_ =	strace $0x8000004C;
	[dreg:$0x1] =	wrdreg $0xFFFFFFFF  }
0xad: {  	s28 =	simm.s32 $_size_execute0_lowered;
	s5 =	sadd.s32 s5, s7;
	[dreg:$0x0] =	wrdreg $0x0  }
0xae: {  	s7 =	sshll.u32 s28, $0x1;
	[dreg:$0x2] =	wrdreg s5  }
0xaf: {  	[dreg:$0x3] =	wrdreg s7  }
0xb0: {  	[dreg:$0x4] =	wrdreg $0xC0  }
0xb1: {  	_ =	task [dreg:s9], $0x5FFFF  }
0xb2: {  	[dreg:$0x1] =	wrdreg $0xFFFFFFFF  }
0xb3: {  	[dreg:$0x0] =	wrdreg $0x60  }
0xb4: {  	[dreg:$0x2] =	wrdreg s24  }
0xb5: {  	[dreg:$0x3] =	wrdreg s15  }
0xb6: {  	[dreg:$0x4] =	wrdreg s16  }
0xb7: {  	[dreg:$0x5] =	wrdreg s17  }
0xb8: {  	[dreg:$0x6] =	wrdreg $0x9  }
0xb9: {  	_ =	task.clear_ibuf [dreg:s9], $0x7FFFF;
	_ =	strace $0x9000004C  }
0xba: {  	s29 =	simm.s32 $0x9;
	_ =	strace $0x8000004E  }
0xbb: {  	_ =	swait.ge [sflag:s29], $0x1  }
0xbc: {  	[sflag:s29] =	ssyncadd.s32 $0xFFFFFFFF  }
0xbd: {  	_ =	strace $0x9000004E  }
0xbe: {  	_ =	sfence  }
0xbf: {  	s30 =	sld [smem:$0x0];
	_ =	sdelay $0x2  }
0xc0: {  	s31 =	sshll.u32 s1, $0xD;
	s1 =	sshrl.u32 s1, $0x2  }
0xc1: {  	s3 =	sand.u32 $0x4000, s31;
	s1 =	sadd.s32 s1, s30  }
0xc2: {  	s0 =	sor.u32 s3, s0;
	s1 =	sshll.u32 s1, $0x11  }
0xc3: {  	s0 =	sor.u32 s1, s0  }
0xc4: {  	s0 =	sadd.s32 $0x8F2B, s0  }
0xc5: {  	[sflag:s0] =	ssyncadd.remote.s32 $0x1  }
0xc6: {  	_ =	sfence.sel $0xFFFF  }
0xc7: {  	[dreg:$0x0] =	wrdreg $0xFFFFFFFF;
	(pc) =	sbr.abs _section_cstart, $3  }
0xc8: {  	[dreg:$0x1] =	wrdreg $0xFFFFFFFF  }
0xc9: {  	_ =	task.clear_ibuf [dreg:s9], $0x2FFFF;
	_ =	strace $0x9FFFFFFF  }
0xca: {  	(tm) =	ssettm $0x7FFFFFFF  }
0xcb: {  	_ =	shalt  }
tec
execute0_lowered:
.L_overlay_start_1:
0x0: {  	(tag) =	ssettag $0x1  }
0x1: {  	s5 =	rddreg [dreg:$0x0]  }
0x2: {  	s1 =	rddreg [dreg:$0x1]  }
0x3: {  	s2 =	srdreg.scid;
	s9 =	rddreg [dreg:$0x2]  }
0x4: {  	s0 =	stileid.u32;
	s3 =	rddreg [dreg:$0x3]  }
0x5: {  	s4 =	simm.s32 $0x0;
	s14 =	simm.s32 $0x80;
	s15 =	simm.s32 $0x400  }
0x6: {  	s16 =	simm.s32 $0x3980;
	s17 =	simm.s32 $0x1C180;
	s18 =	simm.s32 $0x1C580  }
0x7: {  	s19 =	simm.s32 $0x0;
	s8 =	sand.u32 $0x1, s2;
	s26 =	sshll.u32 s0, $0x1  }
0x8: {  	s2 =	rddreg [dreg:$0x4];
	s12 =	sshrl.u32 s0, $0x2;
	s13 =	smul.u32 $0x1880, s0  }
0x9: {  	[smem:$0x7FF] =	sst s4;
	p1 =	seq.s32 s0, $0x0;
	s28 =	smul.u32 $0x10400, s12  }
0xa: {  	s6 =	sor.u32 s8, s26;
	_ =	strace $0x8000004D;
	s30 =	smul.u32 $0xC40, s8  }
0xb: {  	s10 =	ssub.s32 $0x2, s8;
	p0 =	seq.s32 s8, $0x1;
	s7 =	smul.u32 $0xC40, s6  }
0xc: {  	s11 =	sshrl.u32 s10, $0x1;
	s29 =	sshll.u32 s6, $0x7;
	p0 =	por !p1, !p0  }
0xd: {  	s10 =	ssub.s32 s10, s11;
	s12 =	sand.u32 $0x380, s29;
	s31 =	sadd.s32 s30, s13  }
.Ltmp0:
0xe: {  	p0 =	por !p0, !p0;
	s13 =	simm.s32 $0x2D00;
	(pc) =	sbr.rel .LBB2_1-.Ltmp0, $4  }
0xf: {  	s7 =	sshrl.u32 s7, $0x3;
	s11 =	sor.u32 s28, s12;
	s12 =	simm.s32 $0x1  }
0x10: {  	s7 =	sadd.s32 s7, s5;
	s5 =	sadd.s32 $0xA400, s5;
	s11 =	sshrl.u32 s11, $0x3  }
0x11: {  	s6 =	sadd.s32 $0x4000, s7;
	s7 =	sadd.s32 $0x7200, s7;
	s8 =	sadd.s32 s9, s11  }
0x12: {  	v0 =	vimm.s32 $0x0;
	v1 =	vlaneseq.u32;
	s9 =	smax.u32 s10, $0x1;
	s10 =	sor.u32 $0x1, s31;
	s11 =	simm.s32 $0x2080  }
.LBB2_8:
0x13: {  	v3 =	vld [tilespmem:s21+$0x1C180];
	_ =	sdelay $0x6  }
0x14: {  	[tilespmem:s20+$0x1C580] =	vst v2  }
0x15: {  	v2 =	vld.idx.msk [tilespmem:v3+s16+$0x0], $0xffff;
	_ =	sdelay $0x4  }
0x16: {  	[tilespmem:s21+$0x1C580] =	vst v2  }
0x17: {  	[hbm4b:s3+s4] =	stream.linear.scatter [tilespmem:s18], [sflag:$0x1], $0x400, $0x38;
	[tilespmem:$0x1C980] =	vst v63  }
0x18: {  	_ =	swait.ge [sflag:s12], $0x400  }
0x19: {  	[sflag:s12] =	ssyncset.done $0x0  }
0x1a: {  	[sflag:s12] =	ssyncadd.s32 $0xFFFFFC00  }
.LBB2_9:
0x1b: {  	s19 =	sadd.s32 $0x1, s19  }
0x1c: {  	p1 =	sne.s32 s19, s9  }
.Ltmp1:
0x1d: {  	_ = 	snop;
	(pc) =	sbr.rel @!p1 .LBB2_10-.Ltmp1, $1  }
0x1e: {  	_ =	sdelay $0x3  }
.LBB2_1:
0x1f: {  	s20 =	simm.s32 $0x40;
	s21 =	simm.s32 $0x0  }
.LBB2_2:
0x20: {  	p1 =	sne.s32 s20, $0x81C0;
	[tilespmem:s21+$0x0] =	vst v0;
	s21 =	smov.u32 s20;
	s20 =	sadd.s32 $0x40, s20  }
.Ltmp2:
0x21: {  	(pc) =	sbr.rel @p1 .LBB2_2-.Ltmp2, $2  }
0x22: {  	_ =	sdelay $0x2  }
0x23: {  	s21 =	sshra.s32 s21, $0x2  }
0x24: {  	[tilespmem:s21+$0x0] =	vst v0;
	s20 =	simm.s32 $0x0  }
0x25: {  	[tilespmem:s11], [sflag:$0x1] =	stream.linear.gather [hbm4b:s6+s20], $0xC40, $0x38;
	[tilespmem:$0x1C980] =	vst v63  }
0x26: {  	_ =	swait.ge [sflag:s12], $0xC40  }
0x27: {  	[sflag:s12] =	ssyncset.done $0x0  }
0x28: {  	[sflag:s12] =	ssyncadd.s32 $0xFFFFF3C0  }
0x29: {  	[tilespmem:s13], [sflag:$0x1] =	stream.linear.gather [hbm4b:s7+s20], $0xC40, $0x38;
	[tilespmem:$0x1C980] =	vst v63  }
0x2a: {  	_ =	swait.ge [sflag:s12], $0xC40  }
0x2b: {  	[sflag:s12] =	ssyncset.done $0x0  }
0x2c: {  	s31 =	simm.s32 $0x0;
	[sflag:s12] =	ssyncadd.s32 $0xFFFFF3C0  }
0x2d: {  	v2 =	vld [tilespmem:s31+$0x2D00]  }
0x2e: {  	v3 =	vld [tilespmem:s31+$0x2080];
	_ =	sdelay $0x4  }
0x2f: {  	vm0 =	vlt.s32 v3, $0x2000;
	vm1 =	vgt.s32 v2, $0x0  }
0x30: {  	v2 =	vnsel vm0, $0x2000, v3;
	_ =	sdelay $0x3  }
0x31: {  	v3 =	vadd.s32 s10, v1  }
0x32: {  	s22 =	simm.s32 $0x10;
	[tilespmem:v2+s4+$0x0] =	vst.idx.msk vm1, v3  }
0x33: {  	s21 =	simm.s32 $0x80;
	s20 =	smov.u32 s10;
	v2 =	vld [tilespmem:s22+$0x2D00]  }
.LBB2_4:
0x34: {  	p1 =	sne.s32 s21, $0x30C0;
	v3 =	vld [tilespmem:s22+$0x2080];
	_ =	sdelay $0x4  }
0x35: {  	vm1 =	vgt.s32 v2, $0x0;
	vm0 =	vlt.s32 v3, $0x2000  }
0x36: {  	v2 =	vnsel vm0, $0x2000, v3;
	_ =	sdelay $0x1  }
.Ltmp3:
0x37: {  	(pc) =	sbr.rel @p1 .LBB2_4-.Ltmp3, $4  }
0x38: {  	s20 =	sadd.s32 $0x10, s20  }
0x39: {  	v3 =	vadd.s32 s20, v1  }
0x3a: {  	s22 =	sshra.s32 s21, $0x2;
	[tilespmem:v2+s4+$0x0] =	vst.idx.msk vm1, v3  }
0x3b: {  	s21 =	sadd.s32 $0x40, s21;
	v2 =	vld [tilespmem:s22+$0x2D00]  }
0x3c: {  	v3 =	vld [tilespmem:s22+$0x2080];
	_ =	sdelay $0x4  }
0x3d: {  	vm1 =	vgt.s32 v2, $0x0;
	vm0 =	vlt.s32 v3, $0x2000  }
0x3e: {  	v2 =	vnsel vm0, $0x2000, v3;
	_ =	sdelay $0x2  }
0x3f: {  	s20 =	sadd.s32 $0x10, s20  }
0x40: {  	v3 =	vadd.s32 s20, v1  }
.Ltmp4:
0x41: {  	[tilespmem:v2+s4+$0x0] =	vst.idx.msk vm1, v3;
	(pc) =	sbr.rel @!p0 .LBB2_9-.Ltmp4, $4  }
0x42: {  	[hbm4b:s8+s14] =	stream.strided.scatter [tilespmem:s4], [sflag:$0x1], $0x2080, s15, s14, $0x38;
	[tilespmem:$0x1C980] =	vst v63  }
0x43: {  	_ =	swait.ge [sflag:s12], $0x2080  }
0x44: {  	[sflag:s12] =	ssyncset.done $0x0  }
0x45: {  	[sflag:s12] =	ssyncadd.s32 $0xFFFFDF80  }
0x46: {  	s20 =	simm.s32 $0x0  }
0x47: {  	[tilespmem:s16], [sflag:$0x1] =	stream.linear.gather [hbm4b:s5+s20], $0x18800, $0x38;
	[tilespmem:$0x1C980] =	vst v63  }
0x48: {  	_ =	swait.ge [sflag:s12], $0x18800  }
0x49: {  	[sflag:s12] =	ssyncset.done $0x0  }
0x4a: {  	[sflag:s12] =	ssyncadd.s32 $0xFFFE7800  }
0x4b: {  	[tilespmem:s17], [sflag:$0x1] =	stream.linear.gather [hbm4b:s1+s20], $0x400, $0x38;
	[tilespmem:$0x1C980] =	vst v63  }
0x4c: {  	_ =	swait.ge [sflag:s12], $0x400  }
0x4d: {  	[sflag:s12] =	ssyncset.done $0x0  }
0x4e: {  	s20 =	simm.s32 $0x0;
	[sflag:s12] =	ssyncadd.s32 $0xFFFFFC00  }
0x4f: {  	v2 =	vld [tilespmem:s20+$0x1C180];
	_ =	sdelay $0x7  }
0x50: {  	s21 =	simm.s32 $0x10;
	s22 =	simm.s32 $0x80;
	v2 =	vld.idx.msk [tilespmem:v2+s16+$0x0], $0xffff  }
.LBB2_7:
0x51: {  	p1 =	sne.s32 s22, $0xFC0;
	v3 =	vld [tilespmem:s21+$0x1C180];
	_ =	sdelay $0x3  }
.Ltmp5:
0x52: {  	(pc) =	sbr.rel @p1 .LBB2_7-.Ltmp5, $2  }
0x53: {  	[tilespmem:s20+$0x1C580] =	vst v2;
	s20 =	smov.u32 s21;
	_ =	sdelay $0x2  }
0x54: {  	s21 =	sshra.s32 s22, $0x2;
	s22 =	sadd.s32 $0x40, s22;
	v2 =	vld.idx.msk [tilespmem:v3+s16+$0x0], $0xffff  }
.Ltmp6:
0x55: {  	_ = 	snop;
	(pc) =	sbr.rel .LBB2_8-.Ltmp6, $1  }
0x56: {  	_ =	sdelay $0x3  }
.LBB2_10:
0x57: {  	_ =	sfence.sel $0x180000  }
0x58: {  	[bflag:$0x0] =	sbarrier.arrive $0xFFFF  }
0x59: {  	p0 =	sne.s32 s0, $0x0;
	_ =	strace $0x9000004D  }
0x5a: {  	s0 =	sadd.s32 @!p0 $0x100000, s2;
	[bflag:$0x2] =	sbarrier.arrive $0xFFFF  }
0x5b: {  	[sflag:s0] =	ssyncadd.tile.s32 @!p0 $0x1;
	_ =	shalt  }
.Lfunc_end2:
_tile_overlayer_lowered:
.L_overlay_start_2:
0x5c: {  	(tag) =	ssettag $0x2  }
0x5d: {  	s0 =	rddreg [dreg:$0x0];
	s2 =	stileid.u32  }
0x5e: {  	s1 =	rddreg [dreg:$0x1];
	p0 =	sne.s32 s2, $0x0  }
0x5f: {  	s3 =	rddreg [dreg:$0x2];
	[bflag:$0x3] =	sbarrier.arrive $0xFFFF;
	s2 =	simm.s32 @!p0 $0x1C01  }
0x60: {  	[timem:s3], [sflag:s2] =	dma.local @!p0 [hbm:s0], s1  }
0x61: {  	s0 =	simm.s32 @!p0 $0x1  }
0x62: {  	_ =	swait.ge @!p0 [sflag:s0], s1  }
0x63: {  	s1 =	ssub.s32 @!p0 $0x0, s1;
	[sflag:s0] =	ssyncset.done @!p0 $0x0  }
0x64: {  	[sflag:s0] =	ssyncadd.s32 @!p0 s1  }
0x65: {  	[bflag:$0x3] =	sbarrier.arrive $0xFFFF  }
0x66: {  	_ =	shalt  }

// kernel: kernel.20.cloned.1.call-start
scs
__scs_entry_jumppad:
0x0: {  	(pc) =	sbr.rel $0x88, $3  }
0x1: {  	(tag) =	ssettag $0x0;
	lr =	simm.s32 $0x1  }
0x2: {  	[smem:$0x3F9E] =	sst lr;
	_ =	strace $0xD0000000  }
0x3: {  	_ = 	snop  }
0x4: {  	_ = 	snop  }
0x5: {  	_ = 	snop  }
0x6: {  	_ = 	snop  }
0x7: {  	_ = 	snop  }
__scs_overlays_trampoline_lowered:
0x8: {  	[smem:$0x3FAD] =	sst s0  }
0x9: {  	[smem:$0x3FAE] =	sst s1  }
0xa: {  	[smem:$0x3FAF] =	sst s2  }
0xb: {  	[smem:$0x3FB0] =	sst s3  }
0xc: {  	[smem:$0x3FB1] =	sst s4  }
0xd: {  	[smem:$0x3FB2] =	sst s5  }
0xe: {  	[smem:$0x3FB3] =	sst s6  }
0xf: {  	[smem:$0x3FB4] =	sst s7  }
0x10: {  	[smem:$0x3FB5] =	sst s8  }
0x11: {  	[smem:$0x3FB6] =	sst s9;
	s0 =	simm.s32 @!p0 $0x0  }
0x12: {  	s1 =	sld [smem:$0x3F9C];
	s0 =	simm.s32 @p0 $0x1  }
0x13: {  	[smem:$0x3FB7] =	sst s0;
	s0 =	simm.s32 @!p1 $0x0  }
0x14: {  	s2 =	sld [smem:$0x3F9B];
	s0 =	simm.s32 @p1 $0x1  }
0x15: {  	[smem:$0x3FB8] =	sst s0;
	s0 =	simm.s32 @!p2 $0x0  }
0x16: {  	s3 =	sld [smem:$0x3FDB];
	s0 =	simm.s32 @p2 $0x1  }
0x17: {  	s4 =	simm.s32 $0x1BF5;
	[smem:$0x3FBA] =	sst s0  }
0x18: {  	s0 =	sld [smem:$0x3F9D];
	_ =	swait.ge [sflag:s4], $0x0  }
0x19: {  	s7 =	sld [smem:$0x3F9E]  }
0x1a: {  	s8 =	sadd.s32 $0xFFFFE003, lr  }
0x1b: {  	s9 =	sadd.s32 $0xFFFFFEF7, lr;
	s5 =	simm.s32 $0xFFFFFFFF;
	p2 =	slt.u32 s8, $0xFFFFF086  }
0x1c: {  	p1 =	slt.u32 s9, $0xF7A;
	s5 =	simm.s32 @!p2 $0x0  }
0x1d: {  	s5 =	simm.s32 @p1 $0x1;
	p0 =	seq.s32 s7, s2  }
0x1e: {  	s7 =	smul.u32 @!p0 $0xF7A, s2;
	p2 =	seq.s32 @!p0 s5, $0x0  }
0x1f: {  	s9 =	smul.u32 $0xF7A, s1;
	s8 =	simm.s32 @!p0 $0x1BF5;
	p2 =	por !p2, p0  }
0x20: {  	[sflag:s8] =	ssyncset.s32 @!p0 $0xFFFFF086;
	s6 =	sadd.s32 @!p0 s3, s7;
	s7 =	simm.s32 @!p0 $0x108  }
0x21: {  	s3 =	sadd.s32 s3, s9;
	s6 =	sadd.s32 @!p0 $0x88, s6;
	s7 =	simm.s32 @p2 $0x1082  }
0x22: {  	[simem:s7], [sflag:s8] =	dma.local @!p0 [hbm:s6], $0xF7A  }
0x23: {  	s9 =	sor.u32 $0xD0000000, s2;
	s6 =	simm.s32 $0x108;
	_ =	swait.ge @!p0 [sflag:s8], $0x0  }
0x24: {  	s3 =	sadd.s32 $0x88, s3;
	s6 =	simm.s32 @!p1 $0x1082;
	[sflag:s4] =	ssyncset.s32 $0xFFFFF086  }
0x25: {  	[simem:s6], [sflag:s4] =	dma.local [hbm:s3], $0xF7A  }
0x26: {  	[smem:$0x3F9E] =	sst s1;
	(tag) =	ssettag s2;
	_ =	strace s9  }
0x27: {  	s1 =	sld [smem:$0x3FAE]  }
0x28: {  	s2 =	sld [smem:$0x3FAF]  }
0x29: {  	s4 =	sld [smem:$0x3FB1]  }
0x2a: {  	p0 =	seq.s32 s5, $0x0;
	s5 =	sld [smem:$0x3FB2]  }
0x2b: {  	s6 =	sld [smem:$0x3FB3]  }
0x2c: {  	s7 =	sld [smem:$0x3FB4]  }
0x2d: {  	s3 =	simm.s32 $0x108;
	s8 =	sld [smem:$0x3FB5]  }
0x2e: {  	s3 =	simm.s32 @!p0 $0x1082;
	s9 =	sld [smem:$0x3FB6]  }
0x2f: {  	lr =	sadd.s32 s0, s3;
	s0 =	sld [smem:$0x3FAD]  }
0x30: {  	s3 =	sld [smem:$0x3FB0]  }
0x31: {  	[smem:$0x3FB9] =	sst s10  }
0x32: {  	s10 =	sld [smem:$0x3FB7];
	_ =	sdelay $0x3  }
0x33: {  	p0 =	seq.s32 s10, $0x1;
	s10 =	sld [smem:$0x3FB9];
	_ =	sdelay $0x3  }
0x34: {  	[smem:$0x3FB9] =	sst s10  }
0x35: {  	s10 =	sld [smem:$0x3FB8];
	_ =	sdelay $0x3  }
0x36: {  	p1 =	seq.s32 s10, $0x1;
	s10 =	sld [smem:$0x3FB9];
	_ =	sdelay $0x3  }
0x37: {  	[smem:$0x3FB9] =	sst s10  }
0x38: {  	s10 =	sld [smem:$0x3FBA]  }
0x39: {  	_ = 	snop;
	(pc) =	sbr.ind lr, $3  }
0x3a: {  	_ = 	snop  }
0x3b: {  	_ = 	snop  }
0x3c: {  	p2 =	seq.s32 s10, $0x1;
	s10 =	sld [smem:$0x3FB9]  }
0x3d: {  	_ =	shalt  }
0x3e: {  	_ =	shalt  }
0x3f: {  	_ =	shalt  }
0x40: {  	_ =	shalt  }
0x41: {  	_ =	shalt  }
0x42: {  	_ =	shalt  }
0x43: {  	_ =	shalt  }
0x44: {  	_ =	shalt  }
0x45: {  	_ =	shalt  }
0x46: {  	_ =	shalt  }
0x47: {  	_ =	shalt  }
0x48: {  	_ =	shalt  }
0x49: {  	_ =	shalt  }
0x4a: {  	_ =	shalt  }
0x4b: {  	_ =	shalt  }
0x4c: {  	_ =	shalt  }
0x4d: {  	_ =	shalt  }
0x4e: {  	_ =	shalt  }
0x4f: {  	_ =	shalt  }
0x50: {  	_ =	shalt  }
0x51: {  	_ =	shalt  }
0x52: {  	_ =	shalt  }
0x53: {  	_ =	shalt  }
0x54: {  	_ =	shalt  }
0x55: {  	_ =	shalt  }
0x56: {  	_ =	shalt  }
0x57: {  	_ =	shalt  }
0x58: {  	_ =	shalt  }
0x59: {  	_ =	shalt  }
0x5a: {  	_ =	shalt  }
0x5b: {  	_ =	shalt  }
0x5c: {  	_ =	shalt  }
0x5d: {  	_ =	shalt  }
0x5e: {  	_ =	shalt  }
0x5f: {  	_ =	shalt  }
0x60: {  	_ =	shalt  }
0x61: {  	_ =	shalt  }
0x62: {  	_ =	shalt  }
0x63: {  	_ =	shalt  }
0x64: {  	_ =	shalt  }
0x65: {  	_ =	shalt  }
0x66: {  	_ =	shalt  }
0x67: {  	_ =	shalt  }
0x68: {  	_ =	shalt  }
0x69: {  	_ =	shalt  }
0x6a: {  	_ =	shalt  }
0x6b: {  	_ =	shalt  }
0x6c: {  	_ =	shalt  }
0x6d: {  	_ =	shalt  }
0x6e: {  	_ =	shalt  }
0x6f: {  	_ =	shalt  }
0x70: {  	_ =	shalt  }
0x71: {  	_ =	shalt  }
0x72: {  	_ =	shalt  }
0x73: {  	_ =	shalt  }
0x74: {  	_ =	shalt  }
0x75: {  	_ =	shalt  }
0x76: {  	_ =	shalt  }
0x77: {  	_ =	shalt  }
0x78: {  	_ =	shalt  }
0x79: {  	_ =	shalt  }
0x7a: {  	_ =	shalt  }
0x7b: {  	_ =	shalt  }
0x7c: {  	_ =	shalt  }
0x7d: {  	_ =	shalt  }
0x7e: {  	_ =	shalt  }
0x7f: {  	_ =	shalt  }
0x80: {  	_ =	shalt  }
0x81: {  	_ =	shalt  }
0x82: {  	_ =	shalt  }
0x83: {  	_ =	shalt  }
0x84: {  	_ =	shalt  }
0x85: {  	_ =	shalt  }
0x86: {  	_ =	shalt  }
0x87: {  	_ =	shalt  }
.Lfunc_end0:
.L_simem_size_0:
called_computation.3_lowered:
.L_overlay_start_0:
0x88: {  	s2 =	sld [smem:$0x3FD9]  }
0x89: {  	s3 =	sld [smem:$0x3FFE];
	_ =	sdelay $0x1  }
0x8a: {  	s1 =	srdreg.scid  }
0x8b: {  	s0 =	sand.u32 $0x1, s1  }
0x8c: {  	s15 =	sshll.u32 s0, $0xA;
	s2 =	sadd.s32 s3, s2  }
0x8d: {  	s2 =	sadd.s32 s2, s15  }
0x8e: {  	[smem:$0x3FC5] =	sst s2  }
0x8f: {  	_ = 	snop  }
0x90: {  	s2 =	sld [smem:$0x3FD0];
	_ =	sdelay $0x2  }
0x91: {  	s4 =	simm.s32 $0xA;
	s5 =	simm.s32 $0x10;
	s16 =	sld [smem:$0x3FC7]  }
0x92: {  	[smem:s5], [sflag:s4] =	dma.local [hbm:s2], $0x1  }
0x93: {  	_ =	swait.eq [sflag:s4], $0x1  }
0x94: {  	[sflag:s4] =	ssyncset.done $0x0  }
0x95: {  	s17 =	sld [smem:$0x10];
	[sflag:s4] =	ssyncadd.s32 $0xFFFFFFFF  }
0x96: {  	s18 =	sld [smem:$0x11];
	(tm) =	ssettm $0x1  }
0x97: {  	s19 =	sld [smem:$0x3FFB];
	_ =	sdelay $0x3  }
0x98: {  	_ =	strace s19  }
0x99: {  	s5 =	sld [smem:$0x3FFC];
	_ =	sdelay $0x3  }
0x9a: {  	_ =	strace s5  }
0x9b: {  	s5 =	sld [smem:$0x3FFD];
	_ =	sdelay $0x3  }
0x9c: {  	_ =	strace s5  }
0x9d: {  	_ =	strace $0x8FFFFFFF  }
0x9e: {  	s20 =	sld [smem:$0x3FDB];
	_ =	sdelay $0x1  }
0x9f: {  	s6 =	simm.s32 $_scs_section_size  }
0xa0: {  	s7 =	simm.s32 $_size__tile_overlayer_lowered;
	s8 =	simm.s32 $_tile_overlayer_lowered  }
0xa1: {  	s23 =	simm.s32 $0x1BFF;
	s22 =	sshll.u32 s8, $0x1;
	s5 =	sadd.s32 s6, s20  }
0xa2: {  	s9 =	simm.s32 $0x0;
	s21 =	sshll.u32 s7, $0x1;
	s7 =	sadd.s32 s22, s5  }
0xa3: {  	[timem:s9], [sflag:s23] =	dma.local [hbm:s7], s21  }
0xa4: {  	_ =	swait.ge [sflag:s23], s21  }
0xa5: {  	s6 =	ssub.s32 $0x0, s21;
	[sflag:s23] =	ssyncset.done $0x0  }
0xa6: {  	[sflag:s23] =	ssyncadd.s32 s6;
	_ =	sdelay $0x1  }
0xa7: {  	s24 =	simm.s32 $0x1B8B  }
0xa8: {  	_ =	swait.ge [sflag:s24], $0x1  }
0xa9: {  	[sflag:s24] =	ssyncset.done $0x0  }
0xaa: {  	s25 =	simm.s32 $0x1B8E;
	[sflag:s24] =	ssyncadd.s32 $0xFFFFFFFF  }
0xab: {  	s26 =	simm.s32 $execute0_lowered;
	[smem:$0x3FD2] =	sst s25  }
0xac: {  	s6 =	sshll.u32 s26, $0x1;
	_ =	strace $0x8000004F;
	[dreg:$0x1] =	wrdreg $0xFFFFFFFF  }
0xad: {  	s28 =	simm.s32 $_size_execute0_lowered;
	s5 =	sadd.s32 s5, s6;
	[dreg:$0x0] =	wrdreg $0x0  }
0xae: {  	s6 =	sshll.u32 s28, $0x1;
	[dreg:$0x2] =	wrdreg s5  }
0xaf: {  	[dreg:$0x3] =	wrdreg s6  }
0xb0: {  	[dreg:$0x4] =	wrdreg $0xC0  }
0xb1: {  	_ =	task [dreg:s9], $0x5FFFF  }
0xb2: {  	[dreg:$0x1] =	wrdreg $0xFFFFFFFF  }
0xb3: {  	[dreg:$0x0] =	wrdreg $0x60  }
0xb4: {  	[dreg:$0x2] =	wrdreg s18  }
0xb5: {  	[dreg:$0x3] =	wrdreg s16  }
0xb6: {  	[dreg:$0x4] =	wrdreg s17  }
0xb7: {  	[dreg:$0x5] =	wrdreg $0x9  }
0xb8: {  	_ =	task.clear_ibuf [dreg:s9], $0x6FFFF;
	_ =	strace $0x9000004F  }
0xb9: {  	s29 =	simm.s32 $0x9;
	_ =	strace $0x80000051  }
0xba: {  	_ =	swait.ge [sflag:s29], $0x1  }
0xbb: {  	[sflag:s29] =	ssyncadd.s32 $0xFFFFFFFF  }
0xbc: {  	_ =	strace $0x90000051  }
0xbd: {  	_ =	sfence  }
0xbe: {  	s30 =	sld [smem:$0x0];
	_ =	sdelay $0x2  }
0xbf: {  	s31 =	sshll.u32 s1, $0xD;
	s1 =	sshrl.u32 s1, $0x2  }
0xc0: {  	s3 =	sand.u32 $0x4000, s31;
	s1 =	sadd.s32 s1, s30  }
0xc1: {  	s0 =	sor.u32 s3, s0;
	s1 =	sshll.u32 s1, $0x11  }
0xc2: {  	s0 =	sor.u32 s1, s0  }
0xc3: {  	s0 =	sadd.s32 $0x8F2B, s0  }
0xc4: {  	[sflag:s0] =	ssyncadd.remote.s32 $0x1  }
0xc5: {  	_ =	sfence.sel $0xFFFF  }
0xc6: {  	[dreg:$0x0] =	wrdreg $0xFFFFFFFF;
	(pc) =	sbr.abs _section_cstart, $3  }
0xc7: {  	[dreg:$0x1] =	wrdreg $0xFFFFFFFF  }
0xc8: {  	_ =	task.clear_ibuf [dreg:s9], $0x2FFFF;
	_ =	strace $0x9FFFFFFF  }
0xc9: {  	(tm) =	ssettm $0x7FFFFFFF  }
tec
execute0_lowered:
.L_overlay_start_1:
0x0: {  	(tag) =	ssettag $0x1  }
0x1: {  	s4 =	rddreg [dreg:$0x0]  }
0x2: {  	s1 =	srdreg.scid;
	s2 =	rddreg [dreg:$0x1]  }
0x3: {  	s0 =	stileid.u32;
	s8 =	rddreg [dreg:$0x2];
	s6 =	sand.u32 $0x1, s1  }
0x4: {  	s3 =	simm.s32 $0x0;
	s5 =	sshll.u32 s0, $0x9;
	s7 =	sshll.u32 s6, $0x8  }
0x5: {  	[smem:$0x7FF] =	sst s3;
	s9 =	sor.u32 s7, s5  }
0x6: {  	s1 =	rddreg [dreg:$0x3];
	_ =	strace $0x80000050;
	s5 =	sshrl.u32 s9, $0x3  }
0x7: {  	s10 =	ssub.s32 $0x2, s6;
	s5 =	sadd.s32 s4, s5;
	s4 =	simm.s32 $0x2  }
0x8: {  	[tilespmem:s3], [sflag:$0x2] =	stream.linear.gather [hbm4b:s5+s3], $0x100, $0x38;
	[tilespmem:$0x8100] =	vst v63  }
0x9: {  	s11 =	sshrl.u32 s10, $0x1;
	_ =	swait.ge [sflag:s4], $0x100  }
0xa: {  	s6 =	simm.s32 $0x100;
	s10 =	ssub.s32 s10, s11;
	[sflag:s4] =	ssyncset.done $0x0  }
0xb: {  	s7 =	simm.s32 $0x1;
	s31 =	smax.u32 s10, $0x1;
	[sflag:s4] =	ssyncadd.s32 $0xFFFFFF00  }
0xc: {  	[tilespmem:s6], [sflag:$0x1] =	stream.indirect.gather [hbm4b:s2+s6], $0x80, s3, s6, $0xb8;
	[tilespmem:$0x8100] =	vst v63  }
0xd: {  	p0 =	sne.s32 s31, $0x1;
	_ =	swait.ge [sflag:s7], $0x8000  }
.Ltmp0:
0xe: {  	s9 =	sshll.u32 s9, $0x4;
	[sflag:s7] =	ssyncset.done $0x0;
	(pc) =	sbr.rel @!p0 .LBB2_2-.Ltmp0, $4  }
0xf: {  	s8 =	sadd.s32 s8, s9;
	[sflag:s7] =	ssyncadd.s32 $0xFFFF8000  }
0x10: {  	[hbm4b:s8+s3] =	stream.linear.scatter [tilespmem:s6], [sflag:$0x2], $0x8000, $0x38;
	[tilespmem:$0x8100] =	vst v63  }
0x11: {  	_ =	swait.ge [sflag:s4], $0x8000  }
0x12: {  	s9 =	sadd.s32 $0xFFFFFFFF, s31;
	[sflag:s4] =	ssyncset.done $0x0  }
.LBB2_1:
0x13: {  	p0 =	sne.s32 s9, $0x1;
	s9 =	sadd.s32 $0xFFFFFFFF, s9;
	[sflag:s4] =	ssyncadd.s32 $0xFFFF8000  }
0x14: {  	[tilespmem:s3], [sflag:$0x2] =	stream.linear.gather [hbm4b:s5+s3], $0x100, $0x38;
	[tilespmem:$0x8100] =	vst v63  }
0x15: {  	_ =	swait.ge [sflag:s4], $0x100  }
0x16: {  	[sflag:s4] =	ssyncset.done $0x0  }
0x17: {  	[sflag:s4] =	ssyncadd.s32 $0xFFFFFF00  }
0x18: {  	[tilespmem:s6], [sflag:$0x1] =	stream.indirect.gather [hbm4b:s2+s6], $0x80, s3, s6, $0xb8;
	[tilespmem:$0x8100] =	vst v63  }
0x19: {  	_ =	swait.ge [sflag:s7], $0x8000  }
.Ltmp1:
0x1a: {  	[sflag:s7] =	ssyncset.done $0x0;
	(pc) =	sbr.rel @p0 .LBB2_1-.Ltmp1, $4  }
0x1b: {  	[sflag:s7] =	ssyncadd.s32 $0xFFFF8000  }
0x1c: {  	[hbm4b:s8+s3] =	stream.linear.scatter [tilespmem:s6], [sflag:$0x2], $0x8000, $0x38;
	[tilespmem:$0x8100] =	vst v63  }
0x1d: {  	_ =	swait.ge [sflag:s4], $0x8000  }
0x1e: {  	[sflag:s4] =	ssyncset.done $0x0  }
.LBB2_2:
0x1f: {  	[sflag:s4] =	ssyncadd.s32 $0xFFFF8000  }
0x20: {  	_ =	sfence.sel $0x180000  }
0x21: {  	[bflag:$0x0] =	sbarrier.arrive $0xFFFF  }
0x22: {  	p0 =	sne.s32 s0, $0x0;
	_ =	strace $0x90000050  }
0x23: {  	s0 =	sadd.s32 @!p0 $0x100000, s1;
	[bflag:$0x2] =	sbarrier.arrive $0xFFFF  }
0x24: {  	[sflag:s0] =	ssyncadd.tile.s32 @!p0 $0x1;
	_ =	shalt  }
.Lfunc_end2:
_tile_overlayer_lowered:
.L_overlay_start_2:
0x25: {  	(tag) =	ssettag $0x2  }
0x26: {  	s0 =	rddreg [dreg:$0x0];
	s2 =	stileid.u32  }
0x27: {  	s1 =	rddreg [dreg:$0x1];
	p0 =	sne.s32 s2, $0x0  }
0x28: {  	s3 =	rddreg [dreg:$0x2];
	[bflag:$0x3] =	sbarrier.arrive $0xFFFF;
	s2 =	simm.s32 @!p0 $0x1C02  }
0x29: {  	[timem:s3], [sflag:s2] =	dma.local @!p0 [hbm:s0], s1  }
0x2a: {  	s0 =	simm.s32 @!p0 $0x2  }
0x2b: {  	_ =	swait.ge @!p0 [sflag:s0], s1  }
0x2c: {  	s1 =	ssub.s32 @!p0 $0x0, s1;
	[sflag:s0] =	ssyncset.done @!p0 $0x0  }
0x2d: {  	[sflag:s0] =	ssyncadd.s32 @!p0 s1  }
0x2e: {  	[bflag:$0x3] =	sbarrier.arrive $0xFFFF  }
0x2f: {  	_ =	shalt  }

</sc_bundles>
